<compile_context>
chip_gen: v7x
topology: tpu7x:2x2x1
jax: 0.10.2.dev20260603
libtpu: 0.0.44.dev20260713+nightly
codegen_flags: <defaults>
</compile_context>

<pallas_src>
import jax
import jax.numpy as jnp
from jax import lax
from jax.experimental import pallas as pl
from jax.experimental.pallas import tpu as pltpu
from jax.experimental.pallas import tpu_sc as plsc

N_NODES = 10000
N_EDGES = 160000
NPAD = 10240
EPAD = 163840
CHUNK = 128
CHUNKS_PER_TILE = 80
GROUP = 8
N_GROUPS = CHUNKS_PER_TILE // GROUP
ROWS = EPAD // CHUNK
STRIPE = NPAD // 16
ZCHUNKS = STRIPE // CHUNK
HALF = 128

_MESH = plsc.VectorSubcoreMesh(core_axis_name="c", subcore_axis_name="s")


def _agg_body(comb, xcat, zrow, sums_hbm, acc, eidx, stage, sem0, sem1, sem2):
  c = lax.axis_index("c")
  s = lax.axis_index("s")

  pltpu.sync_copy(zrow, stage.at[0])

  @pl.loop(0, ZCHUNKS)
  def _(k):
    pltpu.sync_copy(stage.at[0], acc.at[pl.ds(s * STRIPE + k * CHUNK, CHUNK)])

  plsc.subcore_barrier()

  base = c * (2 * ROWS) + s * (2 * CHUNKS_PER_TILE)
  gsems = (sem0, sem1)
  HC = CHUNK // 2

  def load_group(gb, g):
    pltpu.async_copy(comb.at[pl.ds(base + g * 4, 4)], eidx.at[gb], sem2)

  def wait_group(gb):
    pltpu.make_async_copy(comb.at[pl.ds(base, 4)], eidx.at[gb], sem2).wait()

  def gather(gb, k, buf):
    pltpu.async_copy(xcat.at[eidx.at[gb, 2 * k, pl.ds(0, HC)]],
                     stage.at[buf, pl.ds(0, HC)], gsems[buf])
    pltpu.async_copy(xcat.at[eidx.at[gb, 2 * k, pl.ds(HC, HC)]],
                     stage.at[buf, pl.ds(HC, HC)], gsems[buf])

  def wait_gather(buf):
    pltpu.make_async_copy(xcat.at[eidx.at[0, 0]], stage.at[buf],
                          gsems[buf]).wait()

  def scatter(gb, k, buf):
    pltpu.sync_copy(stage.at[buf], acc.at[eidx.at[gb, 2 * k + 1]], add=True)

  pltpu.sync_copy(comb.at[pl.ds(base, 4)], eidx.at[0])
  gather(0, 0, 0)

  @pl.loop(0, CHUNKS_PER_TILE // 4)
  def _(j4):
    load_group(1, 2 * j4 + 1)
    gather(0, 1, 1)
    wait_gather(0)
    scatter(0, 0, 0)
    wait_group(1)
    gather(1, 0, 0)
    wait_gather(1)
    scatter(0, 1, 1)
    load_group(0, 2 * j4 + 2)
    gather(1, 1, 1)
    wait_gather(0)
    scatter(1, 0, 0)
    wait_group(0)
    gather(0, 0, 0)
    wait_gather(1)
    scatter(1, 1, 1)

  wait_gather(0)
  plsc.subcore_barrier()
  out0 = c * NPAD + s * STRIPE

  @pl.loop(0, ZCHUNKS)
  def _(k):
    pltpu.sync_copy(acc.at[pl.ds(s * STRIPE + k * CHUNK, CHUNK)], stage.at[0])
    pltpu.sync_copy(stage.at[0], sums_hbm.at[pl.ds(out0 + k * CHUNK, CHUNK)])


_agg = pl.kernel(
    _agg_body,
    out_type=[jax.ShapeDtypeStruct((2 * NPAD, HALF), jnp.float32)],
    mesh=_MESH,
    scratch_types=[
        pltpu.VMEM_SHARED((NPAD, HALF), jnp.float32),
        pltpu.VMEM((2, 4, CHUNK), jnp.int32),
        pltpu.VMEM((2, CHUNK, HALF), jnp.float32),
        pltpu.SemaphoreType.DMA,
        pltpu.SemaphoreType.DMA,
        pltpu.SemaphoreType.DMA,
    ],
    name="sc_edge_agg",
)


def _cnt_body(dst, zrow, ones, cnt_hbm, cacc, didx, buf):
  c = lax.axis_index("c")
  s = lax.axis_index("s")

  pltpu.sync_copy(zrow, buf)

  @pl.loop(0, ZCHUNKS)
  def _(k):
    pltpu.sync_copy(buf, cacc.at[pl.ds(s * STRIPE + k * CHUNK, CHUNK)])

  pltpu.sync_copy(ones, buf)
  plsc.subcore_barrier()

  dst0 = s * CHUNKS_PER_TILE

  @pl.loop(0, N_GROUPS)
  def _(g):
    pltpu.sync_copy(dst.at[pl.ds(dst0 + g * GROUP, GROUP)], didx)

    @pl.loop(0, GROUP)
    def _(j):
      pltpu.sync_copy(buf, cacc.at[didx.at[j]], add=True)

  plsc.subcore_barrier()
  out0 = c * NPAD + s * STRIPE

  @pl.loop(0, ZCHUNKS)
  def _(k):
    pltpu.sync_copy(cacc.at[pl.ds(s * STRIPE + k * CHUNK, CHUNK)], buf)
    pltpu.sync_copy(buf, cnt_hbm.at[pl.ds(out0 + k * CHUNK, CHUNK)])


_cnt = pl.kernel(
    _cnt_body,
    out_type=[jax.ShapeDtypeStruct((2 * NPAD, HALF), jnp.float32)],
    mesh=_MESH,
    scratch_types=[
        pltpu.VMEM_SHARED((NPAD, HALF), jnp.float32),
        pltpu.VMEM((GROUP, CHUNK), jnp.int32),
        pltpu.VMEM((CHUNK, HALF), jnp.float32),
    ],
    name="sc_edge_cnt",
)


def _mm_body(sums, cnt, x, w0l, w0r, b0, w1l, w1r, p_out, q_out):
  inv = 1.0 / jnp.maximum(cnt[:, :1], 1.0)
  agg = jnp.concatenate([sums[0], sums[1]], axis=1) * inv
  h = agg @ w0l[...] + x[...] @ w0r[...] + b0[...]
  h = jnp.maximum(h, 0.0)
  p = h @ w1l[...]
  q = h @ w1r[...]
  p_out[...] = jnp.stack([p[:, :HALF], p[:, HALF:]])
  q_out[...] = q


def _combine_body(sums, cnt, q, b1, out):
  inv = 1.0 / jnp.maximum(cnt[:, :1], 1.0)
  agg = jnp.concatenate([sums[0], sums[1]], axis=1) * inv
  out[...] = agg + q[...] + b1[...]


_MB = 256
_GRID = NPAD // _MB


def _tc_matmuls(sums, cnt, x, w0lT, w0rT, b0, w1lT, w1rT):
  return pl.pallas_call(
      _mm_body,
      grid=(_GRID,),
      in_specs=[
          pl.BlockSpec((2, _MB, HALF), lambda m: (0, m, 0)),
          pl.BlockSpec((_MB, HALF), lambda m: (m, 0)),
          pl.BlockSpec((_MB, 256), lambda m: (m, 0)),
          pl.BlockSpec((256, 512), lambda m: (0, 0)),
          pl.BlockSpec((256, 512), lambda m: (0, 0)),
          pl.BlockSpec((1, 512), lambda m: (0, 0)),
          pl.BlockSpec((512, 256), lambda m: (0, 0)),
          pl.BlockSpec((512, 256), lambda m: (0, 0)),
      ],
      out_specs=[
          pl.BlockSpec((2, _MB, HALF), lambda m: (0, m, 0)),
          pl.BlockSpec((_MB, 256), lambda m: (m, 0)),
      ],
      out_shape=[
          jax.ShapeDtypeStruct((2, NPAD, HALF), jnp.float32),
          jax.ShapeDtypeStruct((NPAD, 256), jnp.float32),
      ],
      name="tc_sage_matmuls",
  )(sums, cnt, x, w0lT, w0rT, b0, w1lT, w1rT)


def _tc_combine(sums, cnt, q, b1):
  return pl.pallas_call(
      _combine_body,
      grid=(_GRID,),
      in_specs=[
          pl.BlockSpec((2, _MB, HALF), lambda m: (0, m, 0)),
          pl.BlockSpec((_MB, HALF), lambda m: (m, 0)),
          pl.BlockSpec((_MB, 256), lambda m: (m, 0)),
          pl.BlockSpec((1, 256), lambda m: (0, 0)),
      ],
      out_specs=pl.BlockSpec((_MB, 256), lambda m: (m, 0)),
      out_shape=jax.ShapeDtypeStruct((NPAD, 256), jnp.float32),
      name="tc_sage_combine",
  )(sums, cnt, q, b1)


def kernel(x, edge_index, W0_l, b0_l, W0_r, W1_l, b1_l, W1_r):
  f32 = jnp.float32
  src = edge_index[0].astype(jnp.int32)
  dst = edge_index[1].astype(jnp.int32)
  npad_e = EPAD - N_EDGES
  src = jnp.concatenate([src, jnp.zeros((npad_e,), jnp.int32)]).reshape(-1, CHUNK)
  dst = jnp.concatenate(
      [dst, jnp.full((npad_e,), NPAD - 1, jnp.int32)]).reshape(-1, CHUNK)
  comb = jnp.concatenate([
      jnp.stack([src, dst], axis=1).reshape(-1, CHUNK),
      jnp.stack([src + NPAD, dst], axis=1).reshape(-1, CHUNK),
      jnp.zeros((8, CHUNK), jnp.int32),
  ], axis=0)

  xp = jnp.pad(x.astype(f32), ((0, NPAD - N_NODES), (0, 0)))
  xcat = jnp.concatenate([xp[:, :HALF], xp[:, HALF:]], axis=0)

  zrow = jnp.zeros((CHUNK, HALF), f32)
  ones = jnp.ones((CHUNK, HALF), f32)

  cnt = _cnt(dst, zrow, ones)[0][:NPAD]
  sums0 = _agg(comb, xcat, zrow)[0].reshape(2, NPAD, HALF)

  p, q = _tc_matmuls(
      sums0, cnt, xp,
      W0_l.T.astype(f32), W0_r.T.astype(f32), b0_l.reshape(1, -1).astype(f32),
      W1_l.T.astype(f32), W1_r.T.astype(f32))

  pcat = p.reshape(2 * NPAD, HALF)
  sums1 = _agg(comb, pcat, zrow)[0].reshape(2, NPAD, HALF)

  out = _tc_combine(sums1, cnt, q, b1_l.reshape(1, -1).astype(f32))
  return out[:N_NODES]

# --- scband reference (transcript-rebuilt; emitter-appended) ---
"""Pipeline reference for scband-gnn-4131758539238 (READ-ONLY COPY).

The authoritative reference and input builder live on the scoring server;
editing this copy changes nothing except your own understanding.
"""

import jax, jax.numpy as jnp
import numpy as np

N_NODES = 10000
N_EDGES = 160000
D_IN = 256
D_HID = 512
D_OUT = 256


def setup_inputs(seed: int = 0) -> dict:
    key = jax.random.key(seed)
    ks = jax.random.split(key, 10)
    x = jax.random.normal(ks[0], (N_NODES, D_IN), dtype=jnp.float32)
    edge_index = jax.random.randint(ks[1], (2, N_EDGES), 0, N_NODES, dtype=jnp.int64)
    # SAGEConv layer 0: 256 -> 512 (lin_l on aggregated neighbors, with bias; lin_r on root, no bias)
    s0 = 1.0 / np.sqrt(D_IN)
    W0_l = jax.random.uniform(ks[2], (D_HID, D_IN), minval=-s0, maxval=s0, dtype=jnp.float32)
    b0_l = jax.random.uniform(ks[3], (D_HID,), minval=-s0, maxval=s0, dtype=jnp.float32)
    W0_r = jax.random.uniform(ks[4], (D_HID, D_IN), minval=-s0, maxval=s0, dtype=jnp.float32)
    # SAGEConv layer 1: 512 -> 256
    s1 = 1.0 / np.sqrt(D_HID)
    W1_l = jax.random.uniform(ks[5], (D_OUT, D_HID), minval=-s1, maxval=s1, dtype=jnp.float32)
    b1_l = jax.random.uniform(ks[6], (D_OUT,), minval=-s1, maxval=s1, dtype=jnp.float32)
    W1_r = jax.random.uniform(ks[7], (D_OUT, D_HID), minval=-s1, maxval=s1, dtype=jnp.float32)
    return {"x": x, "edge_index": edge_index,
            "W0_l": W0_l, "b0_l": b0_l, "W0_r": W0_r,
            "W1_l": W1_l, "b1_l": b1_l, "W1_r": W1_r}


def _sage_conv(h, edge_index, W_l, b_l, W_r):
    # PyG SAGEConv with aggr='mean': out = lin_l(mean_{j in N(i)} x_j) + lin_r(x_i)
    src = edge_index[0]
    dst = edge_index[1]
    n = h.shape[0]
    msg = jnp.take(h, src, axis=0)                      # gather source-node features
    agg = jax.ops.segment_sum(msg, dst, num_segments=n)  # scatter-add by destination
    cnt = jax.ops.segment_sum(jnp.ones((msg.shape[0],), dtype=h.dtype), dst, num_segments=n)
    agg = agg / jnp.maximum(cnt, 1.0)[:, None]           # mean aggregation
    return agg @ W_l.T + b_l + h @ W_r.T


def reference(x, edge_index, W0_l, b0_l, W0_r, W1_l, b1_l, W1_r):
    # Layer 0 + ReLU (dropout p=0.0 is identity)
    h = _sage_conv(x, edge_index, W0_l, b0_l, W0_r)
    h = jax.nn.relu(h)
    # Last layer, last_layer='linear' -> raw output
    out = _sage_conv(h, edge_index, W1_l, b1_l, W1_r)
    return out

if __name__ == "__main__":
    import jax
    _d = setup_inputs()
    print(jax.jit(kernel)(*tuple(_d.values())))

</pallas_src>

<mosaic_0001>
#map = affine_map<(d0, d1) -> (0, 0)>
module attributes {stable_mosaic.version = 14 : i64} {
  func.func @sc_edge_agg(%arg0: i32, %arg1: i32, %arg2: memref<5128x128xi32, #tpu.memory_space<hbm>>, %arg3: memref<20480x128xf32, #tpu.memory_space<hbm>>, %arg4: memref<128x128xf32, #tpu.memory_space<hbm>>, %arg5: memref<20480x128xf32, #tpu.memory_space<hbm>>, %arg6: memref<10240x128xf32, #tpu.memory_space<vmem_shared>>, %arg7: memref<2x4x128xi32, #tpu.memory_space<vmem>>, %arg8: memref<2x128x128xf32, #tpu.memory_space<vmem>>, %arg9: memref<!tpu.dma_semaphore, #tpu.memory_space<semaphore_mem>>, %arg10: memref<!tpu.dma_semaphore, #tpu.memory_space<semaphore_mem>>, %arg11: memref<!tpu.dma_semaphore, #tpu.memory_space<semaphore_mem>>) attributes {dimension_semantics = [#tpu.dimension_semantics<core_parallel>, #tpu.dimension_semantics<subcore_parallel>], iteration_bounds = array<i64: 2, 16>, scalar_prefetch = 0 : i64, scratch_operands = 6 : i64, tpu.core_type = #tpu.core_type<sc_vector_subcore>, window_params = [{transform_indices = #map}, {transform_indices = #map}, {transform_indices = #map}, {transform_indices = #map}]} {
    %run_scoped3A = arith.constant 0 : i32
    "tpu.region"() ({
      %run_scoped3A_61 = tpu.sem_alloc : memref<!tpu.dma_semaphore, #tpu.memory_space<semaphore_mem>>
      %dma_start3A_62 = arith.constant 0 : i32
      %dma_start3A_63 = arith.constant 0 : i32
      %dma_start3A_64 = tpu.memref_slice %arg8[%run_scoped3A, %dma_start3A_62, %dma_start3A_63] : memref<2x128x128xf32, #tpu.memory_space<vmem>> -> memref<1x128x128xf32, #tpu.memory_space<vmem>>
      %dma_start3A_65 = tpu.memref_squeeze %dma_start3A_64 : memref<1x128x128xf32, #tpu.memory_space<vmem>> -> memref<128x128xf32, #tpu.memory_space<vmem>>
      %dma_start3A_66 = arith.constant 0 : i32
      %dma_start3A_67 = arith.constant 0 : i32
      %dma_start3A_68 = tpu.memref_slice %arg8[%run_scoped3A, %dma_start3A_66, %dma_start3A_67] : memref<2x128x128xf32, #tpu.memory_space<vmem>> -> memref<1x128x128xf32, #tpu.memory_space<vmem>>
      %dma_start3A_69 = tpu.memref_squeeze %dma_start3A_68 : memref<1x128x128xf32, #tpu.memory_space<vmem>> -> memref<128x128xf32, #tpu.memory_space<vmem>>
      tpu.enqueue_dma source(%arg4 : memref<128x128xf32, #tpu.memory_space<hbm>>) target(%dma_start3A_69 : memref<128x128xf32, #tpu.memory_space<vmem>>) target_semaphore(%run_scoped3A_61 : memref<!tpu.dma_semaphore, #tpu.memory_space<semaphore_mem>>)
      %dma_wait3A_70 = arith.constant 0 : i32
      %dma_wait3A_71 = arith.constant 0 : i32
      %dma_wait3A_72 = tpu.memref_slice %arg8[%run_scoped3A, %dma_wait3A_70, %dma_wait3A_71] : memref<2x128x128xf32, #tpu.memory_space<vmem>> -> memref<1x128x128xf32, #tpu.memory_space<vmem>>
      %dma_wait3A_73 = tpu.memref_squeeze %dma_wait3A_72 : memref<1x128x128xf32, #tpu.memory_space<vmem>> -> memref<128x128xf32, #tpu.memory_space<vmem>>
      %dma_wait3A_74 = arith.constant 0 : i32
      %dma_wait3A_75 = arith.constant 0 : i32
      %dma_wait3A_76 = tpu.memref_slice %arg8[%run_scoped3A, %dma_wait3A_74, %dma_wait3A_75] : memref<2x128x128xf32, #tpu.memory_space<vmem>> -> memref<1x128x128xf32, #tpu.memory_space<vmem>>
      %dma_wait3A_77 = tpu.memref_squeeze %dma_wait3A_76 : memref<1x128x128xf32, #tpu.memory_space<vmem>> -> memref<128x128xf32, #tpu.memory_space<vmem>>
      tpu.wait_dma2 semaphore(%run_scoped3A_61 : memref<!tpu.dma_semaphore, #tpu.memory_space<semaphore_mem>>) src(%arg4 : memref<128x128xf32, #tpu.memory_space<hbm>>) dst(%dma_wait3A_77 : memref<128x128xf32, #tpu.memory_space<vmem>>)
      tpu.yield
    }) : () -> ()
    %scan3A = arith.constant 0 : i32
    %scan3A_0 = arith.constant 5 : i32
    %scan3A_1 = arith.addi %scan3A, %scan3A_0 : i32
    %scan3A_2 = arith.constant 1 : i32
    scf.for %scan3A_61 = %scan3A to %scan3A_1 step %scan3A_2  : i32 {
      %mul3A_62 = arith.constant 1 : i32
      %mul3A_63 = arith.muli %scan3A_61, %mul3A_62 : i32
      %add3A_64 = arith.constant 0 : i32
      %add3A_65 = arith.addi %add3A_64, %mul3A_63 : i32
      %mul3A_66 = arith.constant 640 : i32
      %mul3A_67 = arith.muli %arg1, %mul3A_66 : i32
      %mul3A_68 = arith.constant 128 : i32
      %mul3A_69 = arith.muli %add3A_65, %mul3A_68 : i32
      %add3A_70 = arith.addi %mul3A_67, %mul3A_69 : i32
      %run_scoped3A_71 = arith.constant 0 : i32
      "tpu.region"() ({
        %run_scoped3A_72 = tpu.sem_alloc : memref<!tpu.dma_semaphore, #tpu.memory_space<semaphore_mem>>
        %dma_start3A_73 = arith.constant 0 : i32
        %dma_start3A_74 = arith.constant 0 : i32
        %dma_start3A_75 = tpu.memref_slice %arg8[%run_scoped3A_71, %dma_start3A_73, %dma_start3A_74] : memref<2x128x128xf32, #tpu.memory_space<vmem>> -> memref<1x128x128xf32, #tpu.memory_space<vmem>>
        %dma_start3A_76 = tpu.memref_squeeze %dma_start3A_75 : memref<1x128x128xf32, #tpu.memory_space<vmem>> -> memref<128x128xf32, #tpu.memory_space<vmem>>
        %dma_start3A_77 = arith.constant 0 : i32
        %dma_start3A_78 = tpu.memref_slice %arg6[%add3A_70, %dma_start3A_77] : memref<10240x128xf32, #tpu.memory_space<vmem_shared>> -> memref<128x128xf32, #tpu.memory_space<vmem_shared>>
        %dma_start3A_79 = arith.constant 0 : i32
        %dma_start3A_80 = tpu.memref_slice %arg6[%add3A_70, %dma_start3A_79] : memref<10240x128xf32, #tpu.memory_space<vmem_shared>> -> memref<128x128xf32, #tpu.memory_space<vmem_shared>>
        %dma_start3A_81 = arith.constant 0 : i32
        %dma_start3A_82 = arith.constant 0 : i32
        %dma_start3A_83 = tpu.memref_slice %arg8[%run_scoped3A_71, %dma_start3A_81, %dma_start3A_82] : memref<2x128x128xf32, #tpu.memory_space<vmem>> -> memref<1x128x128xf32, #tpu.memory_space<vmem>>
        %dma_start3A_84 = tpu.memref_squeeze %dma_start3A_83 : memref<1x128x128xf32, #tpu.memory_space<vmem>> -> memref<128x128xf32, #tpu.memory_space<vmem>>
        tpu.enqueue_dma source(%dma_start3A_84 : memref<128x128xf32, #tpu.memory_space<vmem>>) target(%dma_start3A_80 : memref<128x128xf32, #tpu.memory_space<vmem_shared>>) target_semaphore(%run_scoped3A_72 : memref<!tpu.dma_semaphore, #tpu.memory_space<semaphore_mem>>)
        %dma_wait3A_85 = arith.constant 0 : i32
        %dma_wait3A_86 = arith.constant 0 : i32
        %dma_wait3A_87 = tpu.memref_slice %arg8[%run_scoped3A_71, %dma_wait3A_85, %dma_wait3A_86] : memref<2x128x128xf32, #tpu.memory_space<vmem>> -> memref<1x128x128xf32, #tpu.memory_space<vmem>>
        %dma_wait3A_88 = tpu.memref_squeeze %dma_wait3A_87 : memref<1x128x128xf32, #tpu.memory_space<vmem>> -> memref<128x128xf32, #tpu.memory_space<vmem>>
        %dma_wait3A_89 = arith.constant 0 : i32
        %dma_wait3A_90 = tpu.memref_slice %arg6[%add3A_70, %dma_wait3A_89] : memref<10240x128xf32, #tpu.memory_space<vmem_shared>> -> memref<128x128xf32, #tpu.memory_space<vmem_shared>>
        %dma_wait3A_91 = arith.constant 0 : i32
        %dma_wait3A_92 = tpu.memref_slice %arg6[%add3A_70, %dma_wait3A_91] : memref<10240x128xf32, #tpu.memory_space<vmem_shared>> -> memref<128x128xf32, #tpu.memory_space<vmem_shared>>
        %dma_wait3A_93 = arith.constant 0 : i32
        %dma_wait3A_94 = arith.constant 0 : i32
        %dma_wait3A_95 = tpu.memref_slice %arg8[%run_scoped3A_71, %dma_wait3A_93, %dma_wait3A_94] : memref<2x128x128xf32, #tpu.memory_space<vmem>> -> memref<1x128x128xf32, #tpu.memory_space<vmem>>
        %dma_wait3A_96 = tpu.memref_squeeze %dma_wait3A_95 : memref<1x128x128xf32, #tpu.memory_space<vmem>> -> memref<128x128xf32, #tpu.memory_space<vmem>>
        tpu.wait_dma2 semaphore(%run_scoped3A_72 : memref<!tpu.dma_semaphore, #tpu.memory_space<semaphore_mem>>) src(%dma_wait3A_96 : memref<128x128xf32, #tpu.memory_space<vmem>>) dst(%dma_wait3A_92 : memref<128x128xf32, #tpu.memory_space<vmem_shared>>)
        tpu.yield
      }) : () -> ()
    }
    %scan3A_3 = arith.constant 5 : i32
    %barrier3A = arith.constant 0 : index
    tpu.barrier barrier_id(%barrier3A)
    %mul3A = arith.constant 2560 : i32
    %mul3A_4 = arith.muli %arg0, %mul3A : i32
    %mul3A_5 = arith.constant 160 : i32
    %mul3A_6 = arith.muli %arg1, %mul3A_5 : i32
    %add3A = arith.addi %mul3A_4, %mul3A_6 : i32
    %run_scoped3A_7 = arith.constant 0 : i32
    "tpu.region"() ({
      %run_scoped3A_61 = tpu.sem_alloc : memref<!tpu.dma_semaphore, #tpu.memory_space<semaphore_mem>>
      %dma_start3A_62 = arith.constant 0 : i32
      %dma_start3A_63 = arith.constant 0 : i32
      %dma_start3A_64 = tpu.memref_slice %arg7[%run_scoped3A_7, %dma_start3A_62, %dma_start3A_63] : memref<2x4x128xi32, #tpu.memory_space<vmem>> -> memref<1x4x128xi32, #tpu.memory_space<vmem>>
      %dma_start3A_65 = tpu.memref_squeeze %dma_start3A_64 : memref<1x4x128xi32, #tpu.memory_space<vmem>> -> memref<4x128xi32, #tpu.memory_space<vmem>>
      %dma_start3A_66 = arith.constant 0 : i32
      %dma_start3A_67 = tpu.memref_slice %arg2[%add3A, %dma_start3A_66] : memref<5128x128xi32, #tpu.memory_space<hbm>> -> memref<4x128xi32, #tpu.memory_space<hbm>>
      %dma_start3A_68 = arith.constant 0 : i32
      %dma_start3A_69 = arith.constant 0 : i32
      %dma_start3A_70 = tpu.memref_slice %arg7[%run_scoped3A_7, %dma_start3A_68, %dma_start3A_69] : memref<2x4x128xi32, #tpu.memory_space<vmem>> -> memref<1x4x128xi32, #tpu.memory_space<vmem>>
      %dma_start3A_71 = tpu.memref_squeeze %dma_start3A_70 : memref<1x4x128xi32, #tpu.memory_space<vmem>> -> memref<4x128xi32, #tpu.memory_space<vmem>>
      %dma_start3A_72 = arith.constant 0 : i32
      %dma_start3A_73 = tpu.memref_slice %arg2[%add3A, %dma_start3A_72] : memref<5128x128xi32, #tpu.memory_space<hbm>> -> memref<4x128xi32, #tpu.memory_space<hbm>>
      tpu.enqueue_dma source(%dma_start3A_73 : memref<4x128xi32, #tpu.memory_space<hbm>>) target(%dma_start3A_71 : memref<4x128xi32, #tpu.memory_space<vmem>>) target_semaphore(%run_scoped3A_61 : memref<!tpu.dma_semaphore, #tpu.memory_space<semaphore_mem>>)
      %dma_wait3A_74 = arith.constant 0 : i32
      %dma_wait3A_75 = arith.constant 0 : i32
      %dma_wait3A_76 = tpu.memref_slice %arg7[%run_scoped3A_7, %dma_wait3A_74, %dma_wait3A_75] : memref<2x4x128xi32, #tpu.memory_space<vmem>> -> memref<1x4x128xi32, #tpu.memory_space<vmem>>
      %dma_wait3A_77 = tpu.memref_squeeze %dma_wait3A_76 : memref<1x4x128xi32, #tpu.memory_space<vmem>> -> memref<4x128xi32, #tpu.memory_space<vmem>>
      %dma_wait3A_78 = arith.constant 0 : i32
      %dma_wait3A_79 = tpu.memref_slice %arg2[%add3A, %dma_wait3A_78] : memref<5128x128xi32, #tpu.memory_space<hbm>> -> memref<4x128xi32, #tpu.memory_space<hbm>>
      %dma_wait3A_80 = arith.constant 0 : i32
      %dma_wait3A_81 = arith.constant 0 : i32
      %dma_wait3A_82 = tpu.memref_slice %arg7[%run_scoped3A_7, %dma_wait3A_80, %dma_wait3A_81] : memref<2x4x128xi32, #tpu.memory_space<vmem>> -> memref<1x4x128xi32, #tpu.memory_space<vmem>>
      %dma_wait3A_83 = tpu.memref_squeeze %dma_wait3A_82 : memref<1x4x128xi32, #tpu.memory_space<vmem>> -> memref<4x128xi32, #tpu.memory_space<vmem>>
      %dma_wait3A_84 = arith.constant 0 : i32
      %dma_wait3A_85 = tpu.memref_slice %arg2[%add3A, %dma_wait3A_84] : memref<5128x128xi32, #tpu.memory_space<hbm>> -> memref<4x128xi32, #tpu.memory_space<hbm>>
      tpu.wait_dma2 semaphore(%run_scoped3A_61 : memref<!tpu.dma_semaphore, #tpu.memory_space<semaphore_mem>>) src(%dma_wait3A_85 : memref<4x128xi32, #tpu.memory_space<hbm>>) dst(%dma_wait3A_83 : memref<4x128xi32, #tpu.memory_space<vmem>>)
      tpu.yield
    }) : () -> ()
    %dma_start3A = arith.constant 0 : i32
    %dma_start3A_8 = arith.constant 0 : i32
    %dma_start3A_9 = arith.constant 0 : i32
    %dma_start3A_10 = arith.constant 0 : i32
    %dma_start3A_11 = arith.constant 0 : i32
    %dma_start3A_12 = tpu.memref_slice %arg8[%dma_start3A_9, %dma_start3A_10, %dma_start3A_11] : memref<2x128x128xf32, #tpu.memory_space<vmem>> -> memref<1x64x128xf32, #tpu.memory_space<vmem>>
    %dma_start3A_13 = tpu.memref_squeeze %dma_start3A_12 : memref<1x64x128xf32, #tpu.memory_space<vmem>> -> memref<64x128xf32, #tpu.memory_space<vmem>>
    %dma_start3A_14 = arith.constant 0 : i32
    %dma_start3A_15 = tpu.memref_slice %arg7[%dma_start3A, %dma_start3A_8, %dma_start3A_14] : memref<2x4x128xi32, #tpu.memory_space<vmem>> -> memref<1x1x64xi32, #tpu.memory_space<vmem>>
    %dma_start3A_16 = tpu.memref_squeeze %dma_start3A_15 : memref<1x1x64xi32, #tpu.memory_space<vmem>> -> memref<64xi32, #tpu.memory_space<vmem>>
    %dma_start3A_17 = arith.constant 0 : i32
    %dma_start3A_18 = arith.constant 0 : i32
    %dma_start3A_19 = tpu.memref_slice %arg3[%dma_start3A_17, %dma_start3A_18] : memref<20480x128xf32, #tpu.memory_space<hbm>> -> memref<20480x128xf32, #tpu.memory_space<hbm>>
    tpu.enqueue_indirect_dma source(%dma_start3A_19 : memref<20480x128xf32, #tpu.memory_space<hbm>>) target(%dma_start3A_13 : memref<64x128xf32, #tpu.memory_space<vmem>>) offsets(%dma_start3A_16 : memref<64xi32, #tpu.memory_space<vmem>>) semaphore(%arg9 : memref<!tpu.dma_semaphore, #tpu.memory_space<semaphore_mem>>)
    %dma_start3A_20 = arith.constant 0 : i32
    %dma_start3A_21 = arith.constant 0 : i32
    %dma_start3A_22 = arith.constant 0 : i32
    %dma_start3A_23 = arith.constant 64 : i32
    %dma_start3A_24 = arith.constant 0 : i32
    %dma_start3A_25 = tpu.memref_slice %arg8[%dma_start3A_22, %dma_start3A_23, %dma_start3A_24] : memref<2x128x128xf32, #tpu.memory_space<vmem>> -> memref<1x64x128xf32, #tpu.memory_space<vmem>>
    %dma_start3A_26 = tpu.memref_squeeze %dma_start3A_25 : memref<1x64x128xf32, #tpu.memory_space<vmem>> -> memref<64x128xf32, #tpu.memory_space<vmem>>
    %dma_start3A_27 = arith.constant 64 : i32
    %dma_start3A_28 = tpu.memref_slice %arg7[%dma_start3A_20, %dma_start3A_21, %dma_start3A_27] : memref<2x4x128xi32, #tpu.memory_space<vmem>> -> memref<1x1x64xi32, #tpu.memory_space<vmem>>
    %dma_start3A_29 = tpu.memref_squeeze %dma_start3A_28 : memref<1x1x64xi32, #tpu.memory_space<vmem>> -> memref<64xi32, #tpu.memory_space<vmem>>
    %dma_start3A_30 = arith.constant 0 : i32
    %dma_start3A_31 = arith.constant 0 : i32
    %dma_start3A_32 = tpu.memref_slice %arg3[%dma_start3A_30, %dma_start3A_31] : memref<20480x128xf32, #tpu.memory_space<hbm>> -> memref<20480x128xf32, #tpu.memory_space<hbm>>
    tpu.enqueue_indirect_dma source(%dma_start3A_32 : memref<20480x128xf32, #tpu.memory_space<hbm>>) target(%dma_start3A_26 : memref<64x128xf32, #tpu.memory_space<vmem>>) offsets(%dma_start3A_29 : memref<64xi32, #tpu.memory_space<vmem>>) semaphore(%arg9 : memref<!tpu.dma_semaphore, #tpu.memory_space<semaphore_mem>>)
    %scan3A_33 = arith.constant 0 : i32
    %scan3A_34 = arith.constant 20 : i32
    %scan3A_35 = arith.addi %scan3A_33, %scan3A_34 : i32
    %scan3A_36 = arith.constant 1 : i32
    scf.for %scan3A_61 = %scan3A_33 to %scan3A_35 step %scan3A_36  : i32 {
      %mul3A_62 = arith.constant 1 : i32
      %mul3A_63 = arith.muli %scan3A_61, %mul3A_62 : i32
      %add3A_64 = arith.constant 0 : i32
      %add3A_65 = arith.addi %add3A_64, %mul3A_63 : i32
      %mul3A_66 = arith.constant 2 : i32
      %mul3A_67 = arith.muli %mul3A_66, %add3A_65 : i32
      %add3A_68 = arith.constant 1 : i32
      %add3A_69 = arith.addi %mul3A_67, %add3A_68 : i32
      %mul3A_70 = arith.constant 4 : i32
      %mul3A_71 = arith.muli %add3A_69, %mul3A_70 : i32
      %add3A_72 = arith.addi %add3A, %mul3A_71 : i32
      %dma_start3A_73 = arith.constant 1 : i32
      %dma_start3A_74 = arith.constant 0 : i32
      %dma_start3A_75 = arith.constant 0 : i32
      %dma_start3A_76 = tpu.memref_slice %arg7[%dma_start3A_73, %dma_start3A_74, %dma_start3A_75] : memref<2x4x128xi32, #tpu.memory_space<vmem>> -> memref<1x4x128xi32, #tpu.memory_space<vmem>>
      %dma_start3A_77 = tpu.memref_squeeze %dma_start3A_76 : memref<1x4x128xi32, #tpu.memory_space<vmem>> -> memref<4x128xi32, #tpu.memory_space<vmem>>
      %dma_start3A_78 = arith.constant 0 : i32
      %dma_start3A_79 = tpu.memref_slice %arg2[%add3A_72, %dma_start3A_78] : memref<5128x128xi32, #tpu.memory_space<hbm>> -> memref<4x128xi32, #tpu.memory_space<hbm>>
      %dma_start3A_80 = arith.constant 0 : i32
      %dma_start3A_81 = arith.constant 0 : i32
      %dma_start3A_82 = tpu.memref_slice %arg7[%dma_start3A_73, %dma_start3A_80, %dma_start3A_81] : memref<2x4x128xi32, #tpu.memory_space<vmem>> -> memref<1x4x128xi32, #tpu.memory_space<vmem>>
      %dma_start3A_83 = tpu.memref_squeeze %dma_start3A_82 : memref<1x4x128xi32, #tpu.memory_space<vmem>> -> memref<4x128xi32, #tpu.memory_space<vmem>>
      %dma_start3A_84 = arith.constant 0 : i32
      %dma_start3A_85 = tpu.memref_slice %arg2[%add3A_72, %dma_start3A_84] : memref<5128x128xi32, #tpu.memory_space<hbm>> -> memref<4x128xi32, #tpu.memory_space<hbm>>
      tpu.enqueue_dma source(%dma_start3A_85 : memref<4x128xi32, #tpu.memory_space<hbm>>) target(%dma_start3A_83 : memref<4x128xi32, #tpu.memory_space<vmem>>) target_semaphore(%arg11 : memref<!tpu.dma_semaphore, #tpu.memory_space<semaphore_mem>>)
      %dma_start3A_86 = arith.constant 0 : i32
      %dma_start3A_87 = arith.constant 2 : i32
      %dma_start3A_88 = arith.constant 1 : i32
      %dma_start3A_89 = arith.constant 0 : i32
      %dma_start3A_90 = arith.constant 0 : i32
      %dma_start3A_91 = tpu.memref_slice %arg8[%dma_start3A_88, %dma_start3A_89, %dma_start3A_90] : memref<2x128x128xf32, #tpu.memory_space<vmem>> -> memref<1x64x128xf32, #tpu.memory_space<vmem>>
      %dma_start3A_92 = tpu.memref_squeeze %dma_start3A_91 : memref<1x64x128xf32, #tpu.memory_space<vmem>> -> memref<64x128xf32, #tpu.memory_space<vmem>>
      %dma_start3A_93 = arith.constant 0 : i32
      %dma_start3A_94 = tpu.memref_slice %arg7[%dma_start3A_86, %dma_start3A_87, %dma_start3A_93] : memref<2x4x128xi32, #tpu.memory_space<vmem>> -> memref<1x1x64xi32, #tpu.memory_space<vmem>>
      %dma_start3A_95 = tpu.memref_squeeze %dma_start3A_94 : memref<1x1x64xi32, #tpu.memory_space<vmem>> -> memref<64xi32, #tpu.memory_space<vmem>>
      %dma_start3A_96 = arith.constant 0 : i32
      %dma_start3A_97 = arith.constant 0 : i32
      %dma_start3A_98 = tpu.memref_slice %arg3[%dma_start3A_96, %dma_start3A_97] : memref<20480x128xf32, #tpu.memory_space<hbm>> -> memref<20480x128xf32, #tpu.memory_space<hbm>>
      tpu.enqueue_indirect_dma source(%dma_start3A_98 : memref<20480x128xf32, #tpu.memory_space<hbm>>) target(%dma_start3A_92 : memref<64x128xf32, #tpu.memory_space<vmem>>) offsets(%dma_start3A_95 : memref<64xi32, #tpu.memory_space<vmem>>) semaphore(%arg10 : memref<!tpu.dma_semaphore, #tpu.memory_space<semaphore_mem>>)
      %dma_start3A_99 = arith.constant 0 : i32
      %dma_start3A_100 = arith.constant 2 : i32
      %dma_start3A_101 = arith.constant 1 : i32
      %dma_start3A_102 = arith.constant 64 : i32
      %dma_start3A_103 = arith.constant 0 : i32
      %dma_start3A_104 = tpu.memref_slice %arg8[%dma_start3A_101, %dma_start3A_102, %dma_start3A_103] : memref<2x128x128xf32, #tpu.memory_space<vmem>> -> memref<1x64x128xf32, #tpu.memory_space<vmem>>
      %dma_start3A_105 = tpu.memref_squeeze %dma_start3A_104 : memref<1x64x128xf32, #tpu.memory_space<vmem>> -> memref<64x128xf32, #tpu.memory_space<vmem>>
      %dma_start3A_106 = arith.constant 64 : i32
      %dma_start3A_107 = tpu.memref_slice %arg7[%dma_start3A_99, %dma_start3A_100, %dma_start3A_106] : memref<2x4x128xi32, #tpu.memory_space<vmem>> -> memref<1x1x64xi32, #tpu.memory_space<vmem>>
      %dma_start3A_108 = tpu.memref_squeeze %dma_start3A_107 : memref<1x1x64xi32, #tpu.memory_space<vmem>> -> memref<64xi32, #tpu.memory_space<vmem>>
      %dma_start3A_109 = arith.constant 0 : i32
      %dma_start3A_110 = arith.constant 0 : i32
      %dma_start3A_111 = tpu.memref_slice %arg3[%dma_start3A_109, %dma_start3A_110] : memref<20480x128xf32, #tpu.memory_space<hbm>> -> memref<20480x128xf32, #tpu.memory_space<hbm>>
      tpu.enqueue_indirect_dma source(%dma_start3A_111 : memref<20480x128xf32, #tpu.memory_space<hbm>>) target(%dma_start3A_105 : memref<64x128xf32, #tpu.memory_space<vmem>>) offsets(%dma_start3A_108 : memref<64xi32, #tpu.memory_space<vmem>>) semaphore(%arg10 : memref<!tpu.dma_semaphore, #tpu.memory_space<semaphore_mem>>)
      %dma_wait3A_112 = arith.constant 0 : i32
      %dma_wait3A_113 = arith.constant 0 : i32
      %dma_wait3A_114 = arith.constant 0 : i32
      %dma_wait3A_115 = arith.constant 0 : i32
      %dma_wait3A_116 = arith.constant 0 : i32
      %dma_wait3A_117 = tpu.memref_slice %arg8[%dma_wait3A_114, %dma_wait3A_115, %dma_wait3A_116] : memref<2x128x128xf32, #tpu.memory_space<vmem>> -> memref<1x128x128xf32, #tpu.memory_space<vmem>>
      %dma_wait3A_118 = tpu.memref_squeeze %dma_wait3A_117 : memref<1x128x128xf32, #tpu.memory_space<vmem>> -> memref<128x128xf32, #tpu.memory_space<vmem>>
      %dma_wait3A_119 = arith.constant 0 : i32
      %dma_wait3A_120 = tpu.memref_slice %arg7[%dma_wait3A_112, %dma_wait3A_113, %dma_wait3A_119] : memref<2x4x128xi32, #tpu.memory_space<vmem>> -> memref<1x1x128xi32, #tpu.memory_space<vmem>>
      %dma_wait3A_121 = tpu.memref_squeeze %dma_wait3A_120 : memref<1x1x128xi32, #tpu.memory_space<vmem>> -> memref<128xi32, #tpu.memory_space<vmem>>
      %dma_wait3A_122 = arith.constant 0 : i32
      %dma_wait3A_123 = arith.constant 0 : i32
      %dma_wait3A_124 = tpu.memref_slice %arg3[%dma_wait3A_122, %dma_wait3A_123] : memref<20480x128xf32, #tpu.memory_space<hbm>> -> memref<20480x128xf32, #tpu.memory_space<hbm>>
      tpu.wait_indirect_dma semaphore(%arg9 : memref<!tpu.dma_semaphore, #tpu.memory_space<semaphore_mem>>) src(%dma_wait3A_124 : memref<20480x128xf32, #tpu.memory_space<hbm>>) dst(%dma_wait3A_118 : memref<128x128xf32, #tpu.memory_space<vmem>>)
      %run_scoped3A_125 = arith.constant 0 : i32
      %run_scoped3A_126 = arith.constant 0 : i32
      %run_scoped3A_127 = arith.constant 1 : i32
      "tpu.region"() ({
        %run_scoped3A_300 = tpu.sem_alloc : memref<!tpu.dma_semaphore, #tpu.memory_space<semaphore_mem>>
        %dma_start3A_301 = arith.constant 0 : i32
        %dma_start3A_302 = arith.constant 0 : i32
        %dma_start3A_303 = tpu.memref_slice %arg8[%run_scoped3A_125, %dma_start3A_301, %dma_start3A_302] : memref<2x128x128xf32, #tpu.memory_space<vmem>> -> memref<1x128x128xf32, #tpu.memory_space<vmem>>
        %dma_start3A_304 = tpu.memref_squeeze %dma_start3A_303 : memref<1x128x128xf32, #tpu.memory_space<vmem>> -> memref<128x128xf32, #tpu.memory_space<vmem>>
        %dma_start3A_305 = arith.constant 0 : i32
        %dma_start3A_306 = tpu.memref_slice %arg7[%run_scoped3A_126, %run_scoped3A_127, %dma_start3A_305] : memref<2x4x128xi32, #tpu.memory_space<vmem>> -> memref<1x1x128xi32, #tpu.memory_space<vmem>>
        %dma_start3A_307 = tpu.memref_squeeze %dma_start3A_306 : memref<1x1x128xi32, #tpu.memory_space<vmem>> -> memref<128xi32, #tpu.memory_space<vmem>>
        %dma_start3A_308 = arith.constant 0 : i32
        %dma_start3A_309 = arith.constant 0 : i32
        %dma_start3A_310 = tpu.memref_slice %arg6[%dma_start3A_308, %dma_start3A_309] : memref<10240x128xf32, #tpu.memory_space<vmem_shared>> -> memref<10240x128xf32, #tpu.memory_space<vmem_shared>>
        tpu.enqueue_indirect_dma source(%dma_start3A_304 : memref<128x128xf32, #tpu.memory_space<vmem>>) target(%dma_start3A_310 : memref<10240x128xf32, #tpu.memory_space<vmem_shared>>) offsets(%dma_start3A_307 : memref<128xi32, #tpu.memory_space<vmem>>) semaphore(%run_scoped3A_300 : memref<!tpu.dma_semaphore, #tpu.memory_space<semaphore_mem>>) {add = true}
        %dma_wait3A_311 = arith.constant 0 : i32
        %dma_wait3A_312 = arith.constant 0 : i32
        %dma_wait3A_313 = tpu.memref_slice %arg8[%run_scoped3A_125, %dma_wait3A_311, %dma_wait3A_312] : memref<2x128x128xf32, #tpu.memory_space<vmem>> -> memref<1x128x128xf32, #tpu.memory_space<vmem>>
        %dma_wait3A_314 = tpu.memref_squeeze %dma_wait3A_313 : memref<1x128x128xf32, #tpu.memory_space<vmem>> -> memref<128x128xf32, #tpu.memory_space<vmem>>
        %dma_wait3A_315 = arith.constant 0 : i32
        %dma_wait3A_316 = tpu.memref_slice %arg7[%run_scoped3A_126, %run_scoped3A_127, %dma_wait3A_315] : memref<2x4x128xi32, #tpu.memory_space<vmem>> -> memref<1x1x128xi32, #tpu.memory_space<vmem>>
        %dma_wait3A_317 = tpu.memref_squeeze %dma_wait3A_316 : memref<1x1x128xi32, #tpu.memory_space<vmem>> -> memref<128xi32, #tpu.memory_space<vmem>>
        %dma_wait3A_318 = arith.constant 0 : i32
        %dma_wait3A_319 = arith.constant 0 : i32
        %dma_wait3A_320 = tpu.memref_slice %arg6[%dma_wait3A_318, %dma_wait3A_319] : memref<10240x128xf32, #tpu.memory_space<vmem_shared>> -> memref<10240x128xf32, #tpu.memory_space<vmem_shared>>
        tpu.wait_indirect_dma semaphore(%run_scoped3A_300 : memref<!tpu.dma_semaphore, #tpu.memory_space<semaphore_mem>>) src(%dma_wait3A_314 : memref<128x128xf32, #tpu.memory_space<vmem>>) dst(%dma_wait3A_320 : memref<10240x128xf32, #tpu.memory_space<vmem_shared>>)
        tpu.yield
      }) : () -> ()
      %dma_wait3A_128 = arith.constant 1 : i32
      %dma_wait3A_129 = arith.constant 0 : i32
      %dma_wait3A_130 = arith.constant 0 : i32
      %dma_wait3A_131 = tpu.memref_slice %arg7[%dma_wait3A_128, %dma_wait3A_129, %dma_wait3A_130] : memref<2x4x128xi32, #tpu.memory_space<vmem>> -> memref<1x4x128xi32, #tpu.memory_space<vmem>>
      %dma_wait3A_132 = tpu.memref_squeeze %dma_wait3A_131 : memref<1x4x128xi32, #tpu.memory_space<vmem>> -> memref<4x128xi32, #tpu.memory_space<vmem>>
      %dma_wait3A_133 = arith.constant 0 : i32
      %dma_wait3A_134 = tpu.memref_slice %arg2[%add3A, %dma_wait3A_133] : memref<5128x128xi32, #tpu.memory_space<hbm>> -> memref<4x128xi32, #tpu.memory_space<hbm>>
      %dma_wait3A_135 = arith.constant 0 : i32
      %dma_wait3A_136 = arith.constant 0 : i32
      %dma_wait3A_137 = tpu.memref_slice %arg7[%dma_wait3A_128, %dma_wait3A_135, %dma_wait3A_136] : memref<2x4x128xi32, #tpu.memory_space<vmem>> -> memref<1x4x128xi32, #tpu.memory_space<vmem>>
      %dma_wait3A_138 = tpu.memref_squeeze %dma_wait3A_137 : memref<1x4x128xi32, #tpu.memory_space<vmem>> -> memref<4x128xi32, #tpu.memory_space<vmem>>
      %dma_wait3A_139 = arith.constant 0 : i32
      %dma_wait3A_140 = tpu.memref_slice %arg2[%add3A, %dma_wait3A_139] : memref<5128x128xi32, #tpu.memory_space<hbm>> -> memref<4x128xi32, #tpu.memory_space<hbm>>
      tpu.wait_dma2 semaphore(%arg11 : memref<!tpu.dma_semaphore, #tpu.memory_space<semaphore_mem>>) src(%dma_wait3A_140 : memref<4x128xi32, #tpu.memory_space<hbm>>) dst(%dma_wait3A_138 : memref<4x128xi32, #tpu.memory_space<vmem>>)
      %dma_start3A_141 = arith.constant 1 : i32
      %dma_start3A_142 = arith.constant 0 : i32
      %dma_start3A_143 = arith.constant 0 : i32
      %dma_start3A_144 = arith.constant 0 : i32
      %dma_start3A_145 = arith.constant 0 : i32
      %dma_start3A_146 = tpu.memref_slice %arg8[%dma_start3A_143, %dma_start3A_144, %dma_start3A_145] : memref<2x128x128xf32, #tpu.memory_space<vmem>> -> memref<1x64x128xf32, #tpu.memory_space<vmem>>
      %dma_start3A_147 = tpu.memref_squeeze %dma_start3A_146 : memref<1x64x128xf32, #tpu.memory_space<vmem>> -> memref<64x128xf32, #tpu.memory_space<vmem>>
      %dma_start3A_148 = arith.constant 0 : i32
      %dma_start3A_149 = tpu.memref_slice %arg7[%dma_start3A_141, %dma_start3A_142, %dma_start3A_148] : memref<2x4x128xi32, #tpu.memory_space<vmem>> -> memref<1x1x64xi32, #tpu.memory_space<vmem>>
      %dma_start3A_150 = tpu.memref_squeeze %dma_start3A_149 : memref<1x1x64xi32, #tpu.memory_space<vmem>> -> memref<64xi32, #tpu.memory_space<vmem>>
      %dma_start3A_151 = arith.constant 0 : i32
      %dma_start3A_152 = arith.constant 0 : i32
      %dma_start3A_153 = tpu.memref_slice %arg3[%dma_start3A_151, %dma_start3A_152] : memref<20480x128xf32, #tpu.memory_space<hbm>> -> memref<20480x128xf32, #tpu.memory_space<hbm>>
      tpu.enqueue_indirect_dma source(%dma_start3A_153 : memref<20480x128xf32, #tpu.memory_space<hbm>>) target(%dma_start3A_147 : memref<64x128xf32, #tpu.memory_space<vmem>>) offsets(%dma_start3A_150 : memref<64xi32, #tpu.memory_space<vmem>>) semaphore(%arg9 : memref<!tpu.dma_semaphore, #tpu.memory_space<semaphore_mem>>)
      %dma_start3A_154 = arith.constant 1 : i32
      %dma_start3A_155 = arith.constant 0 : i32
      %dma_start3A_156 = arith.constant 0 : i32
      %dma_start3A_157 = arith.constant 64 : i32
      %dma_start3A_158 = arith.constant 0 : i32
      %dma_start3A_159 = tpu.memref_slice %arg8[%dma_start3A_156, %dma_start3A_157, %dma_start3A_158] : memref<2x128x128xf32, #tpu.memory_space<vmem>> -> memref<1x64x128xf32, #tpu.memory_space<vmem>>
      %dma_start3A_160 = tpu.memref_squeeze %dma_start3A_159 : memref<1x64x128xf32, #tpu.memory_space<vmem>> -> memref<64x128xf32, #tpu.memory_space<vmem>>
      %dma_start3A_161 = arith.constant 64 : i32
      %dma_start3A_162 = tpu.memref_slice %arg7[%dma_start3A_154, %dma_start3A_155, %dma_start3A_161] : memref<2x4x128xi32, #tpu.memory_space<vmem>> -> memref<1x1x64xi32, #tpu.memory_space<vmem>>
      %dma_start3A_163 = tpu.memref_squeeze %dma_start3A_162 : memref<1x1x64xi32, #tpu.memory_space<vmem>> -> memref<64xi32, #tpu.memory_space<vmem>>
      %dma_start3A_164 = arith.constant 0 : i32
      %dma_start3A_165 = arith.constant 0 : i32
      %dma_start3A_166 = tpu.memref_slice %arg3[%dma_start3A_164, %dma_start3A_165] : memref<20480x128xf32, #tpu.memory_space<hbm>> -> memref<20480x128xf32, #tpu.memory_space<hbm>>
      tpu.enqueue_indirect_dma source(%dma_start3A_166 : memref<20480x128xf32, #tpu.memory_space<hbm>>) target(%dma_start3A_160 : memref<64x128xf32, #tpu.memory_space<vmem>>) offsets(%dma_start3A_163 : memref<64xi32, #tpu.memory_space<vmem>>) semaphore(%arg9 : memref<!tpu.dma_semaphore, #tpu.memory_space<semaphore_mem>>)
      %dma_wait3A_167 = arith.constant 0 : i32
      %dma_wait3A_168 = arith.constant 0 : i32
      %dma_wait3A_169 = arith.constant 1 : i32
      %dma_wait3A_170 = arith.constant 0 : i32
      %dma_wait3A_171 = arith.constant 0 : i32
      %dma_wait3A_172 = tpu.memref_slice %arg8[%dma_wait3A_169, %dma_wait3A_170, %dma_wait3A_171] : memref<2x128x128xf32, #tpu.memory_space<vmem>> -> memref<1x128x128xf32, #tpu.memory_space<vmem>>
      %dma_wait3A_173 = tpu.memref_squeeze %dma_wait3A_172 : memref<1x128x128xf32, #tpu.memory_space<vmem>> -> memref<128x128xf32, #tpu.memory_space<vmem>>
      %dma_wait3A_174 = arith.constant 0 : i32
      %dma_wait3A_175 = tpu.memref_slice %arg7[%dma_wait3A_167, %dma_wait3A_168, %dma_wait3A_174] : memref<2x4x128xi32, #tpu.memory_space<vmem>> -> memref<1x1x128xi32, #tpu.memory_space<vmem>>
      %dma_wait3A_176 = tpu.memref_squeeze %dma_wait3A_175 : memref<1x1x128xi32, #tpu.memory_space<vmem>> -> memref<128xi32, #tpu.memory_space<vmem>>
      %dma_wait3A_177 = arith.constant 0 : i32
      %dma_wait3A_178 = arith.constant 0 : i32
      %dma_wait3A_179 = tpu.memref_slice %arg3[%dma_wait3A_177, %dma_wait3A_178] : memref<20480x128xf32, #tpu.memory_space<hbm>> -> memref<20480x128xf32, #tpu.memory_space<hbm>>
      tpu.wait_indirect_dma semaphore(%arg10 : memref<!tpu.dma_semaphore, #tpu.memory_space<semaphore_mem>>) src(%dma_wait3A_179 : memref<20480x128xf32, #tpu.memory_space<hbm>>) dst(%dma_wait3A_173 : memref<128x128xf32, #tpu.memory_space<vmem>>)
      %run_scoped3A_180 = arith.constant 1 : i32
      %run_scoped3A_181 = arith.constant 0 : i32
      %run_scoped3A_182 = arith.constant 3 : i32
      "tpu.region"() ({
        %run_scoped3A_300 = tpu.sem_alloc : memref<!tpu.dma_semaphore, #tpu.memory_space<semaphore_mem>>
        %dma_start3A_301 = arith.constant 0 : i32
        %dma_start3A_302 = arith.constant 0 : i32
        %dma_start3A_303 = tpu.memref_slice %arg8[%run_scoped3A_180, %dma_start3A_301, %dma_start3A_302] : memref<2x128x128xf32, #tpu.memory_space<vmem>> -> memref<1x128x128xf32, #tpu.memory_space<vmem>>
        %dma_start3A_304 = tpu.memref_squeeze %dma_start3A_303 : memref<1x128x128xf32, #tpu.memory_space<vmem>> -> memref<128x128xf32, #tpu.memory_space<vmem>>
        %dma_start3A_305 = arith.constant 0 : i32
        %dma_start3A_306 = tpu.memref_slice %arg7[%run_scoped3A_181, %run_scoped3A_182, %dma_start3A_305] : memref<2x4x128xi32, #tpu.memory_space<vmem>> -> memref<1x1x128xi32, #tpu.memory_space<vmem>>
        %dma_start3A_307 = tpu.memref_squeeze %dma_start3A_306 : memref<1x1x128xi32, #tpu.memory_space<vmem>> -> memref<128xi32, #tpu.memory_space<vmem>>
        %dma_start3A_308 = arith.constant 0 : i32
        %dma_start3A_309 = arith.constant 0 : i32
        %dma_start3A_310 = tpu.memref_slice %arg6[%dma_start3A_308, %dma_start3A_309] : memref<10240x128xf32, #tpu.memory_space<vmem_shared>> -> memref<10240x128xf32, #tpu.memory_space<vmem_shared>>
        tpu.enqueue_indirect_dma source(%dma_start3A_304 : memref<128x128xf32, #tpu.memory_space<vmem>>) target(%dma_start3A_310 : memref<10240x128xf32, #tpu.memory_space<vmem_shared>>) offsets(%dma_start3A_307 : memref<128xi32, #tpu.memory_space<vmem>>) semaphore(%run_scoped3A_300 : memref<!tpu.dma_semaphore, #tpu.memory_space<semaphore_mem>>) {add = true}
        %dma_wait3A_311 = arith.constant 0 : i32
        %dma_wait3A_312 = arith.constant 0 : i32
        %dma_wait3A_313 = tpu.memref_slice %arg8[%run_scoped3A_180, %dma_wait3A_311, %dma_wait3A_312] : memref<2x128x128xf32, #tpu.memory_space<vmem>> -> memref<1x128x128xf32, #tpu.memory_space<vmem>>
        %dma_wait3A_314 = tpu.memref_squeeze %dma_wait3A_313 : memref<1x128x128xf32, #tpu.memory_space<vmem>> -> memref<128x128xf32, #tpu.memory_space<vmem>>
        %dma_wait3A_315 = arith.constant 0 : i32
        %dma_wait3A_316 = tpu.memref_slice %arg7[%run_scoped3A_181, %run_scoped3A_182, %dma_wait3A_315] : memref<2x4x128xi32, #tpu.memory_space<vmem>> -> memref<1x1x128xi32, #tpu.memory_space<vmem>>
        %dma_wait3A_317 = tpu.memref_squeeze %dma_wait3A_316 : memref<1x1x128xi32, #tpu.memory_space<vmem>> -> memref<128xi32, #tpu.memory_space<vmem>>
        %dma_wait3A_318 = arith.constant 0 : i32
        %dma_wait3A_319 = arith.constant 0 : i32
        %dma_wait3A_320 = tpu.memref_slice %arg6[%dma_wait3A_318, %dma_wait3A_319] : memref<10240x128xf32, #tpu.memory_space<vmem_shared>> -> memref<10240x128xf32, #tpu.memory_space<vmem_shared>>
        tpu.wait_indirect_dma semaphore(%run_scoped3A_300 : memref<!tpu.dma_semaphore, #tpu.memory_space<semaphore_mem>>) src(%dma_wait3A_314 : memref<128x128xf32, #tpu.memory_space<vmem>>) dst(%dma_wait3A_320 : memref<10240x128xf32, #tpu.memory_space<vmem_shared>>)
        tpu.yield
      }) : () -> ()
      %mul3A_183 = arith.constant 2 : i32
      %mul3A_184 = arith.muli %mul3A_183, %add3A_65 : i32
      %add3A_185 = arith.constant 2 : i32
      %add3A_186 = arith.addi %mul3A_184, %add3A_185 : i32
      %mul3A_187 = arith.constant 4 : i32
      %mul3A_188 = arith.muli %add3A_186, %mul3A_187 : i32
      %add3A_189 = arith.addi %add3A, %mul3A_188 : i32
      %dma_start3A_190 = arith.constant 0 : i32
      %dma_start3A_191 = arith.constant 0 : i32
      %dma_start3A_192 = arith.constant 0 : i32
      %dma_start3A_193 = tpu.memref_slice %arg7[%dma_start3A_190, %dma_start3A_191, %dma_start3A_192] : memref<2x4x128xi32, #tpu.memory_space<vmem>> -> memref<1x4x128xi32, #tpu.memory_space<vmem>>
      %dma_start3A_194 = tpu.memref_squeeze %dma_start3A_193 : memref<1x4x128xi32, #tpu.memory_space<vmem>> -> memref<4x128xi32, #tpu.memory_space<vmem>>
      %dma_start3A_195 = arith.constant 0 : i32
      %dma_start3A_196 = tpu.memref_slice %arg2[%add3A_189, %dma_start3A_195] : memref<5128x128xi32, #tpu.memory_space<hbm>> -> memref<4x128xi32, #tpu.memory_space<hbm>>
      %dma_start3A_197 = arith.constant 0 : i32
      %dma_start3A_198 = arith.constant 0 : i32
      %dma_start3A_199 = tpu.memref_slice %arg7[%dma_start3A_190, %dma_start3A_197, %dma_start3A_198] : memref<2x4x128xi32, #tpu.memory_space<vmem>> -> memref<1x4x128xi32, #tpu.memory_space<vmem>>
      %dma_start3A_200 = tpu.memref_squeeze %dma_start3A_199 : memref<1x4x128xi32, #tpu.memory_space<vmem>> -> memref<4x128xi32, #tpu.memory_space<vmem>>
      %dma_start3A_201 = arith.constant 0 : i32
      %dma_start3A_202 = tpu.memref_slice %arg2[%add3A_189, %dma_start3A_201] : memref<5128x128xi32, #tpu.memory_space<hbm>> -> memref<4x128xi32, #tpu.memory_space<hbm>>
      tpu.enqueue_dma source(%dma_start3A_202 : memref<4x128xi32, #tpu.memory_space<hbm>>) target(%dma_start3A_200 : memref<4x128xi32, #tpu.memory_space<vmem>>) target_semaphore(%arg11 : memref<!tpu.dma_semaphore, #tpu.memory_space<semaphore_mem>>)
      %dma_start3A_203 = arith.constant 1 : i32
      %dma_start3A_204 = arith.constant 2 : i32
      %dma_start3A_205 = arith.constant 1 : i32
      %dma_start3A_206 = arith.constant 0 : i32
      %dma_start3A_207 = arith.constant 0 : i32
      %dma_start3A_208 = tpu.memref_slice %arg8[%dma_start3A_205, %dma_start3A_206, %dma_start3A_207] : memref<2x128x128xf32, #tpu.memory_space<vmem>> -> memref<1x64x128xf32, #tpu.memory_space<vmem>>
      %dma_start3A_209 = tpu.memref_squeeze %dma_start3A_208 : memref<1x64x128xf32, #tpu.memory_space<vmem>> -> memref<64x128xf32, #tpu.memory_space<vmem>>
      %dma_start3A_210 = arith.constant 0 : i32
      %dma_start3A_211 = tpu.memref_slice %arg7[%dma_start3A_203, %dma_start3A_204, %dma_start3A_210] : memref<2x4x128xi32, #tpu.memory_space<vmem>> -> memref<1x1x64xi32, #tpu.memory_space<vmem>>
      %dma_start3A_212 = tpu.memref_squeeze %dma_start3A_211 : memref<1x1x64xi32, #tpu.memory_space<vmem>> -> memref<64xi32, #tpu.memory_space<vmem>>
      %dma_start3A_213 = arith.constant 0 : i32
      %dma_start3A_214 = arith.constant 0 : i32
      %dma_start3A_215 = tpu.memref_slice %arg3[%dma_start3A_213, %dma_start3A_214] : memref<20480x128xf32, #tpu.memory_space<hbm>> -> memref<20480x128xf32, #tpu.memory_space<hbm>>
      tpu.enqueue_indirect_dma source(%dma_start3A_215 : memref<20480x128xf32, #tpu.memory_space<hbm>>) target(%dma_start3A_209 : memref<64x128xf32, #tpu.memory_space<vmem>>) offsets(%dma_start3A_212 : memref<64xi32, #tpu.memory_space<vmem>>) semaphore(%arg10 : memref<!tpu.dma_semaphore, #tpu.memory_space<semaphore_mem>>)
      %dma_start3A_216 = arith.constant 1 : i32
      %dma_start3A_217 = arith.constant 2 : i32
      %dma_start3A_218 = arith.constant 1 : i32
      %dma_start3A_219 = arith.constant 64 : i32
      %dma_start3A_220 = arith.constant 0 : i32
      %dma_start3A_221 = tpu.memref_slice %arg8[%dma_start3A_218, %dma_start3A_219, %dma_start3A_220] : memref<2x128x128xf32, #tpu.memory_space<vmem>> -> memref<1x64x128xf32, #tpu.memory_space<vmem>>
      %dma_start3A_222 = tpu.memref_squeeze %dma_start3A_221 : memref<1x64x128xf32, #tpu.memory_space<vmem>> -> memref<64x128xf32, #tpu.memory_space<vmem>>
      %dma_start3A_223 = arith.constant 64 : i32
      %dma_start3A_224 = tpu.memref_slice %arg7[%dma_start3A_216, %dma_start3A_217, %dma_start3A_223] : memref<2x4x128xi32, #tpu.memory_space<vmem>> -> memref<1x1x64xi32, #tpu.memory_space<vmem>>
      %dma_start3A_225 = tpu.memref_squeeze %dma_start3A_224 : memref<1x1x64xi32, #tpu.memory_space<vmem>> -> memref<64xi32, #tpu.memory_space<vmem>>
      %dma_start3A_226 = arith.constant 0 : i32
      %dma_start3A_227 = arith.constant 0 : i32
      %dma_start3A_228 = tpu.memref_slice %arg3[%dma_start3A_226, %dma_start3A_227] : memref<20480x128xf32, #tpu.memory_space<hbm>> -> memref<20480x128xf32, #tpu.memory_space<hbm>>
      tpu.enqueue_indirect_dma source(%dma_start3A_228 : memref<20480x128xf32, #tpu.memory_space<hbm>>) target(%dma_start3A_222 : memref<64x128xf32, #tpu.memory_space<vmem>>) offsets(%dma_start3A_225 : memref<64xi32, #tpu.memory_space<vmem>>) semaphore(%arg10 : memref<!tpu.dma_semaphore, #tpu.memory_space<semaphore_mem>>)
      %dma_wait3A_229 = arith.constant 0 : i32
      %dma_wait3A_230 = arith.constant 0 : i32
      %dma_wait3A_231 = arith.constant 0 : i32
      %dma_wait3A_232 = arith.constant 0 : i32
      %dma_wait3A_233 = arith.constant 0 : i32
      %dma_wait3A_234 = tpu.memref_slice %arg8[%dma_wait3A_231, %dma_wait3A_232, %dma_wait3A_233] : memref<2x128x128xf32, #tpu.memory_space<vmem>> -> memref<1x128x128xf32, #tpu.memory_space<vmem>>
      %dma_wait3A_235 = tpu.memref_squeeze %dma_wait3A_234 : memref<1x128x128xf32, #tpu.memory_space<vmem>> -> memref<128x128xf32, #tpu.memory_space<vmem>>
      %dma_wait3A_236 = arith.constant 0 : i32
      %dma_wait3A_237 = tpu.memref_slice %arg7[%dma_wait3A_229, %dma_wait3A_230, %dma_wait3A_236] : memref<2x4x128xi32, #tpu.memory_space<vmem>> -> memref<1x1x128xi32, #tpu.memory_space<vmem>>
      %dma_wait3A_238 = tpu.memref_squeeze %dma_wait3A_237 : memref<1x1x128xi32, #tpu.memory_space<vmem>> -> memref<128xi32, #tpu.memory_space<vmem>>
      %dma_wait3A_239 = arith.constant 0 : i32
      %dma_wait3A_240 = arith.constant 0 : i32
      %dma_wait3A_241 = tpu.memref_slice %arg3[%dma_wait3A_239, %dma_wait3A_240] : memref<20480x128xf32, #tpu.memory_space<hbm>> -> memref<20480x128xf32, #tpu.memory_space<hbm>>
      tpu.wait_indirect_dma semaphore(%arg9 : memref<!tpu.dma_semaphore, #tpu.memory_space<semaphore_mem>>) src(%dma_wait3A_241 : memref<20480x128xf32, #tpu.memory_space<hbm>>) dst(%dma_wait3A_235 : memref<128x128xf32, #tpu.memory_space<vmem>>)
      %run_scoped3A_242 = arith.constant 0 : i32
      %run_scoped3A_243 = arith.constant 1 : i32
      %run_scoped3A_244 = arith.constant 1 : i32
      "tpu.region"() ({
        %run_scoped3A_300 = tpu.sem_alloc : memref<!tpu.dma_semaphore, #tpu.memory_space<semaphore_mem>>
        %dma_start3A_301 = arith.constant 0 : i32
        %dma_start3A_302 = arith.constant 0 : i32
        %dma_start3A_303 = tpu.memref_slice %arg8[%run_scoped3A_242, %dma_start3A_301, %dma_start3A_302] : memref<2x128x128xf32, #tpu.memory_space<vmem>> -> memref<1x128x128xf32, #tpu.memory_space<vmem>>
        %dma_start3A_304 = tpu.memref_squeeze %dma_start3A_303 : memref<1x128x128xf32, #tpu.memory_space<vmem>> -> memref<128x128xf32, #tpu.memory_space<vmem>>
        %dma_start3A_305 = arith.constant 0 : i32
        %dma_start3A_306 = tpu.memref_slice %arg7[%run_scoped3A_243, %run_scoped3A_244, %dma_start3A_305] : memref<2x4x128xi32, #tpu.memory_space<vmem>> -> memref<1x1x128xi32, #tpu.memory_space<vmem>>
        %dma_start3A_307 = tpu.memref_squeeze %dma_start3A_306 : memref<1x1x128xi32, #tpu.memory_space<vmem>> -> memref<128xi32, #tpu.memory_space<vmem>>
        %dma_start3A_308 = arith.constant 0 : i32
        %dma_start3A_309 = arith.constant 0 : i32
        %dma_start3A_310 = tpu.memref_slice %arg6[%dma_start3A_308, %dma_start3A_309] : memref<10240x128xf32, #tpu.memory_space<vmem_shared>> -> memref<10240x128xf32, #tpu.memory_space<vmem_shared>>
        tpu.enqueue_indirect_dma source(%dma_start3A_304 : memref<128x128xf32, #tpu.memory_space<vmem>>) target(%dma_start3A_310 : memref<10240x128xf32, #tpu.memory_space<vmem_shared>>) offsets(%dma_start3A_307 : memref<128xi32, #tpu.memory_space<vmem>>) semaphore(%run_scoped3A_300 : memref<!tpu.dma_semaphore, #tpu.memory_space<semaphore_mem>>) {add = true}
        %dma_wait3A_311 = arith.constant 0 : i32
        %dma_wait3A_312 = arith.constant 0 : i32
        %dma_wait3A_313 = tpu.memref_slice %arg8[%run_scoped3A_242, %dma_wait3A_311, %dma_wait3A_312] : memref<2x128x128xf32, #tpu.memory_space<vmem>> -> memref<1x128x128xf32, #tpu.memory_space<vmem>>
        %dma_wait3A_314 = tpu.memref_squeeze %dma_wait3A_313 : memref<1x128x128xf32, #tpu.memory_space<vmem>> -> memref<128x128xf32, #tpu.memory_space<vmem>>
        %dma_wait3A_315 = arith.constant 0 : i32
        %dma_wait3A_316 = tpu.memref_slice %arg7[%run_scoped3A_243, %run_scoped3A_244, %dma_wait3A_315] : memref<2x4x128xi32, #tpu.memory_space<vmem>> -> memref<1x1x128xi32, #tpu.memory_space<vmem>>
        %dma_wait3A_317 = tpu.memref_squeeze %dma_wait3A_316 : memref<1x1x128xi32, #tpu.memory_space<vmem>> -> memref<128xi32, #tpu.memory_space<vmem>>
        %dma_wait3A_318 = arith.constant 0 : i32
        %dma_wait3A_319 = arith.constant 0 : i32
        %dma_wait3A_320 = tpu.memref_slice %arg6[%dma_wait3A_318, %dma_wait3A_319] : memref<10240x128xf32, #tpu.memory_space<vmem_shared>> -> memref<10240x128xf32, #tpu.memory_space<vmem_shared>>
        tpu.wait_indirect_dma semaphore(%run_scoped3A_300 : memref<!tpu.dma_semaphore, #tpu.memory_space<semaphore_mem>>) src(%dma_wait3A_314 : memref<128x128xf32, #tpu.memory_space<vmem>>) dst(%dma_wait3A_320 : memref<10240x128xf32, #tpu.memory_space<vmem_shared>>)
        tpu.yield
      }) : () -> ()
      %dma_wait3A_245 = arith.constant 0 : i32
      %dma_wait3A_246 = arith.constant 0 : i32
      %dma_wait3A_247 = arith.constant 0 : i32
      %dma_wait3A_248 = tpu.memref_slice %arg7[%dma_wait3A_245, %dma_wait3A_246, %dma_wait3A_247] : memref<2x4x128xi32, #tpu.memory_space<vmem>> -> memref<1x4x128xi32, #tpu.memory_space<vmem>>
      %dma_wait3A_249 = tpu.memref_squeeze %dma_wait3A_248 : memref<1x4x128xi32, #tpu.memory_space<vmem>> -> memref<4x128xi32, #tpu.memory_space<vmem>>
      %dma_wait3A_250 = arith.constant 0 : i32
      %dma_wait3A_251 = tpu.memref_slice %arg2[%add3A, %dma_wait3A_250] : memref<5128x128xi32, #tpu.memory_space<hbm>> -> memref<4x128xi32, #tpu.memory_space<hbm>>
      %dma_wait3A_252 = arith.constant 0 : i32
      %dma_wait3A_253 = arith.constant 0 : i32
      %dma_wait3A_254 = tpu.memref_slice %arg7[%dma_wait3A_245, %dma_wait3A_252, %dma_wait3A_253] : memref<2x4x128xi32, #tpu.memory_space<vmem>> -> memref<1x4x128xi32, #tpu.memory_space<vmem>>
      %dma_wait3A_255 = tpu.memref_squeeze %dma_wait3A_254 : memref<1x4x128xi32, #tpu.memory_space<vmem>> -> memref<4x128xi32, #tpu.memory_space<vmem>>
      %dma_wait3A_256 = arith.constant 0 : i32
      %dma_wait3A_257 = tpu.memref_slice %arg2[%add3A, %dma_wait3A_256] : memref<5128x128xi32, #tpu.memory_space<hbm>> -> memref<4x128xi32, #tpu.memory_space<hbm>>
      tpu.wait_dma2 semaphore(%arg11 : memref<!tpu.dma_semaphore, #tpu.memory_space<semaphore_mem>>) src(%dma_wait3A_257 : memref<4x128xi32, #tpu.memory_space<hbm>>) dst(%dma_wait3A_255 : memref<4x128xi32, #tpu.memory_space<vmem>>)
      %dma_start3A_258 = arith.constant 0 : i32
      %dma_start3A_259 = arith.constant 0 : i32
      %dma_start3A_260 = arith.constant 0 : i32
      %dma_start3A_261 = arith.constant 0 : i32
      %dma_start3A_262 = arith.constant 0 : i32
      %dma_start3A_263 = tpu.memref_slice %arg8[%dma_start3A_260, %dma_start3A_261, %dma_start3A_262] : memref<2x128x128xf32, #tpu.memory_space<vmem>> -> memref<1x64x128xf32, #tpu.memory_space<vmem>>
      %dma_start3A_264 = tpu.memref_squeeze %dma_start3A_263 : memref<1x64x128xf32, #tpu.memory_space<vmem>> -> memref<64x128xf32, #tpu.memory_space<vmem>>
      %dma_start3A_265 = arith.constant 0 : i32
      %dma_start3A_266 = tpu.memref_slice %arg7[%dma_start3A_258, %dma_start3A_259, %dma_start3A_265] : memref<2x4x128xi32, #tpu.memory_space<vmem>> -> memref<1x1x64xi32, #tpu.memory_space<vmem>>
      %dma_start3A_267 = tpu.memref_squeeze %dma_start3A_266 : memref<1x1x64xi32, #tpu.memory_space<vmem>> -> memref<64xi32, #tpu.memory_space<vmem>>
      %dma_start3A_268 = arith.constant 0 : i32
      %dma_start3A_269 = arith.constant 0 : i32
      %dma_start3A_270 = tpu.memref_slice %arg3[%dma_start3A_268, %dma_start3A_269] : memref<20480x128xf32, #tpu.memory_space<hbm>> -> memref<20480x128xf32, #tpu.memory_space<hbm>>
      tpu.enqueue_indirect_dma source(%dma_start3A_270 : memref<20480x128xf32, #tpu.memory_space<hbm>>) target(%dma_start3A_264 : memref<64x128xf32, #tpu.memory_space<vmem>>) offsets(%dma_start3A_267 : memref<64xi32, #tpu.memory_space<vmem>>) semaphore(%arg9 : memref<!tpu.dma_semaphore, #tpu.memory_space<semaphore_mem>>)
      %dma_start3A_271 = arith.constant 0 : i32
      %dma_start3A_272 = arith.constant 0 : i32
      %dma_start3A_273 = arith.constant 0 : i32
      %dma_start3A_274 = arith.constant 64 : i32
      %dma_start3A_275 = arith.constant 0 : i32
      %dma_start3A_276 = tpu.memref_slice %arg8[%dma_start3A_273, %dma_start3A_274, %dma_start3A_275] : memref<2x128x128xf32, #tpu.memory_space<vmem>> -> memref<1x64x128xf32, #tpu.memory_space<vmem>>
      %dma_start3A_277 = tpu.memref_squeeze %dma_start3A_276 : memref<1x64x128xf32, #tpu.memory_space<vmem>> -> memref<64x128xf32, #tpu.memory_space<vmem>>
      %dma_start3A_278 = arith.constant 64 : i32
      %dma_start3A_279 = tpu.memref_slice %arg7[%dma_start3A_271, %dma_start3A_272, %dma_start3A_278] : memref<2x4x128xi32, #tpu.memory_space<vmem>> -> memref<1x1x64xi32, #tpu.memory_space<vmem>>
      %dma_start3A_280 = tpu.memref_squeeze %dma_start3A_279 : memref<1x1x64xi32, #tpu.memory_space<vmem>> -> memref<64xi32, #tpu.memory_space<vmem>>
      %dma_start3A_281 = arith.constant 0 : i32
      %dma_start3A_282 = arith.constant 0 : i32
      %dma_start3A_283 = tpu.memref_slice %arg3[%dma_start3A_281, %dma_start3A_282] : memref<20480x128xf32, #tpu.memory_space<hbm>> -> memref<20480x128xf32, #tpu.memory_space<hbm>>
      tpu.enqueue_indirect_dma source(%dma_start3A_283 : memref<20480x128xf32, #tpu.memory_space<hbm>>) target(%dma_start3A_277 : memref<64x128xf32, #tpu.memory_space<vmem>>) offsets(%dma_start3A_280 : memref<64xi32, #tpu.memory_space<vmem>>) semaphore(%arg9 : memref<!tpu.dma_semaphore, #tpu.memory_space<semaphore_mem>>)
      %dma_wait3A_284 = arith.constant 0 : i32
      %dma_wait3A_285 = arith.constant 0 : i32
      %dma_wait3A_286 = arith.constant 1 : i32
      %dma_wait3A_287 = arith.constant 0 : i32
      %dma_wait3A_288 = arith.constant 0 : i32
      %dma_wait3A_289 = tpu.memref_slice %arg8[%dma_wait3A_286, %dma_wait3A_287, %dma_wait3A_288] : memref<2x128x128xf32, #tpu.memory_space<vmem>> -> memref<1x128x128xf32, #tpu.memory_space<vmem>>
      %dma_wait3A_290 = tpu.memref_squeeze %dma_wait3A_289 : memref<1x128x128xf32, #tpu.memory_space<vmem>> -> memref<128x128xf32, #tpu.memory_space<vmem>>
      %dma_wait3A_291 = arith.constant 0 : i32
      %dma_wait3A_292 = tpu.memref_slice %arg7[%dma_wait3A_284, %dma_wait3A_285, %dma_wait3A_291] : memref<2x4x128xi32, #tpu.memory_space<vmem>> -> memref<1x1x128xi32, #tpu.memory_space<vmem>>
      %dma_wait3A_293 = tpu.memref_squeeze %dma_wait3A_292 : memref<1x1x128xi32, #tpu.memory_space<vmem>> -> memref<128xi32, #tpu.memory_space<vmem>>
      %dma_wait3A_294 = arith.constant 0 : i32
      %dma_wait3A_295 = arith.constant 0 : i32
      %dma_wait3A_296 = tpu.memref_slice %arg3[%dma_wait3A_294, %dma_wait3A_295] : memref<20480x128xf32, #tpu.memory_space<hbm>> -> memref<20480x128xf32, #tpu.memory_space<hbm>>
      tpu.wait_indirect_dma semaphore(%arg10 : memref<!tpu.dma_semaphore, #tpu.memory_space<semaphore_mem>>) src(%dma_wait3A_296 : memref<20480x128xf32, #tpu.memory_space<hbm>>) dst(%dma_wait3A_290 : memref<128x128xf32, #tpu.memory_space<vmem>>)
      %run_scoped3A_297 = arith.constant 1 : i32
      %run_scoped3A_298 = arith.constant 1 : i32
      %run_scoped3A_299 = arith.constant 3 : i32
      "tpu.region"() ({
        %run_scoped3A_300 = tpu.sem_alloc : memref<!tpu.dma_semaphore, #tpu.memory_space<semaphore_mem>>
        %dma_start3A_301 = arith.constant 0 : i32
        %dma_start3A_302 = arith.constant 0 : i32
        %dma_start3A_303 = tpu.memref_slice %arg8[%run_scoped3A_297, %dma_start3A_301, %dma_start3A_302] : memref<2x128x128xf32, #tpu.memory_space<vmem>> -> memref<1x128x128xf32, #tpu.memory_space<vmem>>
        %dma_start3A_304 = tpu.memref_squeeze %dma_start3A_303 : memref<1x128x128xf32, #tpu.memory_space<vmem>> -> memref<128x128xf32, #tpu.memory_space<vmem>>
        %dma_start3A_305 = arith.constant 0 : i32
        %dma_start3A_306 = tpu.memref_slice %arg7[%run_scoped3A_298, %run_scoped3A_299, %dma_start3A_305] : memref<2x4x128xi32, #tpu.memory_space<vmem>> -> memref<1x1x128xi32, #tpu.memory_space<vmem>>
        %dma_start3A_307 = tpu.memref_squeeze %dma_start3A_306 : memref<1x1x128xi32, #tpu.memory_space<vmem>> -> memref<128xi32, #tpu.memory_space<vmem>>
        %dma_start3A_308 = arith.constant 0 : i32
        %dma_start3A_309 = arith.constant 0 : i32
        %dma_start3A_310 = tpu.memref_slice %arg6[%dma_start3A_308, %dma_start3A_309] : memref<10240x128xf32, #tpu.memory_space<vmem_shared>> -> memref<10240x128xf32, #tpu.memory_space<vmem_shared>>
        tpu.enqueue_indirect_dma source(%dma_start3A_304 : memref<128x128xf32, #tpu.memory_space<vmem>>) target(%dma_start3A_310 : memref<10240x128xf32, #tpu.memory_space<vmem_shared>>) offsets(%dma_start3A_307 : memref<128xi32, #tpu.memory_space<vmem>>) semaphore(%run_scoped3A_300 : memref<!tpu.dma_semaphore, #tpu.memory_space<semaphore_mem>>) {add = true}
        %dma_wait3A_311 = arith.constant 0 : i32
        %dma_wait3A_312 = arith.constant 0 : i32
        %dma_wait3A_313 = tpu.memref_slice %arg8[%run_scoped3A_297, %dma_wait3A_311, %dma_wait3A_312] : memref<2x128x128xf32, #tpu.memory_space<vmem>> -> memref<1x128x128xf32, #tpu.memory_space<vmem>>
        %dma_wait3A_314 = tpu.memref_squeeze %dma_wait3A_313 : memref<1x128x128xf32, #tpu.memory_space<vmem>> -> memref<128x128xf32, #tpu.memory_space<vmem>>
        %dma_wait3A_315 = arith.constant 0 : i32
        %dma_wait3A_316 = tpu.memref_slice %arg7[%run_scoped3A_298, %run_scoped3A_299, %dma_wait3A_315] : memref<2x4x128xi32, #tpu.memory_space<vmem>> -> memref<1x1x128xi32, #tpu.memory_space<vmem>>
        %dma_wait3A_317 = tpu.memref_squeeze %dma_wait3A_316 : memref<1x1x128xi32, #tpu.memory_space<vmem>> -> memref<128xi32, #tpu.memory_space<vmem>>
        %dma_wait3A_318 = arith.constant 0 : i32
        %dma_wait3A_319 = arith.constant 0 : i32
        %dma_wait3A_320 = tpu.memref_slice %arg6[%dma_wait3A_318, %dma_wait3A_319] : memref<10240x128xf32, #tpu.memory_space<vmem_shared>> -> memref<10240x128xf32, #tpu.memory_space<vmem_shared>>
        tpu.wait_indirect_dma semaphore(%run_scoped3A_300 : memref<!tpu.dma_semaphore, #tpu.memory_space<semaphore_mem>>) src(%dma_wait3A_314 : memref<128x128xf32, #tpu.memory_space<vmem>>) dst(%dma_wait3A_320 : memref<10240x128xf32, #tpu.memory_space<vmem_shared>>)
        tpu.yield
      }) : () -> ()
    }
    %scan3A_37 = arith.constant 20 : i32
    %dma_wait3A = arith.constant 0 : i32
    %dma_wait3A_38 = arith.constant 0 : i32
    %dma_wait3A_39 = arith.constant 0 : i32
    %dma_wait3A_40 = arith.constant 0 : i32
    %dma_wait3A_41 = arith.constant 0 : i32
    %dma_wait3A_42 = tpu.memref_slice %arg8[%dma_wait3A_39, %dma_wait3A_40, %dma_wait3A_41] : memref<2x128x128xf32, #tpu.memory_space<vmem>> -> memref<1x128x128xf32, #tpu.memory_space<vmem>>
    %dma_wait3A_43 = tpu.memref_squeeze %dma_wait3A_42 : memref<1x128x128xf32, #tpu.memory_space<vmem>> -> memref<128x128xf32, #tpu.memory_space<vmem>>
    %dma_wait3A_44 = arith.constant 0 : i32
    %dma_wait3A_45 = tpu.memref_slice %arg7[%dma_wait3A, %dma_wait3A_38, %dma_wait3A_44] : memref<2x4x128xi32, #tpu.memory_space<vmem>> -> memref<1x1x128xi32, #tpu.memory_space<vmem>>
    %dma_wait3A_46 = tpu.memref_squeeze %dma_wait3A_45 : memref<1x1x128xi32, #tpu.memory_space<vmem>> -> memref<128xi32, #tpu.memory_space<vmem>>
    %dma_wait3A_47 = arith.constant 0 : i32
    %dma_wait3A_48 = arith.constant 0 : i32
    %dma_wait3A_49 = tpu.memref_slice %arg3[%dma_wait3A_47, %dma_wait3A_48] : memref<20480x128xf32, #tpu.memory_space<hbm>> -> memref<20480x128xf32, #tpu.memory_space<hbm>>
    tpu.wait_indirect_dma semaphore(%arg9 : memref<!tpu.dma_semaphore, #tpu.memory_space<semaphore_mem>>) src(%dma_wait3A_49 : memref<20480x128xf32, #tpu.memory_space<hbm>>) dst(%dma_wait3A_43 : memref<128x128xf32, #tpu.memory_space<vmem>>)
    %barrier3A_50 = arith.constant 0 : index
    tpu.barrier barrier_id(%barrier3A_50)
    %mul3A_51 = arith.constant 10240 : i32
    %mul3A_52 = arith.muli %arg0, %mul3A_51 : i32
    %mul3A_53 = arith.constant 640 : i32
    %mul3A_54 = arith.muli %arg1, %mul3A_53 : i32
    %add3A_55 = arith.addi %mul3A_52, %mul3A_54 : i32
    %scan3A_56 = arith.constant 0 : i32
    %scan3A_57 = arith.constant 5 : i32
    %scan3A_58 = arith.addi %scan3A_56, %scan3A_57 : i32
    %scan3A_59 = arith.constant 1 : i32
    scf.for %scan3A_61 = %scan3A_56 to %scan3A_58 step %scan3A_59  : i32 {
      %mul3A_62 = arith.constant 1 : i32
      %mul3A_63 = arith.muli %scan3A_61, %mul3A_62 : i32
      %add3A_64 = arith.constant 0 : i32
      %add3A_65 = arith.addi %add3A_64, %mul3A_63 : i32
      %mul3A_66 = arith.constant 640 : i32
      %mul3A_67 = arith.muli %arg1, %mul3A_66 : i32
      %mul3A_68 = arith.constant 128 : i32
      %mul3A_69 = arith.muli %add3A_65, %mul3A_68 : i32
      %add3A_70 = arith.addi %mul3A_67, %mul3A_69 : i32
      %run_scoped3A_71 = arith.constant 0 : i32
      "tpu.region"() ({
        %run_scoped3A_76 = tpu.sem_alloc : memref<!tpu.dma_semaphore, #tpu.memory_space<semaphore_mem>>
        %dma_start3A_77 = arith.constant 0 : i32
        %dma_start3A_78 = arith.constant 0 : i32
        %dma_start3A_79 = tpu.memref_slice %arg8[%run_scoped3A_71, %dma_start3A_77, %dma_start3A_78] : memref<2x128x128xf32, #tpu.memory_space<vmem>> -> memref<1x128x128xf32, #tpu.memory_space<vmem>>
        %dma_start3A_80 = tpu.memref_squeeze %dma_start3A_79 : memref<1x128x128xf32, #tpu.memory_space<vmem>> -> memref<128x128xf32, #tpu.memory_space<vmem>>
        %dma_start3A_81 = arith.constant 0 : i32
        %dma_start3A_82 = tpu.memref_slice %arg6[%add3A_70, %dma_start3A_81] : memref<10240x128xf32, #tpu.memory_space<vmem_shared>> -> memref<128x128xf32, #tpu.memory_space<vmem_shared>>
        %dma_start3A_83 = arith.constant 0 : i32
        %dma_start3A_84 = arith.constant 0 : i32
        %dma_start3A_85 = tpu.memref_slice %arg8[%run_scoped3A_71, %dma_start3A_83, %dma_start3A_84] : memref<2x128x128xf32, #tpu.memory_space<vmem>> -> memref<1x128x128xf32, #tpu.memory_space<vmem>>
        %dma_start3A_86 = tpu.memref_squeeze %dma_start3A_85 : memref<1x128x128xf32, #tpu.memory_space<vmem>> -> memref<128x128xf32, #tpu.memory_space<vmem>>
        %dma_start3A_87 = arith.constant 0 : i32
        %dma_start3A_88 = tpu.memref_slice %arg6[%add3A_70, %dma_start3A_87] : memref<10240x128xf32, #tpu.memory_space<vmem_shared>> -> memref<128x128xf32, #tpu.memory_space<vmem_shared>>
        tpu.enqueue_dma source(%dma_start3A_88 : memref<128x128xf32, #tpu.memory_space<vmem_shared>>) target(%dma_start3A_86 : memref<128x128xf32, #tpu.memory_space<vmem>>) target_semaphore(%run_scoped3A_76 : memref<!tpu.dma_semaphore, #tpu.memory_space<semaphore_mem>>)
        %dma_wait3A_89 = arith.constant 0 : i32
        %dma_wait3A_90 = arith.constant 0 : i32
        %dma_wait3A_91 = tpu.memref_slice %arg8[%run_scoped3A_71, %dma_wait3A_89, %dma_wait3A_90] : memref<2x128x128xf32, #tpu.memory_space<vmem>> -> memref<1x128x128xf32, #tpu.memory_space<vmem>>
        %dma_wait3A_92 = tpu.memref_squeeze %dma_wait3A_91 : memref<1x128x128xf32, #tpu.memory_space<vmem>> -> memref<128x128xf32, #tpu.memory_space<vmem>>
        %dma_wait3A_93 = arith.constant 0 : i32
        %dma_wait3A_94 = tpu.memref_slice %arg6[%add3A_70, %dma_wait3A_93] : memref<10240x128xf32, #tpu.memory_space<vmem_shared>> -> memref<128x128xf32, #tpu.memory_space<vmem_shared>>
        %dma_wait3A_95 = arith.constant 0 : i32
        %dma_wait3A_96 = arith.constant 0 : i32
        %dma_wait3A_97 = tpu.memref_slice %arg8[%run_scoped3A_71, %dma_wait3A_95, %dma_wait3A_96] : memref<2x128x128xf32, #tpu.memory_space<vmem>> -> memref<1x128x128xf32, #tpu.memory_space<vmem>>
        %dma_wait3A_98 = tpu.memref_squeeze %dma_wait3A_97 : memref<1x128x128xf32, #tpu.memory_space<vmem>> -> memref<128x128xf32, #tpu.memory_space<vmem>>
        %dma_wait3A_99 = arith.constant 0 : i32
        %dma_wait3A_100 = tpu.memref_slice %arg6[%add3A_70, %dma_wait3A_99] : memref<10240x128xf32, #tpu.memory_space<vmem_shared>> -> memref<128x128xf32, #tpu.memory_space<vmem_shared>>
        tpu.wait_dma2 semaphore(%run_scoped3A_76 : memref<!tpu.dma_semaphore, #tpu.memory_space<semaphore_mem>>) src(%dma_wait3A_100 : memref<128x128xf32, #tpu.memory_space<vmem_shared>>) dst(%dma_wait3A_98 : memref<128x128xf32, #tpu.memory_space<vmem>>)
        tpu.yield
      }) : () -> ()
      %mul3A_72 = arith.constant 128 : i32
      %mul3A_73 = arith.muli %add3A_65, %mul3A_72 : i32
      %add3A_74 = arith.addi %add3A_55, %mul3A_73 : i32
      %run_scoped3A_75 = arith.constant 0 : i32
      "tpu.region"() ({
        %run_scoped3A_76 = tpu.sem_alloc : memref<!tpu.dma_semaphore, #tpu.memory_space<semaphore_mem>>
        %dma_start3A_77 = arith.constant 0 : i32
        %dma_start3A_78 = arith.constant 0 : i32
        %dma_start3A_79 = tpu.memref_slice %arg8[%run_scoped3A_75, %dma_start3A_77, %dma_start3A_78] : memref<2x128x128xf32, #tpu.memory_space<vmem>> -> memref<1x128x128xf32, #tpu.memory_space<vmem>>
        %dma_start3A_80 = tpu.memref_squeeze %dma_start3A_79 : memref<1x128x128xf32, #tpu.memory_space<vmem>> -> memref<128x128xf32, #tpu.memory_space<vmem>>
        %dma_start3A_81 = arith.constant 0 : i32
        %dma_start3A_82 = tpu.memref_slice %arg5[%add3A_74, %dma_start3A_81] : memref<20480x128xf32, #tpu.memory_space<hbm>> -> memref<128x128xf32, #tpu.memory_space<hbm>>
        %dma_start3A_83 = arith.constant 0 : i32
        %dma_start3A_84 = tpu.memref_slice %arg5[%add3A_74, %dma_start3A_83] : memref<20480x128xf32, #tpu.memory_space<hbm>> -> memref<128x128xf32, #tpu.memory_space<hbm>>
        %dma_start3A_85 = arith.constant 0 : i32
        %dma_start3A_86 = arith.constant 0 : i32
        %dma_start3A_87 = tpu.memref_slice %arg8[%run_scoped3A_75, %dma_start3A_85, %dma_start3A_86] : memref<2x128x128xf32, #tpu.memory_space<vmem>> -> memref<1x128x128xf32, #tpu.memory_space<vmem>>
        %dma_start3A_88 = tpu.memref_squeeze %dma_start3A_87 : memref<1x128x128xf32, #tpu.memory_space<vmem>> -> memref<128x128xf32, #tpu.memory_space<vmem>>
        tpu.enqueue_dma source(%dma_start3A_88 : memref<128x128xf32, #tpu.memory_space<vmem>>) target(%dma_start3A_84 : memref<128x128xf32, #tpu.memory_space<hbm>>) target_semaphore(%run_scoped3A_76 : memref<!tpu.dma_semaphore, #tpu.memory_space<semaphore_mem>>)
        %dma_wait3A_89 = arith.constant 0 : i32
        %dma_wait3A_90 = arith.constant 0 : i32
        %dma_wait3A_91 = tpu.memref_slice %arg8[%run_scoped3A_75, %dma_wait3A_89, %dma_wait3A_90] : memref<2x128x128xf32, #tpu.memory_space<vmem>> -> memref<1x128x128xf32, #tpu.memory_space<vmem>>
        %dma_wait3A_92 = tpu.memref_squeeze %dma_wait3A_91 : memref<1x128x128xf32, #tpu.memory_space<vmem>> -> memref<128x128xf32, #tpu.memory_space<vmem>>
        %dma_wait3A_93 = arith.constant 0 : i32
        %dma_wait3A_94 = tpu.memref_slice %arg5[%add3A_74, %dma_wait3A_93] : memref<20480x128xf32, #tpu.memory_space<hbm>> -> memref<128x128xf32, #tpu.memory_space<hbm>>
        %dma_wait3A_95 = arith.constant 0 : i32
        %dma_wait3A_96 = tpu.memref_slice %arg5[%add3A_74, %dma_wait3A_95] : memref<20480x128xf32, #tpu.memory_space<hbm>> -> memref<128x128xf32, #tpu.memory_space<hbm>>
        %dma_wait3A_97 = arith.constant 0 : i32
        %dma_wait3A_98 = arith.constant 0 : i32
        %dma_wait3A_99 = tpu.memref_slice %arg8[%run_scoped3A_75, %dma_wait3A_97, %dma_wait3A_98] : memref<2x128x128xf32, #tpu.memory_space<vmem>> -> memref<1x128x128xf32, #tpu.memory_space<vmem>>
        %dma_wait3A_100 = tpu.memref_squeeze %dma_wait3A_99 : memref<1x128x128xf32, #tpu.memory_space<vmem>> -> memref<128x128xf32, #tpu.memory_space<vmem>>
        tpu.wait_dma2 semaphore(%run_scoped3A_76 : memref<!tpu.dma_semaphore, #tpu.memory_space<semaphore_mem>>) src(%dma_wait3A_100 : memref<128x128xf32, #tpu.memory_space<vmem>>) dst(%dma_wait3A_96 : memref<128x128xf32, #tpu.memory_space<hbm>>)
        tpu.yield
      }) : () -> ()
    }
    %scan3A_60 = arith.constant 5 : i32
    return
  }
}

#map = affine_map<(d0, d1) -> (0, 0)>
module attributes {stable_mosaic.version = 14 : i64} {
  func.func @sc_edge_cnt(%arg0: i32, %arg1: i32, %arg2: memref<1280x128xi32, #tpu.memory_space<hbm>>, %arg3: memref<128x128xf32, #tpu.memory_space<hbm>>, %arg4: memref<128x128xf32, #tpu.memory_space<hbm>>, %arg5: memref<20480x128xf32, #tpu.memory_space<hbm>>, %arg6: memref<10240x128xf32, #tpu.memory_space<vmem_shared>>, %arg7: memref<8x128xi32, #tpu.memory_space<vmem>>, %arg8: memref<128x128xf32, #tpu.memory_space<vmem>>) attributes {dimension_semantics = [#tpu.dimension_semantics<core_parallel>, #tpu.dimension_semantics<subcore_parallel>], iteration_bounds = array<i64: 2, 16>, scalar_prefetch = 0 : i64, scratch_operands = 3 : i64, tpu.core_type = #tpu.core_type<sc_vector_subcore>, window_params = [{transform_indices = #map}, {transform_indices = #map}, {transform_indices = #map}, {transform_indices = #map}]} {
    "tpu.region"() ({
      %run_scoped3A = tpu.sem_alloc : memref<!tpu.dma_semaphore, #tpu.memory_space<semaphore_mem>>
      tpu.enqueue_dma source(%arg3 : memref<128x128xf32, #tpu.memory_space<hbm>>) target(%arg8 : memref<128x128xf32, #tpu.memory_space<vmem>>) target_semaphore(%run_scoped3A : memref<!tpu.dma_semaphore, #tpu.memory_space<semaphore_mem>>)
      tpu.wait_dma2 semaphore(%run_scoped3A : memref<!tpu.dma_semaphore, #tpu.memory_space<semaphore_mem>>) src(%arg3 : memref<128x128xf32, #tpu.memory_space<hbm>>) dst(%arg8 : memref<128x128xf32, #tpu.memory_space<vmem>>)
      tpu.yield
    }) : () -> ()
    %scan3A = arith.constant 0 : i32
    %scan3A_0 = arith.constant 5 : i32
    %scan3A_1 = arith.addi %scan3A, %scan3A_0 : i32
    %scan3A_2 = arith.constant 1 : i32
    scf.for %scan3A_20 = %scan3A to %scan3A_1 step %scan3A_2  : i32 {
      %mul3A_21 = arith.constant 1 : i32
      %mul3A_22 = arith.muli %scan3A_20, %mul3A_21 : i32
      %add3A_23 = arith.constant 0 : i32
      %add3A_24 = arith.addi %add3A_23, %mul3A_22 : i32
      %mul3A_25 = arith.constant 640 : i32
      %mul3A_26 = arith.muli %arg1, %mul3A_25 : i32
      %mul3A_27 = arith.constant 128 : i32
      %mul3A_28 = arith.muli %add3A_24, %mul3A_27 : i32
      %add3A_29 = arith.addi %mul3A_26, %mul3A_28 : i32
      "tpu.region"() ({
        %run_scoped3A = tpu.sem_alloc : memref<!tpu.dma_semaphore, #tpu.memory_space<semaphore_mem>>
        %dma_start3A = arith.constant 0 : i32
        %dma_start3A_30 = tpu.memref_slice %arg6[%add3A_29, %dma_start3A] : memref<10240x128xf32, #tpu.memory_space<vmem_shared>> -> memref<128x128xf32, #tpu.memory_space<vmem_shared>>
        %dma_start3A_31 = arith.constant 0 : i32
        %dma_start3A_32 = tpu.memref_slice %arg6[%add3A_29, %dma_start3A_31] : memref<10240x128xf32, #tpu.memory_space<vmem_shared>> -> memref<128x128xf32, #tpu.memory_space<vmem_shared>>
        tpu.enqueue_dma source(%arg8 : memref<128x128xf32, #tpu.memory_space<vmem>>) target(%dma_start3A_32 : memref<128x128xf32, #tpu.memory_space<vmem_shared>>) target_semaphore(%run_scoped3A : memref<!tpu.dma_semaphore, #tpu.memory_space<semaphore_mem>>)
        %dma_wait3A = arith.constant 0 : i32
        %dma_wait3A_33 = tpu.memref_slice %arg6[%add3A_29, %dma_wait3A] : memref<10240x128xf32, #tpu.memory_space<vmem_shared>> -> memref<128x128xf32, #tpu.memory_space<vmem_shared>>
        %dma_wait3A_34 = arith.constant 0 : i32
        %dma_wait3A_35 = tpu.memref_slice %arg6[%add3A_29, %dma_wait3A_34] : memref<10240x128xf32, #tpu.memory_space<vmem_shared>> -> memref<128x128xf32, #tpu.memory_space<vmem_shared>>
        tpu.wait_dma2 semaphore(%run_scoped3A : memref<!tpu.dma_semaphore, #tpu.memory_space<semaphore_mem>>) src(%arg8 : memref<128x128xf32, #tpu.memory_space<vmem>>) dst(%dma_wait3A_35 : memref<128x128xf32, #tpu.memory_space<vmem_shared>>)
        tpu.yield
      }) : () -> ()
    }
    %scan3A_3 = arith.constant 5 : i32
    "tpu.region"() ({
      %run_scoped3A = tpu.sem_alloc : memref<!tpu.dma_semaphore, #tpu.memory_space<semaphore_mem>>
      tpu.enqueue_dma source(%arg4 : memref<128x128xf32, #tpu.memory_space<hbm>>) target(%arg8 : memref<128x128xf32, #tpu.memory_space<vmem>>) target_semaphore(%run_scoped3A : memref<!tpu.dma_semaphore, #tpu.memory_space<semaphore_mem>>)
      tpu.wait_dma2 semaphore(%run_scoped3A : memref<!tpu.dma_semaphore, #tpu.memory_space<semaphore_mem>>) src(%arg4 : memref<128x128xf32, #tpu.memory_space<hbm>>) dst(%arg8 : memref<128x128xf32, #tpu.memory_space<vmem>>)
      tpu.yield
    }) : () -> ()
    %barrier3A = arith.constant 0 : index
    tpu.barrier barrier_id(%barrier3A)
    %mul3A = arith.constant 80 : i32
    %mul3A_4 = arith.muli %arg1, %mul3A : i32
    %scan3A_5 = arith.constant 0 : i32
    %scan3A_6 = arith.constant 10 : i32
    %scan3A_7 = arith.addi %scan3A_5, %scan3A_6 : i32
    %scan3A_8 = arith.constant 1 : i32
    scf.for %scan3A_20 = %scan3A_5 to %scan3A_7 step %scan3A_8  : i32 {
      %mul3A_21 = arith.constant 1 : i32
      %mul3A_22 = arith.muli %scan3A_20, %mul3A_21 : i32
      %add3A_23 = arith.constant 0 : i32
      %add3A_24 = arith.addi %add3A_23, %mul3A_22 : i32
      %mul3A_25 = arith.constant 8 : i32
      %mul3A_26 = arith.muli %add3A_24, %mul3A_25 : i32
      %add3A_27 = arith.addi %mul3A_4, %mul3A_26 : i32
      "tpu.region"() ({
        %run_scoped3A = tpu.sem_alloc : memref<!tpu.dma_semaphore, #tpu.memory_space<semaphore_mem>>
        %dma_start3A = arith.constant 0 : i32
        %dma_start3A_33 = tpu.memref_slice %arg2[%add3A_27, %dma_start3A] : memref<1280x128xi32, #tpu.memory_space<hbm>> -> memref<8x128xi32, #tpu.memory_space<hbm>>
        %dma_start3A_34 = arith.constant 0 : i32
        %dma_start3A_35 = tpu.memref_slice %arg2[%add3A_27, %dma_start3A_34] : memref<1280x128xi32, #tpu.memory_space<hbm>> -> memref<8x128xi32, #tpu.memory_space<hbm>>
        tpu.enqueue_dma source(%dma_start3A_35 : memref<8x128xi32, #tpu.memory_space<hbm>>) target(%arg7 : memref<8x128xi32, #tpu.memory_space<vmem>>) target_semaphore(%run_scoped3A : memref<!tpu.dma_semaphore, #tpu.memory_space<semaphore_mem>>)
        %dma_wait3A = arith.constant 0 : i32
        %dma_wait3A_36 = tpu.memref_slice %arg2[%add3A_27, %dma_wait3A] : memref<1280x128xi32, #tpu.memory_space<hbm>> -> memref<8x128xi32, #tpu.memory_space<hbm>>
        %dma_wait3A_37 = arith.constant 0 : i32
        %dma_wait3A_38 = tpu.memref_slice %arg2[%add3A_27, %dma_wait3A_37] : memref<1280x128xi32, #tpu.memory_space<hbm>> -> memref<8x128xi32, #tpu.memory_space<hbm>>
        tpu.wait_dma2 semaphore(%run_scoped3A : memref<!tpu.dma_semaphore, #tpu.memory_space<semaphore_mem>>) src(%dma_wait3A_38 : memref<8x128xi32, #tpu.memory_space<hbm>>) dst(%arg7 : memref<8x128xi32, #tpu.memory_space<vmem>>)
        tpu.yield
      }) : () -> ()
      %scan3A_28 = arith.constant 0 : i32
      %scan3A_29 = arith.constant 8 : i32
      %scan3A_30 = arith.addi %scan3A_28, %scan3A_29 : i32
      %scan3A_31 = arith.constant 1 : i32
      scf.for %scan3A_33 = %scan3A_28 to %scan3A_30 step %scan3A_31  : i32 {
        %mul3A_34 = arith.constant 1 : i32
        %mul3A_35 = arith.muli %scan3A_33, %mul3A_34 : i32
        %add3A_36 = arith.constant 0 : i32
        %add3A_37 = arith.addi %add3A_36, %mul3A_35 : i32
        "tpu.region"() ({
          %run_scoped3A = tpu.sem_alloc : memref<!tpu.dma_semaphore, #tpu.memory_space<semaphore_mem>>
          %dma_start3A = arith.constant 0 : i32
          %dma_start3A_38 = tpu.memref_slice %arg7[%add3A_37, %dma_start3A] : memref<8x128xi32, #tpu.memory_space<vmem>> -> memref<1x128xi32, #tpu.memory_space<vmem>>
          %dma_start3A_39 = tpu.memref_squeeze %dma_start3A_38 : memref<1x128xi32, #tpu.memory_space<vmem>> -> memref<128xi32, #tpu.memory_space<vmem>>
          %dma_start3A_40 = arith.constant 0 : i32
          %dma_start3A_41 = arith.constant 0 : i32
          %dma_start3A_42 = tpu.memref_slice %arg6[%dma_start3A_40, %dma_start3A_41] : memref<10240x128xf32, #tpu.memory_space<vmem_shared>> -> memref<10240x128xf32, #tpu.memory_space<vmem_shared>>
          tpu.enqueue_indirect_dma source(%arg8 : memref<128x128xf32, #tpu.memory_space<vmem>>) target(%dma_start3A_42 : memref<10240x128xf32, #tpu.memory_space<vmem_shared>>) offsets(%dma_start3A_39 : memref<128xi32, #tpu.memory_space<vmem>>) semaphore(%run_scoped3A : memref<!tpu.dma_semaphore, #tpu.memory_space<semaphore_mem>>) {add = true}
          %dma_wait3A = arith.constant 0 : i32
          %dma_wait3A_43 = tpu.memref_slice %arg7[%add3A_37, %dma_wait3A] : memref<8x128xi32, #tpu.memory_space<vmem>> -> memref<1x128xi32, #tpu.memory_space<vmem>>
          %dma_wait3A_44 = tpu.memref_squeeze %dma_wait3A_43 : memref<1x128xi32, #tpu.memory_space<vmem>> -> memref<128xi32, #tpu.memory_space<vmem>>
          %dma_wait3A_45 = arith.constant 0 : i32
          %dma_wait3A_46 = arith.constant 0 : i32
          %dma_wait3A_47 = tpu.memref_slice %arg6[%dma_wait3A_45, %dma_wait3A_46] : memref<10240x128xf32, #tpu.memory_space<vmem_shared>> -> memref<10240x128xf32, #tpu.memory_space<vmem_shared>>
          tpu.wait_indirect_dma semaphore(%run_scoped3A : memref<!tpu.dma_semaphore, #tpu.memory_space<semaphore_mem>>) src(%arg8 : memref<128x128xf32, #tpu.memory_space<vmem>>) dst(%dma_wait3A_47 : memref<10240x128xf32, #tpu.memory_space<vmem_shared>>)
          tpu.yield
        }) : () -> ()
      }
      %scan3A_32 = arith.constant 8 : i32
    }
    %scan3A_9 = arith.constant 10 : i32
    %barrier3A_10 = arith.constant 0 : index
    tpu.barrier barrier_id(%barrier3A_10)
    %mul3A_11 = arith.constant 10240 : i32
    %mul3A_12 = arith.muli %arg0, %mul3A_11 : i32
    %mul3A_13 = arith.constant 640 : i32
    %mul3A_14 = arith.muli %arg1, %mul3A_13 : i32
    %add3A = arith.addi %mul3A_12, %mul3A_14 : i32
    %scan3A_15 = arith.constant 0 : i32
    %scan3A_16 = arith.constant 5 : i32
    %scan3A_17 = arith.addi %scan3A_15, %scan3A_16 : i32
    %scan3A_18 = arith.constant 1 : i32
    scf.for %scan3A_20 = %scan3A_15 to %scan3A_17 step %scan3A_18  : i32 {
      %mul3A_21 = arith.constant 1 : i32
      %mul3A_22 = arith.muli %scan3A_20, %mul3A_21 : i32
      %add3A_23 = arith.constant 0 : i32
      %add3A_24 = arith.addi %add3A_23, %mul3A_22 : i32
      %mul3A_25 = arith.constant 640 : i32
      %mul3A_26 = arith.muli %arg1, %mul3A_25 : i32
      %mul3A_27 = arith.constant 128 : i32
      %mul3A_28 = arith.muli %add3A_24, %mul3A_27 : i32
      %add3A_29 = arith.addi %mul3A_26, %mul3A_28 : i32
      "tpu.region"() ({
        %run_scoped3A = tpu.sem_alloc : memref<!tpu.dma_semaphore, #tpu.memory_space<semaphore_mem>>
        %dma_start3A = arith.constant 0 : i32
        %dma_start3A_33 = tpu.memref_slice %arg6[%add3A_29, %dma_start3A] : memref<10240x128xf32, #tpu.memory_space<vmem_shared>> -> memref<128x128xf32, #tpu.memory_space<vmem_shared>>
        %dma_start3A_34 = arith.constant 0 : i32
        %dma_start3A_35 = tpu.memref_slice %arg6[%add3A_29, %dma_start3A_34] : memref<10240x128xf32, #tpu.memory_space<vmem_shared>> -> memref<128x128xf32, #tpu.memory_space<vmem_shared>>
        tpu.enqueue_dma source(%dma_start3A_35 : memref<128x128xf32, #tpu.memory_space<vmem_shared>>) target(%arg8 : memref<128x128xf32, #tpu.memory_space<vmem>>) target_semaphore(%run_scoped3A : memref<!tpu.dma_semaphore, #tpu.memory_space<semaphore_mem>>)
        %dma_wait3A = arith.constant 0 : i32
        %dma_wait3A_36 = tpu.memref_slice %arg6[%add3A_29, %dma_wait3A] : memref<10240x128xf32, #tpu.memory_space<vmem_shared>> -> memref<128x128xf32, #tpu.memory_space<vmem_shared>>
        %dma_wait3A_37 = arith.constant 0 : i32
        %dma_wait3A_38 = tpu.memref_slice %arg6[%add3A_29, %dma_wait3A_37] : memref<10240x128xf32, #tpu.memory_space<vmem_shared>> -> memref<128x128xf32, #tpu.memory_space<vmem_shared>>
        tpu.wait_dma2 semaphore(%run_scoped3A : memref<!tpu.dma_semaphore, #tpu.memory_space<semaphore_mem>>) src(%dma_wait3A_38 : memref<128x128xf32, #tpu.memory_space<vmem_shared>>) dst(%arg8 : memref<128x128xf32, #tpu.memory_space<vmem>>)
        tpu.yield
      }) : () -> ()
      %mul3A_30 = arith.constant 128 : i32
      %mul3A_31 = arith.muli %add3A_24, %mul3A_30 : i32
      %add3A_32 = arith.addi %add3A, %mul3A_31 : i32
      "tpu.region"() ({
        %run_scoped3A = tpu.sem_alloc : memref<!tpu.dma_semaphore, #tpu.memory_space<semaphore_mem>>
        %dma_start3A = arith.constant 0 : i32
        %dma_start3A_33 = tpu.memref_slice %arg5[%add3A_32, %dma_start3A] : memref<20480x128xf32, #tpu.memory_space<hbm>> -> memref<128x128xf32, #tpu.memory_space<hbm>>
        %dma_start3A_34 = arith.constant 0 : i32
        %dma_start3A_35 = tpu.memref_slice %arg5[%add3A_32, %dma_start3A_34] : memref<20480x128xf32, #tpu.memory_space<hbm>> -> memref<128x128xf32, #tpu.memory_space<hbm>>
        tpu.enqueue_dma source(%arg8 : memref<128x128xf32, #tpu.memory_space<vmem>>) target(%dma_start3A_35 : memref<128x128xf32, #tpu.memory_space<hbm>>) target_semaphore(%run_scoped3A : memref<!tpu.dma_semaphore, #tpu.memory_space<semaphore_mem>>)
        %dma_wait3A = arith.constant 0 : i32
        %dma_wait3A_36 = tpu.memref_slice %arg5[%add3A_32, %dma_wait3A] : memref<20480x128xf32, #tpu.memory_space<hbm>> -> memref<128x128xf32, #tpu.memory_space<hbm>>
        %dma_wait3A_37 = arith.constant 0 : i32
        %dma_wait3A_38 = tpu.memref_slice %arg5[%add3A_32, %dma_wait3A_37] : memref<20480x128xf32, #tpu.memory_space<hbm>> -> memref<128x128xf32, #tpu.memory_space<hbm>>
        tpu.wait_dma2 semaphore(%run_scoped3A : memref<!tpu.dma_semaphore, #tpu.memory_space<semaphore_mem>>) src(%arg8 : memref<128x128xf32, #tpu.memory_space<vmem>>) dst(%dma_wait3A_38 : memref<128x128xf32, #tpu.memory_space<hbm>>)
        tpu.yield
      }) : () -> ()
    }
    %scan3A_19 = arith.constant 5 : i32
    return
  }
}

#map = affine_map<(d0, d1) -> (0, 0)>
module attributes {stable_mosaic.version = 14 : i64} {
  func.func @sc_edge_agg(%arg0: i32, %arg1: i32, %arg2: memref<5128x128xi32, #tpu.memory_space<hbm>>, %arg3: memref<20480x128xf32, #tpu.memory_space<hbm>>, %arg4: memref<128x128xf32, #tpu.memory_space<hbm>>, %arg5: memref<20480x128xf32, #tpu.memory_space<hbm>>, %arg6: memref<10240x128xf32, #tpu.memory_space<vmem_shared>>, %arg7: memref<2x4x128xi32, #tpu.memory_space<vmem>>, %arg8: memref<2x128x128xf32, #tpu.memory_space<vmem>>, %arg9: memref<!tpu.dma_semaphore, #tpu.memory_space<semaphore_mem>>, %arg10: memref<!tpu.dma_semaphore, #tpu.memory_space<semaphore_mem>>, %arg11: memref<!tpu.dma_semaphore, #tpu.memory_space<semaphore_mem>>) attributes {dimension_semantics = [#tpu.dimension_semantics<core_parallel>, #tpu.dimension_semantics<subcore_parallel>], iteration_bounds = array<i64: 2, 16>, scalar_prefetch = 0 : i64, scratch_operands = 6 : i64, tpu.core_type = #tpu.core_type<sc_vector_subcore>, window_params = [{transform_indices = #map}, {transform_indices = #map}, {transform_indices = #map}, {transform_indices = #map}]} {
    %run_scoped3A = arith.constant 0 : i32
    "tpu.region"() ({
      %run_scoped3A_61 = tpu.sem_alloc : memref<!tpu.dma_semaphore, #tpu.memory_space<semaphore_mem>>
      %dma_start3A_62 = arith.constant 0 : i32
      %dma_start3A_63 = arith.constant 0 : i32
      %dma_start3A_64 = tpu.memref_slice %arg8[%run_scoped3A, %dma_start3A_62, %dma_start3A_63] : memref<2x128x128xf32, #tpu.memory_space<vmem>> -> memref<1x128x128xf32, #tpu.memory_space<vmem>>
      %dma_start3A_65 = tpu.memref_squeeze %dma_start3A_64 : memref<1x128x128xf32, #tpu.memory_space<vmem>> -> memref<128x128xf32, #tpu.memory_space<vmem>>
      %dma_start3A_66 = arith.constant 0 : i32
      %dma_start3A_67 = arith.constant 0 : i32
      %dma_start3A_68 = tpu.memref_slice %arg8[%run_scoped3A, %dma_start3A_66, %dma_start3A_67] : memref<2x128x128xf32, #tpu.memory_space<vmem>> -> memref<1x128x128xf32, #tpu.memory_space<vmem>>
      %dma_start3A_69 = tpu.memref_squeeze %dma_start3A_68 : memref<1x128x128xf32, #tpu.memory_space<vmem>> -> memref<128x128xf32, #tpu.memory_space<vmem>>
      tpu.enqueue_dma source(%arg4 : memref<128x128xf32, #tpu.memory_space<hbm>>) target(%dma_start3A_69 : memref<128x128xf32, #tpu.memory_space<vmem>>) target_semaphore(%run_scoped3A_61 : memref<!tpu.dma_semaphore, #tpu.memory_space<semaphore_mem>>)
      %dma_wait3A_70 = arith.constant 0 : i32
      %dma_wait3A_71 = arith.constant 0 : i32
      %dma_wait3A_72 = tpu.memref_slice %arg8[%run_scoped3A, %dma_wait3A_70, %dma_wait3A_71] : memref<2x128x128xf32, #tpu.memory_space<vmem>> -> memref<1x128x128xf32, #tpu.memory_space<vmem>>
      %dma_wait3A_73 = tpu.memref_squeeze %dma_wait3A_72 : memref<1x128x128xf32, #tpu.memory_space<vmem>> -> memref<128x128xf32, #tpu.memory_space<vmem>>
      %dma_wait3A_74 = arith.constant 0 : i32
      %dma_wait3A_75 = arith.constant 0 : i32
      %dma_wait3A_76 = tpu.memref_slice %arg8[%run_scoped3A, %dma_wait3A_74, %dma_wait3A_75] : memref<2x128x128xf32, #tpu.memory_space<vmem>> -> memref<1x128x128xf32, #tpu.memory_space<vmem>>
      %dma_wait3A_77 = tpu.memref_squeeze %dma_wait3A_76 : memref<1x128x128xf32, #tpu.memory_space<vmem>> -> memref<128x128xf32, #tpu.memory_space<vmem>>
      tpu.wait_dma2 semaphore(%run_scoped3A_61 : memref<!tpu.dma_semaphore, #tpu.memory_space<semaphore_mem>>) src(%arg4 : memref<128x128xf32, #tpu.memory_space<hbm>>) dst(%dma_wait3A_77 : memref<128x128xf32, #tpu.memory_space<vmem>>)
      tpu.yield
    }) : () -> ()
    %scan3A = arith.constant 0 : i32
    %scan3A_0 = arith.constant 5 : i32
    %scan3A_1 = arith.addi %scan3A, %scan3A_0 : i32
    %scan3A_2 = arith.constant 1 : i32
    scf.for %scan3A_61 = %scan3A to %scan3A_1 step %scan3A_2  : i32 {
      %mul3A_62 = arith.constant 1 : i32
      %mul3A_63 = arith.muli %scan3A_61, %mul3A_62 : i32
      %add3A_64 = arith.constant 0 : i32
      %add3A_65 = arith.addi %add3A_64, %mul3A_63 : i32
      %mul3A_66 = arith.constant 640 : i32
      %mul3A_67 = arith.muli %arg1, %mul3A_66 : i32
      %mul3A_68 = arith.constant 128 : i32
      %mul3A_69 = arith.muli %add3A_65, %mul3A_68 : i32
      %add3A_70 = arith.addi %mul3A_67, %mul3A_69 : i32
      %run_scoped3A_71 = arith.constant 0 : i32
      "tpu.region"() ({
        %run_scoped3A_72 = tpu.sem_alloc : memref<!tpu.dma_semaphore, #tpu.memory_space<semaphore_mem>>
        %dma_start3A_73 = arith.constant 0 : i32
        %dma_start3A_74 = arith.constant 0 : i32
        %dma_start3A_75 = tpu.memref_slice %arg8[%run_scoped3A_71, %dma_start3A_73, %dma_start3A_74] : memref<2x128x128xf32, #tpu.memory_space<vmem>> -> memref<1x128x128xf32, #tpu.memory_space<vmem>>
        %dma_start3A_76 = tpu.memref_squeeze %dma_start3A_75 : memref<1x128x128xf32, #tpu.memory_space<vmem>> -> memref<128x128xf32, #tpu.memory_space<vmem>>
        %dma_start3A_77 = arith.constant 0 : i32
        %dma_start3A_78 = tpu.memref_slice %arg6[%add3A_70, %dma_start3A_77] : memref<10240x128xf32, #tpu.memory_space<vmem_shared>> -> memref<128x128xf32, #tpu.memory_space<vmem_shared>>
        %dma_start3A_79 = arith.constant 0 : i32
        %dma_start3A_80 = tpu.memref_slice %arg6[%add3A_70, %dma_start3A_79] : memref<10240x128xf32, #tpu.memory_space<vmem_shared>> -> memref<128x128xf32, #tpu.memory_space<vmem_shared>>
        %dma_start3A_81 = arith.constant 0 : i32
        %dma_start3A_82 = arith.constant 0 : i32
        %dma_start3A_83 = tpu.memref_slice %arg8[%run_scoped3A_71, %dma_start3A_81, %dma_start3A_82] : memref<2x128x128xf32, #tpu.memory_space<vmem>> -> memref<1x128x128xf32, #tpu.memory_space<vmem>>
        %dma_start3A_84 = tpu.memref_squeeze %dma_start3A_83 : memref<1x128x128xf32, #tpu.memory_space<vmem>> -> memref<128x128xf32, #tpu.memory_space<vmem>>
        tpu.enqueue_dma source(%dma_start3A_84 : memref<128x128xf32, #tpu.memory_space<vmem>>) target(%dma_start3A_80 : memref<128x128xf32, #tpu.memory_space<vmem_shared>>) target_semaphore(%run_scoped3A_72 : memref<!tpu.dma_semaphore, #tpu.memory_space<semaphore_mem>>)
        %dma_wait3A_85 = arith.constant 0 : i32
        %dma_wait3A_86 = arith.constant 0 : i32
        %dma_wait3A_87 = tpu.memref_slice %arg8[%run_scoped3A_71, %dma_wait3A_85, %dma_wait3A_86] : memref<2x128x128xf32, #tpu.memory_space<vmem>> -> memref<1x128x128xf32, #tpu.memory_space<vmem>>
        %dma_wait3A_88 = tpu.memref_squeeze %dma_wait3A_87 : memref<1x128x128xf32, #tpu.memory_space<vmem>> -> memref<128x128xf32, #tpu.memory_space<vmem>>
        %dma_wait3A_89 = arith.constant 0 : i32
        %dma_wait3A_90 = tpu.memref_slice %arg6[%add3A_70, %dma_wait3A_89] : memref<10240x128xf32, #tpu.memory_space<vmem_shared>> -> memref<128x128xf32, #tpu.memory_space<vmem_shared>>
        %dma_wait3A_91 = arith.constant 0 : i32
        %dma_wait3A_92 = tpu.memref_slice %arg6[%add3A_70, %dma_wait3A_91] : memref<10240x128xf32, #tpu.memory_space<vmem_shared>> -> memref<128x128xf32, #tpu.memory_space<vmem_shared>>
        %dma_wait3A_93 = arith.constant 0 : i32
        %dma_wait3A_94 = arith.constant 0 : i32
        %dma_wait3A_95 = tpu.memref_slice %arg8[%run_scoped3A_71, %dma_wait3A_93, %dma_wait3A_94] : memref<2x128x128xf32, #tpu.memory_space<vmem>> -> memref<1x128x128xf32, #tpu.memory_space<vmem>>
        %dma_wait3A_96 = tpu.memref_squeeze %dma_wait3A_95 : memref<1x128x128xf32, #tpu.memory_space<vmem>> -> memref<128x128xf32, #tpu.memory_space<vmem>>
        tpu.wait_dma2 semaphore(%run_scoped3A_72 : memref<!tpu.dma_semaphore, #tpu.memory_space<semaphore_mem>>) src(%dma_wait3A_96 : memref<128x128xf32, #tpu.memory_space<vmem>>) dst(%dma_wait3A_92 : memref<128x128xf32, #tpu.memory_space<vmem_shared>>)
        tpu.yield
      }) : () -> ()
    }
    %scan3A_3 = arith.constant 5 : i32
    %barrier3A = arith.constant 0 : index
    tpu.barrier barrier_id(%barrier3A)
    %mul3A = arith.constant 2560 : i32
    %mul3A_4 = arith.muli %arg0, %mul3A : i32
    %mul3A_5 = arith.constant 160 : i32
    %mul3A_6 = arith.muli %arg1, %mul3A_5 : i32
    %add3A = arith.addi %mul3A_4, %mul3A_6 : i32
    %run_scoped3A_7 = arith.constant 0 : i32
    "tpu.region"() ({
      %run_scoped3A_61 = tpu.sem_alloc : memref<!tpu.dma_semaphore, #tpu.memory_space<semaphore_mem>>
      %dma_start3A_62 = arith.constant 0 : i32
      %dma_start3A_63 = arith.constant 0 : i32
      %dma_start3A_64 = tpu.memref_slice %arg7[%run_scoped3A_7, %dma_start3A_62, %dma_start3A_63] : memref<2x4x128xi32, #tpu.memory_space<vmem>> -> memref<1x4x128xi32, #tpu.memory_space<vmem>>
      %dma_start3A_65 = tpu.memref_squeeze %dma_start3A_64 : memref<1x4x128xi32, #tpu.memory_space<vmem>> -> memref<4x128xi32, #tpu.memory_space<vmem>>
      %dma_start3A_66 = arith.constant 0 : i32
      %dma_start3A_67 = tpu.memref_slice %arg2[%add3A, %dma_start3A_66] : memref<5128x128xi32, #tpu.memory_space<hbm>> -> memref<4x128xi32, #tpu.memory_space<hbm>>
      %dma_start3A_68 = arith.constant 0 : i32
      %dma_start3A_69 = arith.constant 0 : i32
      %dma_start3A_70 = tpu.memref_slice %arg7[%run_scoped3A_7, %dma_start3A_68, %dma_start3A_69] : memref<2x4x128xi32, #tpu.memory_space<vmem>> -> memref<1x4x128xi32, #tpu.memory_space<vmem>>
      %dma_start3A_71 = tpu.memref_squeeze %dma_start3A_70 : memref<1x4x128xi32, #tpu.memory_space<vmem>> -> memref<4x128xi32, #tpu.memory_space<vmem>>
      %dma_start3A_72 = arith.constant 0 : i32
      %dma_start3A_73 = tpu.memref_slice %arg2[%add3A, %dma_start3A_72] : memref<5128x128xi32, #tpu.memory_space<hbm>> -> memref<4x128xi32, #tpu.memory_space<hbm>>
      tpu.enqueue_dma source(%dma_start3A_73 : memref<4x128xi32, #tpu.memory_space<hbm>>) target(%dma_start3A_71 : memref<4x128xi32, #tpu.memory_space<vmem>>) target_semaphore(%run_scoped3A_61 : memref<!tpu.dma_semaphore, #tpu.memory_space<semaphore_mem>>)
      %dma_wait3A_74 = arith.constant 0 : i32
      %dma_wait3A_75 = arith.constant 0 : i32
      %dma_wait3A_76 = tpu.memref_slice %arg7[%run_scoped3A_7, %dma_wait3A_74, %dma_wait3A_75] : memref<2x4x128xi32, #tpu.memory_space<vmem>> -> memref<1x4x128xi32, #tpu.memory_space<vmem>>
      %dma_wait3A_77 = tpu.memref_squeeze %dma_wait3A_76 : memref<1x4x128xi32, #tpu.memory_space<vmem>> -> memref<4x128xi32, #tpu.memory_space<vmem>>
      %dma_wait3A_78 = arith.constant 0 : i32
      %dma_wait3A_79 = tpu.memref_slice %arg2[%add3A, %dma_wait3A_78] : memref<5128x128xi32, #tpu.memory_space<hbm>> -> memref<4x128xi32, #tpu.memory_space<hbm>>
      %dma_wait3A_80 = arith.constant 0 : i32
      %dma_wait3A_81 = arith.constant 0 : i32
      %dma_wait3A_82 = tpu.memref_slice %arg7[%run_scoped3A_7, %dma_wait3A_80, %dma_wait3A_81] : memref<2x4x128xi32, #tpu.memory_space<vmem>> -> memref<1x4x128xi32, #tpu.memory_space<vmem>>
      %dma_wait3A_83 = tpu.memref_squeeze %dma_wait3A_82 : memref<1x4x128xi32, #tpu.memory_space<vmem>> -> memref<4x128xi32, #tpu.memory_space<vmem>>
      %dma_wait3A_84 = arith.constant 0 : i32
      %dma_wait3A_85 = tpu.memref_slice %arg2[%add3A, %dma_wait3A_84] : memref<5128x128xi32, #tpu.memory_space<hbm>> -> memref<4x128xi32, #tpu.memory_space<hbm>>
      tpu.wait_dma2 semaphore(%run_scoped3A_61 : memref<!tpu.dma_semaphore, #tpu.memory_space<semaphore_mem>>) src(%dma_wait3A_85 : memref<4x128xi32, #tpu.memory_space<hbm>>) dst(%dma_wait3A_83 : memref<4x128xi32, #tpu.memory_space<vmem>>)
      tpu.yield
    }) : () -> ()
    %dma_start3A = arith.constant 0 : i32
    %dma_start3A_8 = arith.constant 0 : i32
    %dma_start3A_9 = arith.constant 0 : i32
    %dma_start3A_10 = arith.constant 0 : i32
    %dma_start3A_11 = arith.constant 0 : i32
    %dma_start3A_12 = tpu.memref_slice %arg8[%dma_start3A_9, %dma_start3A_10, %dma_start3A_11] : memref<2x128x128xf32, #tpu.memory_space<vmem>> -> memref<1x64x128xf32, #tpu.memory_space<vmem>>
    %dma_start3A_13 = tpu.memref_squeeze %dma_start3A_12 : memref<1x64x128xf32, #tpu.memory_space<vmem>> -> memref<64x128xf32, #tpu.memory_space<vmem>>
    %dma_start3A_14 = arith.constant 0 : i32
    %dma_start3A_15 = tpu.memref_slice %arg7[%dma_start3A, %dma_start3A_8, %dma_start3A_14] : memref<2x4x128xi32, #tpu.memory_space<vmem>> -> memref<1x1x64xi32, #tpu.memory_space<vmem>>
    %dma_start3A_16 = tpu.memref_squeeze %dma_start3A_15 : memref<1x1x64xi32, #tpu.memory_space<vmem>> -> memref<64xi32, #tpu.memory_space<vmem>>
    %dma_start3A_17 = arith.constant 0 : i32
    %dma_start3A_18 = arith.constant 0 : i32
    %dma_start3A_19 = tpu.memref_slice %arg3[%dma_start3A_17, %dma_start3A_18] : memref<20480x128xf32, #tpu.memory_space<hbm>> -> memref<20480x128xf32, #tpu.memory_space<hbm>>
    tpu.enqueue_indirect_dma source(%dma_start3A_19 : memref<20480x128xf32, #tpu.memory_space<hbm>>) target(%dma_start3A_13 : memref<64x128xf32, #tpu.memory_space<vmem>>) offsets(%dma_start3A_16 : memref<64xi32, #tpu.memory_space<vmem>>) semaphore(%arg9 : memref<!tpu.dma_semaphore, #tpu.memory_space<semaphore_mem>>)
    %dma_start3A_20 = arith.constant 0 : i32
    %dma_start3A_21 = arith.constant 0 : i32
    %dma_start3A_22 = arith.constant 0 : i32
    %dma_start3A_23 = arith.constant 64 : i32
    %dma_start3A_24 = arith.constant 0 : i32
    %dma_start3A_25 = tpu.memref_slice %arg8[%dma_start3A_22, %dma_start3A_23, %dma_start3A_24] : memref<2x128x128xf32, #tpu.memory_space<vmem>> -> memref<1x64x128xf32, #tpu.memory_space<vmem>>
    %dma_start3A_26 = tpu.memref_squeeze %dma_start3A_25 : memref<1x64x128xf32, #tpu.memory_space<vmem>> -> memref<64x128xf32, #tpu.memory_space<vmem>>
    %dma_start3A_27 = arith.constant 64 : i32
    %dma_start3A_28 = tpu.memref_slice %arg7[%dma_start3A_20, %dma_start3A_21, %dma_start3A_27] : memref<2x4x128xi32, #tpu.memory_space<vmem>> -> memref<1x1x64xi32, #tpu.memory_space<vmem>>
    %dma_start3A_29 = tpu.memref_squeeze %dma_start3A_28 : memref<1x1x64xi32, #tpu.memory_space<vmem>> -> memref<64xi32, #tpu.memory_space<vmem>>
    %dma_start3A_30 = arith.constant 0 : i32
    %dma_start3A_31 = arith.constant 0 : i32
    %dma_start3A_32 = tpu.memref_slice %arg3[%dma_start3A_30, %dma_start3A_31] : memref<20480x128xf32, #tpu.memory_space<hbm>> -> memref<20480x128xf32, #tpu.memory_space<hbm>>
    tpu.enqueue_indirect_dma source(%dma_start3A_32 : memref<20480x128xf32, #tpu.memory_space<hbm>>) target(%dma_start3A_26 : memref<64x128xf32, #tpu.memory_space<vmem>>) offsets(%dma_start3A_29 : memref<64xi32, #tpu.memory_space<vmem>>) semaphore(%arg9 : memref<!tpu.dma_semaphore, #tpu.memory_space<semaphore_mem>>)
    %scan3A_33 = arith.constant 0 : i32
    %scan3A_34 = arith.constant 20 : i32
    %scan3A_35 = arith.addi %scan3A_33, %scan3A_34 : i32
    %scan3A_36 = arith.constant 1 : i32
    scf.for %scan3A_61 = %scan3A_33 to %scan3A_35 step %scan3A_36  : i32 {
      %mul3A_62 = arith.constant 1 : i32
      %mul3A_63 = arith.muli %scan3A_61, %mul3A_62 : i32
      %add3A_64 = arith.constant 0 : i32
      %add3A_65 = arith.addi %add3A_64, %mul3A_63 : i32
      %mul3A_66 = arith.constant 2 : i32
      %mul3A_67 = arith.muli %mul3A_66, %add3A_65 : i32
      %add3A_68 = arith.constant 1 : i32
      %add3A_69 = arith.addi %mul3A_67, %add3A_68 : i32
      %mul3A_70 = arith.constant 4 : i32
      %mul3A_71 = arith.muli %add3A_69, %mul3A_70 : i32
      %add3A_72 = arith.addi %add3A, %mul3A_71 : i32
      %dma_start3A_73 = arith.constant 1 : i32
      %dma_start3A_74 = arith.constant 0 : i32
      %dma_start3A_75 = arith.constant 0 : i32
      %dma_start3A_76 = tpu.memref_slice %arg7[%dma_start3A_73, %dma_start3A_74, %dma_start3A_75] : memref<2x4x128xi32, #tpu.memory_space<vmem>> -> memref<1x4x128xi32, #tpu.memory_space<vmem>>
      %dma_start3A_77 = tpu.memref_squeeze %dma_start3A_76 : memref<1x4x128xi32, #tpu.memory_space<vmem>> -> memref<4x128xi32, #tpu.memory_space<vmem>>
      %dma_start3A_78 = arith.constant 0 : i32
      %dma_start3A_79 = tpu.memref_slice %arg2[%add3A_72, %dma_start3A_78] : memref<5128x128xi32, #tpu.memory_space<hbm>> -> memref<4x128xi32, #tpu.memory_space<hbm>>
      %dma_start3A_80 = arith.constant 0 : i32
      %dma_start3A_81 = arith.constant 0 : i32
      %dma_start3A_82 = tpu.memref_slice %arg7[%dma_start3A_73, %dma_start3A_80, %dma_start3A_81] : memref<2x4x128xi32, #tpu.memory_space<vmem>> -> memref<1x4x128xi32, #tpu.memory_space<vmem>>
      %dma_start3A_83 = tpu.memref_squeeze %dma_start3A_82 : memref<1x4x128xi32, #tpu.memory_space<vmem>> -> memref<4x128xi32, #tpu.memory_space<vmem>>
      %dma_start3A_84 = arith.constant 0 : i32
      %dma_start3A_85 = tpu.memref_slice %arg2[%add3A_72, %dma_start3A_84] : memref<5128x128xi32, #tpu.memory_space<hbm>> -> memref<4x128xi32, #tpu.memory_space<hbm>>
      tpu.enqueue_dma source(%dma_start3A_85 : memref<4x128xi32, #tpu.memory_space<hbm>>) target(%dma_start3A_83 : memref<4x128xi32, #tpu.memory_space<vmem>>) target_semaphore(%arg11 : memref<!tpu.dma_semaphore, #tpu.memory_space<semaphore_mem>>)
      %dma_start3A_86 = arith.constant 0 : i32
      %dma_start3A_87 = arith.constant 2 : i32
      %dma_start3A_88 = arith.constant 1 : i32
      %dma_start3A_89 = arith.constant 0 : i32
      %dma_start3A_90 = arith.constant 0 : i32
      %dma_start3A_91 = tpu.memref_slice %arg8[%dma_start3A_88, %dma_start3A_89, %dma_start3A_90] : memref<2x128x128xf32, #tpu.memory_space<vmem>> -> memref<1x64x128xf32, #tpu.memory_space<vmem>>
      %dma_start3A_92 = tpu.memref_squeeze %dma_start3A_91 : memref<1x64x128xf32, #tpu.memory_space<vmem>> -> memref<64x128xf32, #tpu.memory_space<vmem>>
      %dma_start3A_93 = arith.constant 0 : i32
      %dma_start3A_94 = tpu.memref_slice %arg7[%dma_start3A_86, %dma_start3A_87, %dma_start3A_93] : memref<2x4x128xi32, #tpu.memory_space<vmem>> -> memref<1x1x64xi32, #tpu.memory_space<vmem>>
      %dma_start3A_95 = tpu.memref_squeeze %dma_start3A_94 : memref<1x1x64xi32, #tpu.memory_space<vmem>> -> memref<64xi32, #tpu.memory_space<vmem>>
      %dma_start3A_96 = arith.constant 0 : i32
      %dma_start3A_97 = arith.constant 0 : i32
      %dma_start3A_98 = tpu.memref_slice %arg3[%dma_start3A_96, %dma_start3A_97] : memref<20480x128xf32, #tpu.memory_space<hbm>> -> memref<20480x128xf32, #tpu.memory_space<hbm>>
      tpu.enqueue_indirect_dma source(%dma_start3A_98 : memref<20480x128xf32, #tpu.memory_space<hbm>>) target(%dma_start3A_92 : memref<64x128xf32, #tpu.memory_space<vmem>>) offsets(%dma_start3A_95 : memref<64xi32, #tpu.memory_space<vmem>>) semaphore(%arg10 : memref<!tpu.dma_semaphore, #tpu.memory_space<semaphore_mem>>)
      %dma_start3A_99 = arith.constant 0 : i32
      %dma_start3A_100 = arith.constant 2 : i32
      %dma_start3A_101 = arith.constant 1 : i32
      %dma_start3A_102 = arith.constant 64 : i32
      %dma_start3A_103 = arith.constant 0 : i32
      %dma_start3A_104 = tpu.memref_slice %arg8[%dma_start3A_101, %dma_start3A_102, %dma_start3A_103] : memref<2x128x128xf32, #tpu.memory_space<vmem>> -> memref<1x64x128xf32, #tpu.memory_space<vmem>>
      %dma_start3A_105 = tpu.memref_squeeze %dma_start3A_104 : memref<1x64x128xf32, #tpu.memory_space<vmem>> -> memref<64x128xf32, #tpu.memory_space<vmem>>
      %dma_start3A_106 = arith.constant 64 : i32
      %dma_start3A_107 = tpu.memref_slice %arg7[%dma_start3A_99, %dma_start3A_100, %dma_start3A_106] : memref<2x4x128xi32, #tpu.memory_space<vmem>> -> memref<1x1x64xi32, #tpu.memory_space<vmem>>
      %dma_start3A_108 = tpu.memref_squeeze %dma_start3A_107 : memref<1x1x64xi32, #tpu.memory_space<vmem>> -> memref<64xi32, #tpu.memory_space<vmem>>
      %dma_start3A_109 = arith.constant 0 : i32
      %dma_start3A_110 = arith.constant 0 : i32
      %dma_start3A_111 = tpu.memref_slice %arg3[%dma_start3A_109, %dma_start3A_110] : memref<20480x128xf32, #tpu.memory_space<hbm>> -> memref<20480x128xf32, #tpu.memory_space<hbm>>
      tpu.enqueue_indirect_dma source(%dma_start3A_111 : memref<20480x128xf32, #tpu.memory_space<hbm>>) target(%dma_start3A_105 : memref<64x128xf32, #tpu.memory_space<vmem>>) offsets(%dma_start3A_108 : memref<64xi32, #tpu.memory_space<vmem>>) semaphore(%arg10 : memref<!tpu.dma_semaphore, #tpu.memory_space<semaphore_mem>>)
      %dma_wait3A_112 = arith.constant 0 : i32
      %dma_wait3A_113 = arith.constant 0 : i32
      %dma_wait3A_114 = arith.constant 0 : i32
      %dma_wait3A_115 = arith.constant 0 : i32
      %dma_wait3A_116 = arith.constant 0 : i32
      %dma_wait3A_117 = tpu.memref_slice %arg8[%dma_wait3A_114, %dma_wait3A_115, %dma_wait3A_116] : memref<2x128x128xf32, #tpu.memory_space<vmem>> -> memref<1x128x128xf32, #tpu.memory_space<vmem>>
      %dma_wait3A_118 = tpu.memref_squeeze %dma_wait3A_117 : memref<1x128x128xf32, #tpu.memory_space<vmem>> -> memref<128x128xf32, #tpu.memory_space<vmem>>
      %dma_wait3A_119 = arith.constant 0 : i32
      %dma_wait3A_120 = tpu.memref_slice %arg7[%dma_wait3A_112, %dma_wait3A_113, %dma_wait3A_119] : memref<2x4x128xi32, #tpu.memory_space<vmem>> -> memref<1x1x128xi32, #tpu.memory_space<vmem>>
      %dma_wait3A_121 = tpu.memref_squeeze %dma_wait3A_120 : memref<1x1x128xi32, #tpu.memory_space<vmem>> -> memref<128xi32, #tpu.memory_space<vmem>>
      %dma_wait3A_122 = arith.constant 0 : i32
      %dma_wait3A_123 = arith.constant 0 : i32
      %dma_wait3A_124 = tpu.memref_slice %arg3[%dma_wait3A_122, %dma_wait3A_123] : memref<20480x128xf32, #tpu.memory_space<hbm>> -> memref<20480x128xf32, #tpu.memory_space<hbm>>
      tpu.wait_indirect_dma semaphore(%arg9 : memref<!tpu.dma_semaphore, #tpu.memory_space<semaphore_mem>>) src(%dma_wait3A_124 : memref<20480x128xf32, #tpu.memory_space<hbm>>) dst(%dma_wait3A_118 : memref<128x128xf32, #tpu.memory_space<vmem>>)
      %run_scoped3A_125 = arith.constant 0 : i32
      %run_scoped3A_126 = arith.constant 0 : i32
      %run_scoped3A_127 = arith.constant 1 : i32
      "tpu.region"() ({
        %run_scoped3A_300 = tpu.sem_alloc : memref<!tpu.dma_semaphore, #tpu.memory_space<semaphore_mem>>
        %dma_start3A_301 = arith.constant 0 : i32
        %dma_start3A_302 = arith.constant 0 : i32
        %dma_start3A_303 = tpu.memref_slice %arg8[%run_scoped3A_125, %dma_start3A_301, %dma_start3A_302] : memref<2x128x128xf32, #tpu.memory_space<vmem>> -> memref<1x128x128xf32, #tpu.memory_space<vmem>>
        %dma_start3A_304 = tpu.memref_squeeze %dma_start3A_303 : memref<1x128x128xf32, #tpu.memory_space<vmem>> -> memref<128x128xf32, #tpu.memory_space<vmem>>
        %dma_start3A_305 = arith.constant 0 : i32
        %dma_start3A_306 = tpu.memref_slice %arg7[%run_scoped3A_126, %run_scoped3A_127, %dma_start3A_305] : memref<2x4x128xi32, #tpu.memory_space<vmem>> -> memref<1x1x128xi32, #tpu.memory_space<vmem>>
        %dma_start3A_307 = tpu.memref_squeeze %dma_start3A_306 : memref<1x1x128xi32, #tpu.memory_space<vmem>> -> memref<128xi32, #tpu.memory_space<vmem>>
        %dma_start3A_308 = arith.constant 0 : i32
        %dma_start3A_309 = arith.constant 0 : i32
        %dma_start3A_310 = tpu.memref_slice %arg6[%dma_start3A_308, %dma_start3A_309] : memref<10240x128xf32, #tpu.memory_space<vmem_shared>> -> memref<10240x128xf32, #tpu.memory_space<vmem_shared>>
        tpu.enqueue_indirect_dma source(%dma_start3A_304 : memref<128x128xf32, #tpu.memory_space<vmem>>) target(%dma_start3A_310 : memref<10240x128xf32, #tpu.memory_space<vmem_shared>>) offsets(%dma_start3A_307 : memref<128xi32, #tpu.memory_space<vmem>>) semaphore(%run_scoped3A_300 : memref<!tpu.dma_semaphore, #tpu.memory_space<semaphore_mem>>) {add = true}
        %dma_wait3A_311 = arith.constant 0 : i32
        %dma_wait3A_312 = arith.constant 0 : i32
        %dma_wait3A_313 = tpu.memref_slice %arg8[%run_scoped3A_125, %dma_wait3A_311, %dma_wait3A_312] : memref<2x128x128xf32, #tpu.memory_space<vmem>> -> memref<1x128x128xf32, #tpu.memory_space<vmem>>
        %dma_wait3A_314 = tpu.memref_squeeze %dma_wait3A_313 : memref<1x128x128xf32, #tpu.memory_space<vmem>> -> memref<128x128xf32, #tpu.memory_space<vmem>>
        %dma_wait3A_315 = arith.constant 0 : i32
        %dma_wait3A_316 = tpu.memref_slice %arg7[%run_scoped3A_126, %run_scoped3A_127, %dma_wait3A_315] : memref<2x4x128xi32, #tpu.memory_space<vmem>> -> memref<1x1x128xi32, #tpu.memory_space<vmem>>
        %dma_wait3A_317 = tpu.memref_squeeze %dma_wait3A_316 : memref<1x1x128xi32, #tpu.memory_space<vmem>> -> memref<128xi32, #tpu.memory_space<vmem>>
        %dma_wait3A_318 = arith.constant 0 : i32
        %dma_wait3A_319 = arith.constant 0 : i32
        %dma_wait3A_320 = tpu.memref_slice %arg6[%dma_wait3A_318, %dma_wait3A_319] : memref<10240x128xf32, #tpu.memory_space<vmem_shared>> -> memref<10240x128xf32, #tpu.memory_space<vmem_shared>>
        tpu.wait_indirect_dma semaphore(%run_scoped3A_300 : memref<!tpu.dma_semaphore, #tpu.memory_space<semaphore_mem>>) src(%dma_wait3A_314 : memref<128x128xf32, #tpu.memory_space<vmem>>) dst(%dma_wait3A_320 : memref<10240x128xf32, #tpu.memory_space<vmem_shared>>)
        tpu.yield
      }) : () -> ()
      %dma_wait3A_128 = arith.constant 1 : i32
      %dma_wait3A_129 = arith.constant 0 : i32
      %dma_wait3A_130 = arith.constant 0 : i32
      %dma_wait3A_131 = tpu.memref_slice %arg7[%dma_wait3A_128, %dma_wait3A_129, %dma_wait3A_130] : memref<2x4x128xi32, #tpu.memory_space<vmem>> -> memref<1x4x128xi32, #tpu.memory_space<vmem>>
      %dma_wait3A_132 = tpu.memref_squeeze %dma_wait3A_131 : memref<1x4x128xi32, #tpu.memory_space<vmem>> -> memref<4x128xi32, #tpu.memory_space<vmem>>
      %dma_wait3A_133 = arith.constant 0 : i32
      %dma_wait3A_134 = tpu.memref_slice %arg2[%add3A, %dma_wait3A_133] : memref<5128x128xi32, #tpu.memory_space<hbm>> -> memref<4x128xi32, #tpu.memory_space<hbm>>
      %dma_wait3A_135 = arith.constant 0 : i32
      %dma_wait3A_136 = arith.constant 0 : i32
      %dma_wait3A_137 = tpu.memref_slice %arg7[%dma_wait3A_128, %dma_wait3A_135, %dma_wait3A_136] : memref<2x4x128xi32, #tpu.memory_space<vmem>> -> memref<1x4x128xi32, #tpu.memory_space<vmem>>
      %dma_wait3A_138 = tpu.memref_squeeze %dma_wait3A_137 : memref<1x4x128xi32, #tpu.memory_space<vmem>> -> memref<4x128xi32, #tpu.memory_space<vmem>>
      %dma_wait3A_139 = arith.constant 0 : i32
      %dma_wait3A_140 = tpu.memref_slice %arg2[%add3A, %dma_wait3A_139] : memref<5128x128xi32, #tpu.memory_space<hbm>> -> memref<4x128xi32, #tpu.memory_space<hbm>>
      tpu.wait_dma2 semaphore(%arg11 : memref<!tpu.dma_semaphore, #tpu.memory_space<semaphore_mem>>) src(%dma_wait3A_140 : memref<4x128xi32, #tpu.memory_space<hbm>>) dst(%dma_wait3A_138 : memref<4x128xi32, #tpu.memory_space<vmem>>)
      %dma_start3A_141 = arith.constant 1 : i32
      %dma_start3A_142 = arith.constant 0 : i32
      %dma_start3A_143 = arith.constant 0 : i32
      %dma_start3A_144 = arith.constant 0 : i32
      %dma_start3A_145 = arith.constant 0 : i32
      %dma_start3A_146 = tpu.memref_slice %arg8[%dma_start3A_143, %dma_start3A_144, %dma_start3A_145] : memref<2x128x128xf32, #tpu.memory_space<vmem>> -> memref<1x64x128xf32, #tpu.memory_space<vmem>>
      %dma_start3A_147 = tpu.memref_squeeze %dma_start3A_146 : memref<1x64x128xf32, #tpu.memory_space<vmem>> -> memref<64x128xf32, #tpu.memory_space<vmem>>
      %dma_start3A_148 = arith.constant 0 : i32
      %dma_start3A_149 = tpu.memref_slice %arg7[%dma_start3A_141, %dma_start3A_142, %dma_start3A_148] : memref<2x4x128xi32, #tpu.memory_space<vmem>> -> memref<1x1x64xi32, #tpu.memory_space<vmem>>
      %dma_start3A_150 = tpu.memref_squeeze %dma_start3A_149 : memref<1x1x64xi32, #tpu.memory_space<vmem>> -> memref<64xi32, #tpu.memory_space<vmem>>
      %dma_start3A_151 = arith.constant 0 : i32
      %dma_start3A_152 = arith.constant 0 : i32
      %dma_start3A_153 = tpu.memref_slice %arg3[%dma_start3A_151, %dma_start3A_152] : memref<20480x128xf32, #tpu.memory_space<hbm>> -> memref<20480x128xf32, #tpu.memory_space<hbm>>
      tpu.enqueue_indirect_dma source(%dma_start3A_153 : memref<20480x128xf32, #tpu.memory_space<hbm>>) target(%dma_start3A_147 : memref<64x128xf32, #tpu.memory_space<vmem>>) offsets(%dma_start3A_150 : memref<64xi32, #tpu.memory_space<vmem>>) semaphore(%arg9 : memref<!tpu.dma_semaphore, #tpu.memory_space<semaphore_mem>>)
      %dma_start3A_154 = arith.constant 1 : i32
      %dma_start3A_155 = arith.constant 0 : i32
      %dma_start3A_156 = arith.constant 0 : i32
      %dma_start3A_157 = arith.constant 64 : i32
      %dma_start3A_158 = arith.constant 0 : i32
      %dma_start3A_159 = tpu.memref_slice %arg8[%dma_start3A_156, %dma_start3A_157, %dma_start3A_158] : memref<2x128x128xf32, #tpu.memory_space<vmem>> -> memref<1x64x128xf32, #tpu.memory_space<vmem>>
      %dma_start3A_160 = tpu.memref_squeeze %dma_start3A_159 : memref<1x64x128xf32, #tpu.memory_space<vmem>> -> memref<64x128xf32, #tpu.memory_space<vmem>>
      %dma_start3A_161 = arith.constant 64 : i32
      %dma_start3A_162 = tpu.memref_slice %arg7[%dma_start3A_154, %dma_start3A_155, %dma_start3A_161] : memref<2x4x128xi32, #tpu.memory_space<vmem>> -> memref<1x1x64xi32, #tpu.memory_space<vmem>>
      %dma_start3A_163 = tpu.memref_squeeze %dma_start3A_162 : memref<1x1x64xi32, #tpu.memory_space<vmem>> -> memref<64xi32, #tpu.memory_space<vmem>>
      %dma_start3A_164 = arith.constant 0 : i32
      %dma_start3A_165 = arith.constant 0 : i32
      %dma_start3A_166 = tpu.memref_slice %arg3[%dma_start3A_164, %dma_start3A_165] : memref<20480x128xf32, #tpu.memory_space<hbm>> -> memref<20480x128xf32, #tpu.memory_space<hbm>>
      tpu.enqueue_indirect_dma source(%dma_start3A_166 : memref<20480x128xf32, #tpu.memory_space<hbm>>) target(%dma_start3A_160 : memref<64x128xf32, #tpu.memory_space<vmem>>) offsets(%dma_start3A_163 : memref<64xi32, #tpu.memory_space<vmem>>) semaphore(%arg9 : memref<!tpu.dma_semaphore, #tpu.memory_space<semaphore_mem>>)
      %dma_wait3A_167 = arith.constant 0 : i32
      %dma_wait3A_168 = arith.constant 0 : i32
      %dma_wait3A_169 = arith.constant 1 : i32
      %dma_wait3A_170 = arith.constant 0 : i32
      %dma_wait3A_171 = arith.constant 0 : i32
      %dma_wait3A_172 = tpu.memref_slice %arg8[%dma_wait3A_169, %dma_wait3A_170, %dma_wait3A_171] : memref<2x128x128xf32, #tpu.memory_space<vmem>> -> memref<1x128x128xf32, #tpu.memory_space<vmem>>
      %dma_wait3A_173 = tpu.memref_squeeze %dma_wait3A_172 : memref<1x128x128xf32, #tpu.memory_space<vmem>> -> memref<128x128xf32, #tpu.memory_space<vmem>>
      %dma_wait3A_174 = arith.constant 0 : i32
      %dma_wait3A_175 = tpu.memref_slice %arg7[%dma_wait3A_167, %dma_wait3A_168, %dma_wait3A_174] : memref<2x4x128xi32, #tpu.memory_space<vmem>> -> memref<1x1x128xi32, #tpu.memory_space<vmem>>
      %dma_wait3A_176 = tpu.memref_squeeze %dma_wait3A_175 : memref<1x1x128xi32, #tpu.memory_space<vmem>> -> memref<128xi32, #tpu.memory_space<vmem>>
      %dma_wait3A_177 = arith.constant 0 : i32
      %dma_wait3A_178 = arith.constant 0 : i32
      %dma_wait3A_179 = tpu.memref_slice %arg3[%dma_wait3A_177, %dma_wait3A_178] : memref<20480x128xf32, #tpu.memory_space<hbm>> -> memref<20480x128xf32, #tpu.memory_space<hbm>>
      tpu.wait_indirect_dma semaphore(%arg10 : memref<!tpu.dma_semaphore, #tpu.memory_space<semaphore_mem>>) src(%dma_wait3A_179 : memref<20480x128xf32, #tpu.memory_space<hbm>>) dst(%dma_wait3A_173 : memref<128x128xf32, #tpu.memory_space<vmem>>)
      %run_scoped3A_180 = arith.constant 1 : i32
      %run_scoped3A_181 = arith.constant 0 : i32
      %run_scoped3A_182 = arith.constant 3 : i32
      "tpu.region"() ({
        %run_scoped3A_300 = tpu.sem_alloc : memref<!tpu.dma_semaphore, #tpu.memory_space<semaphore_mem>>
        %dma_start3A_301 = arith.constant 0 : i32
        %dma_start3A_302 = arith.constant 0 : i32
        %dma_start3A_303 = tpu.memref_slice %arg8[%run_scoped3A_180, %dma_start3A_301, %dma_start3A_302] : memref<2x128x128xf32, #tpu.memory_space<vmem>> -> memref<1x128x128xf32, #tpu.memory_space<vmem>>
        %dma_start3A_304 = tpu.memref_squeeze %dma_start3A_303 : memref<1x128x128xf32, #tpu.memory_space<vmem>> -> memref<128x128xf32, #tpu.memory_space<vmem>>
        %dma_start3A_305 = arith.constant 0 : i32
        %dma_start3A_306 = tpu.memref_slice %arg7[%run_scoped3A_181, %run_scoped3A_182, %dma_start3A_305] : memref<2x4x128xi32, #tpu.memory_space<vmem>> -> memref<1x1x128xi32, #tpu.memory_space<vmem>>
        %dma_start3A_307 = tpu.memref_squeeze %dma_start3A_306 : memref<1x1x128xi32, #tpu.memory_space<vmem>> -> memref<128xi32, #tpu.memory_space<vmem>>
        %dma_start3A_308 = arith.constant 0 : i32
        %dma_start3A_309 = arith.constant 0 : i32
        %dma_start3A_310 = tpu.memref_slice %arg6[%dma_start3A_308, %dma_start3A_309] : memref<10240x128xf32, #tpu.memory_space<vmem_shared>> -> memref<10240x128xf32, #tpu.memory_space<vmem_shared>>
        tpu.enqueue_indirect_dma source(%dma_start3A_304 : memref<128x128xf32, #tpu.memory_space<vmem>>) target(%dma_start3A_310 : memref<10240x128xf32, #tpu.memory_space<vmem_shared>>) offsets(%dma_start3A_307 : memref<128xi32, #tpu.memory_space<vmem>>) semaphore(%run_scoped3A_300 : memref<!tpu.dma_semaphore, #tpu.memory_space<semaphore_mem>>) {add = true}
        %dma_wait3A_311 = arith.constant 0 : i32
        %dma_wait3A_312 = arith.constant 0 : i32
        %dma_wait3A_313 = tpu.memref_slice %arg8[%run_scoped3A_180, %dma_wait3A_311, %dma_wait3A_312] : memref<2x128x128xf32, #tpu.memory_space<vmem>> -> memref<1x128x128xf32, #tpu.memory_space<vmem>>
        %dma_wait3A_314 = tpu.memref_squeeze %dma_wait3A_313 : memref<1x128x128xf32, #tpu.memory_space<vmem>> -> memref<128x128xf32, #tpu.memory_space<vmem>>
        %dma_wait3A_315 = arith.constant 0 : i32
        %dma_wait3A_316 = tpu.memref_slice %arg7[%run_scoped3A_181, %run_scoped3A_182, %dma_wait3A_315] : memref<2x4x128xi32, #tpu.memory_space<vmem>> -> memref<1x1x128xi32, #tpu.memory_space<vmem>>
        %dma_wait3A_317 = tpu.memref_squeeze %dma_wait3A_316 : memref<1x1x128xi32, #tpu.memory_space<vmem>> -> memref<128xi32, #tpu.memory_space<vmem>>
        %dma_wait3A_318 = arith.constant 0 : i32
        %dma_wait3A_319 = arith.constant 0 : i32
        %dma_wait3A_320 = tpu.memref_slice %arg6[%dma_wait3A_318, %dma_wait3A_319] : memref<10240x128xf32, #tpu.memory_space<vmem_shared>> -> memref<10240x128xf32, #tpu.memory_space<vmem_shared>>
        tpu.wait_indirect_dma semaphore(%run_scoped3A_300 : memref<!tpu.dma_semaphore, #tpu.memory_space<semaphore_mem>>) src(%dma_wait3A_314 : memref<128x128xf32, #tpu.memory_space<vmem>>) dst(%dma_wait3A_320 : memref<10240x128xf32, #tpu.memory_space<vmem_shared>>)
        tpu.yield
      }) : () -> ()
      %mul3A_183 = arith.constant 2 : i32
      %mul3A_184 = arith.muli %mul3A_183, %add3A_65 : i32
      %add3A_185 = arith.constant 2 : i32
      %add3A_186 = arith.addi %mul3A_184, %add3A_185 : i32
      %mul3A_187 = arith.constant 4 : i32
      %mul3A_188 = arith.muli %add3A_186, %mul3A_187 : i32
      %add3A_189 = arith.addi %add3A, %mul3A_188 : i32
      %dma_start3A_190 = arith.constant 0 : i32
      %dma_start3A_191 = arith.constant 0 : i32
      %dma_start3A_192 = arith.constant 0 : i32
      %dma_start3A_193 = tpu.memref_slice %arg7[%dma_start3A_190, %dma_start3A_191, %dma_start3A_192] : memref<2x4x128xi32, #tpu.memory_space<vmem>> -> memref<1x4x128xi32, #tpu.memory_space<vmem>>
      %dma_start3A_194 = tpu.memref_squeeze %dma_start3A_193 : memref<1x4x128xi32, #tpu.memory_space<vmem>> -> memref<4x128xi32, #tpu.memory_space<vmem>>
      %dma_start3A_195 = arith.constant 0 : i32
      %dma_start3A_196 = tpu.memref_slice %arg2[%add3A_189, %dma_start3A_195] : memref<5128x128xi32, #tpu.memory_space<hbm>> -> memref<4x128xi32, #tpu.memory_space<hbm>>
      %dma_start3A_197 = arith.constant 0 : i32
      %dma_start3A_198 = arith.constant 0 : i32
      %dma_start3A_199 = tpu.memref_slice %arg7[%dma_start3A_190, %dma_start3A_197, %dma_start3A_198] : memref<2x4x128xi32, #tpu.memory_space<vmem>> -> memref<1x4x128xi32, #tpu.memory_space<vmem>>
      %dma_start3A_200 = tpu.memref_squeeze %dma_start3A_199 : memref<1x4x128xi32, #tpu.memory_space<vmem>> -> memref<4x128xi32, #tpu.memory_space<vmem>>
      %dma_start3A_201 = arith.constant 0 : i32
      %dma_start3A_202 = tpu.memref_slice %arg2[%add3A_189, %dma_start3A_201] : memref<5128x128xi32, #tpu.memory_space<hbm>> -> memref<4x128xi32, #tpu.memory_space<hbm>>
      tpu.enqueue_dma source(%dma_start3A_202 : memref<4x128xi32, #tpu.memory_space<hbm>>) target(%dma_start3A_200 : memref<4x128xi32, #tpu.memory_space<vmem>>) target_semaphore(%arg11 : memref<!tpu.dma_semaphore, #tpu.memory_space<semaphore_mem>>)
      %dma_start3A_203 = arith.constant 1 : i32
      %dma_start3A_204 = arith.constant 2 : i32
      %dma_start3A_205 = arith.constant 1 : i32
      %dma_start3A_206 = arith.constant 0 : i32
      %dma_start3A_207 = arith.constant 0 : i32
      %dma_start3A_208 = tpu.memref_slice %arg8[%dma_start3A_205, %dma_start3A_206, %dma_start3A_207] : memref<2x128x128xf32, #tpu.memory_space<vmem>> -> memref<1x64x128xf32, #tpu.memory_space<vmem>>
      %dma_start3A_209 = tpu.memref_squeeze %dma_start3A_208 : memref<1x64x128xf32, #tpu.memory_space<vmem>> -> memref<64x128xf32, #tpu.memory_space<vmem>>
      %dma_start3A_210 = arith.constant 0 : i32
      %dma_start3A_211 = tpu.memref_slice %arg7[%dma_start3A_203, %dma_start3A_204, %dma_start3A_210] : memref<2x4x128xi32, #tpu.memory_space<vmem>> -> memref<1x1x64xi32, #tpu.memory_space<vmem>>
      %dma_start3A_212 = tpu.memref_squeeze %dma_start3A_211 : memref<1x1x64xi32, #tpu.memory_space<vmem>> -> memref<64xi32, #tpu.memory_space<vmem>>
      %dma_start3A_213 = arith.constant 0 : i32
      %dma_start3A_214 = arith.constant 0 : i32
      %dma_start3A_215 = tpu.memref_slice %arg3[%dma_start3A_213, %dma_start3A_214] : memref<20480x128xf32, #tpu.memory_space<hbm>> -> memref<20480x128xf32, #tpu.memory_space<hbm>>
      tpu.enqueue_indirect_dma source(%dma_start3A_215 : memref<20480x128xf32, #tpu.memory_space<hbm>>) target(%dma_start3A_209 : memref<64x128xf32, #tpu.memory_space<vmem>>) offsets(%dma_start3A_212 : memref<64xi32, #tpu.memory_space<vmem>>) semaphore(%arg10 : memref<!tpu.dma_semaphore, #tpu.memory_space<semaphore_mem>>)
      %dma_start3A_216 = arith.constant 1 : i32
      %dma_start3A_217 = arith.constant 2 : i32
      %dma_start3A_218 = arith.constant 1 : i32
      %dma_start3A_219 = arith.constant 64 : i32
      %dma_start3A_220 = arith.constant 0 : i32
      %dma_start3A_221 = tpu.memref_slice %arg8[%dma_start3A_218, %dma_start3A_219, %dma_start3A_220] : memref<2x128x128xf32, #tpu.memory_space<vmem>> -> memref<1x64x128xf32, #tpu.memory_space<vmem>>
      %dma_start3A_222 = tpu.memref_squeeze %dma_start3A_221 : memref<1x64x128xf32, #tpu.memory_space<vmem>> -> memref<64x128xf32, #tpu.memory_space<vmem>>
      %dma_start3A_223 = arith.constant 64 : i32
      %dma_start3A_224 = tpu.memref_slice %arg7[%dma_start3A_216, %dma_start3A_217, %dma_start3A_223] : memref<2x4x128xi32, #tpu.memory_space<vmem>> -> memref<1x1x64xi32, #tpu.memory_space<vmem>>
      %dma_start3A_225 = tpu.memref_squeeze %dma_start3A_224 : memref<1x1x64xi32, #tpu.memory_space<vmem>> -> memref<64xi32, #tpu.memory_space<vmem>>
      %dma_start3A_226 = arith.constant 0 : i32
      %dma_start3A_227 = arith.constant 0 : i32
      %dma_start3A_228 = tpu.memref_slice %arg3[%dma_start3A_226, %dma_start3A_227] : memref<20480x128xf32, #tpu.memory_space<hbm>> -> memref<20480x128xf32, #tpu.memory_space<hbm>>
      tpu.enqueue_indirect_dma source(%dma_start3A_228 : memref<20480x128xf32, #tpu.memory_space<hbm>>) target(%dma_start3A_222 : memref<64x128xf32, #tpu.memory_space<vmem>>) offsets(%dma_start3A_225 : memref<64xi32, #tpu.memory_space<vmem>>) semaphore(%arg10 : memref<!tpu.dma_semaphore, #tpu.memory_space<semaphore_mem>>)
      %dma_wait3A_229 = arith.constant 0 : i32
      %dma_wait3A_230 = arith.constant 0 : i32
      %dma_wait3A_231 = arith.constant 0 : i32
      %dma_wait3A_232 = arith.constant 0 : i32
      %dma_wait3A_233 = arith.constant 0 : i32
      %dma_wait3A_234 = tpu.memref_slice %arg8[%dma_wait3A_231, %dma_wait3A_232, %dma_wait3A_233] : memref<2x128x128xf32, #tpu.memory_space<vmem>> -> memref<1x128x128xf32, #tpu.memory_space<vmem>>
      %dma_wait3A_235 = tpu.memref_squeeze %dma_wait3A_234 : memref<1x128x128xf32, #tpu.memory_space<vmem>> -> memref<128x128xf32, #tpu.memory_space<vmem>>
      %dma_wait3A_236 = arith.constant 0 : i32
      %dma_wait3A_237 = tpu.memref_slice %arg7[%dma_wait3A_229, %dma_wait3A_230, %dma_wait3A_236] : memref<2x4x128xi32, #tpu.memory_space<vmem>> -> memref<1x1x128xi32, #tpu.memory_space<vmem>>
      %dma_wait3A_238 = tpu.memref_squeeze %dma_wait3A_237 : memref<1x1x128xi32, #tpu.memory_space<vmem>> -> memref<128xi32, #tpu.memory_space<vmem>>
      %dma_wait3A_239 = arith.constant 0 : i32
      %dma_wait3A_240 = arith.constant 0 : i32
      %dma_wait3A_241 = tpu.memref_slice %arg3[%dma_wait3A_239, %dma_wait3A_240] : memref<20480x128xf32, #tpu.memory_space<hbm>> -> memref<20480x128xf32, #tpu.memory_space<hbm>>
      tpu.wait_indirect_dma semaphore(%arg9 : memref<!tpu.dma_semaphore, #tpu.memory_space<semaphore_mem>>) src(%dma_wait3A_241 : memref<20480x128xf32, #tpu.memory_space<hbm>>) dst(%dma_wait3A_235 : memref<128x128xf32, #tpu.memory_space<vmem>>)
      %run_scoped3A_242 = arith.constant 0 : i32
      %run_scoped3A_243 = arith.constant 1 : i32
      %run_scoped3A_244 = arith.constant 1 : i32
      "tpu.region"() ({
        %run_scoped3A_300 = tpu.sem_alloc : memref<!tpu.dma_semaphore, #tpu.memory_space<semaphore_mem>>
        %dma_start3A_301 = arith.constant 0 : i32
        %dma_start3A_302 = arith.constant 0 : i32
        %dma_start3A_303 = tpu.memref_slice %arg8[%run_scoped3A_242, %dma_start3A_301, %dma_start3A_302] : memref<2x128x128xf32, #tpu.memory_space<vmem>> -> memref<1x128x128xf32, #tpu.memory_space<vmem>>
        %dma_start3A_304 = tpu.memref_squeeze %dma_start3A_303 : memref<1x128x128xf32, #tpu.memory_space<vmem>> -> memref<128x128xf32, #tpu.memory_space<vmem>>
        %dma_start3A_305 = arith.constant 0 : i32
        %dma_start3A_306 = tpu.memref_slice %arg7[%run_scoped3A_243, %run_scoped3A_244, %dma_start3A_305] : memref<2x4x128xi32, #tpu.memory_space<vmem>> -> memref<1x1x128xi32, #tpu.memory_space<vmem>>
        %dma_start3A_307 = tpu.memref_squeeze %dma_start3A_306 : memref<1x1x128xi32, #tpu.memory_space<vmem>> -> memref<128xi32, #tpu.memory_space<vmem>>
        %dma_start3A_308 = arith.constant 0 : i32
        %dma_start3A_309 = arith.constant 0 : i32
        %dma_start3A_310 = tpu.memref_slice %arg6[%dma_start3A_308, %dma_start3A_309] : memref<10240x128xf32, #tpu.memory_space<vmem_shared>> -> memref<10240x128xf32, #tpu.memory_space<vmem_shared>>
        tpu.enqueue_indirect_dma source(%dma_start3A_304 : memref<128x128xf32, #tpu.memory_space<vmem>>) target(%dma_start3A_310 : memref<10240x128xf32, #tpu.memory_space<vmem_shared>>) offsets(%dma_start3A_307 : memref<128xi32, #tpu.memory_space<vmem>>) semaphore(%run_scoped3A_300 : memref<!tpu.dma_semaphore, #tpu.memory_space<semaphore_mem>>) {add = true}
        %dma_wait3A_311 = arith.constant 0 : i32
        %dma_wait3A_312 = arith.constant 0 : i32
        %dma_wait3A_313 = tpu.memref_slice %arg8[%run_scoped3A_242, %dma_wait3A_311, %dma_wait3A_312] : memref<2x128x128xf32, #tpu.memory_space<vmem>> -> memref<1x128x128xf32, #tpu.memory_space<vmem>>
        %dma_wait3A_314 = tpu.memref_squeeze %dma_wait3A_313 : memref<1x128x128xf32, #tpu.memory_space<vmem>> -> memref<128x128xf32, #tpu.memory_space<vmem>>
        %dma_wait3A_315 = arith.constant 0 : i32
        %dma_wait3A_316 = tpu.memref_slice %arg7[%run_scoped3A_243, %run_scoped3A_244, %dma_wait3A_315] : memref<2x4x128xi32, #tpu.memory_space<vmem>> -> memref<1x1x128xi32, #tpu.memory_space<vmem>>
        %dma_wait3A_317 = tpu.memref_squeeze %dma_wait3A_316 : memref<1x1x128xi32, #tpu.memory_space<vmem>> -> memref<128xi32, #tpu.memory_space<vmem>>
        %dma_wait3A_318 = arith.constant 0 : i32
        %dma_wait3A_319 = arith.constant 0 : i32
        %dma_wait3A_320 = tpu.memref_slice %arg6[%dma_wait3A_318, %dma_wait3A_319] : memref<10240x128xf32, #tpu.memory_space<vmem_shared>> -> memref<10240x128xf32, #tpu.memory_space<vmem_shared>>
        tpu.wait_indirect_dma semaphore(%run_scoped3A_300 : memref<!tpu.dma_semaphore, #tpu.memory_space<semaphore_mem>>) src(%dma_wait3A_314 : memref<128x128xf32, #tpu.memory_space<vmem>>) dst(%dma_wait3A_320 : memref<10240x128xf32, #tpu.memory_space<vmem_shared>>)
        tpu.yield
      }) : () -> ()
      %dma_wait3A_245 = arith.constant 0 : i32
      %dma_wait3A_246 = arith.constant 0 : i32
      %dma_wait3A_247 = arith.constant 0 : i32
      %dma_wait3A_248 = tpu.memref_slice %arg7[%dma_wait3A_245, %dma_wait3A_246, %dma_wait3A_247] : memref<2x4x128xi32, #tpu.memory_space<vmem>> -> memref<1x4x128xi32, #tpu.memory_space<vmem>>
      %dma_wait3A_249 = tpu.memref_squeeze %dma_wait3A_248 : memref<1x4x128xi32, #tpu.memory_space<vmem>> -> memref<4x128xi32, #tpu.memory_space<vmem>>
      %dma_wait3A_250 = arith.constant 0 : i32
      %dma_wait3A_251 = tpu.memref_slice %arg2[%add3A, %dma_wait3A_250] : memref<5128x128xi32, #tpu.memory_space<hbm>> -> memref<4x128xi32, #tpu.memory_space<hbm>>
      %dma_wait3A_252 = arith.constant 0 : i32
      %dma_wait3A_253 = arith.constant 0 : i32
      %dma_wait3A_254 = tpu.memref_slice %arg7[%dma_wait3A_245, %dma_wait3A_252, %dma_wait3A_253] : memref<2x4x128xi32, #tpu.memory_space<vmem>> -> memref<1x4x128xi32, #tpu.memory_space<vmem>>
      %dma_wait3A_255 = tpu.memref_squeeze %dma_wait3A_254 : memref<1x4x128xi32, #tpu.memory_space<vmem>> -> memref<4x128xi32, #tpu.memory_space<vmem>>
      %dma_wait3A_256 = arith.constant 0 : i32
      %dma_wait3A_257 = tpu.memref_slice %arg2[%add3A, %dma_wait3A_256] : memref<5128x128xi32, #tpu.memory_space<hbm>> -> memref<4x128xi32, #tpu.memory_space<hbm>>
      tpu.wait_dma2 semaphore(%arg11 : memref<!tpu.dma_semaphore, #tpu.memory_space<semaphore_mem>>) src(%dma_wait3A_257 : memref<4x128xi32, #tpu.memory_space<hbm>>) dst(%dma_wait3A_255 : memref<4x128xi32, #tpu.memory_space<vmem>>)
      %dma_start3A_258 = arith.constant 0 : i32
      %dma_start3A_259 = arith.constant 0 : i32
      %dma_start3A_260 = arith.constant 0 : i32
      %dma_start3A_261 = arith.constant 0 : i32
      %dma_start3A_262 = arith.constant 0 : i32
      %dma_start3A_263 = tpu.memref_slice %arg8[%dma_start3A_260, %dma_start3A_261, %dma_start3A_262] : memref<2x128x128xf32, #tpu.memory_space<vmem>> -> memref<1x64x128xf32, #tpu.memory_space<vmem>>
      %dma_start3A_264 = tpu.memref_squeeze %dma_start3A_263 : memref<1x64x128xf32, #tpu.memory_space<vmem>> -> memref<64x128xf32, #tpu.memory_space<vmem>>
      %dma_start3A_265 = arith.constant 0 : i32
      %dma_start3A_266 = tpu.memref_slice %arg7[%dma_start3A_258, %dma_start3A_259, %dma_start3A_265] : memref<2x4x128xi32, #tpu.memory_space<vmem>> -> memref<1x1x64xi32, #tpu.memory_space<vmem>>
      %dma_start3A_267 = tpu.memref_squeeze %dma_start3A_266 : memref<1x1x64xi32, #tpu.memory_space<vmem>> -> memref<64xi32, #tpu.memory_space<vmem>>
      %dma_start3A_268 = arith.constant 0 : i32
      %dma_start3A_269 = arith.constant 0 : i32
      %dma_start3A_270 = tpu.memref_slice %arg3[%dma_start3A_268, %dma_start3A_269] : memref<20480x128xf32, #tpu.memory_space<hbm>> -> memref<20480x128xf32, #tpu.memory_space<hbm>>
      tpu.enqueue_indirect_dma source(%dma_start3A_270 : memref<20480x128xf32, #tpu.memory_space<hbm>>) target(%dma_start3A_264 : memref<64x128xf32, #tpu.memory_space<vmem>>) offsets(%dma_start3A_267 : memref<64xi32, #tpu.memory_space<vmem>>) semaphore(%arg9 : memref<!tpu.dma_semaphore, #tpu.memory_space<semaphore_mem>>)
      %dma_start3A_271 = arith.constant 0 : i32
      %dma_start3A_272 = arith.constant 0 : i32
      %dma_start3A_273 = arith.constant 0 : i32
      %dma_start3A_274 = arith.constant 64 : i32
      %dma_start3A_275 = arith.constant 0 : i32
      %dma_start3A_276 = tpu.memref_slice %arg8[%dma_start3A_273, %dma_start3A_274, %dma_start3A_275] : memref<2x128x128xf32, #tpu.memory_space<vmem>> -> memref<1x64x128xf32, #tpu.memory_space<vmem>>
      %dma_start3A_277 = tpu.memref_squeeze %dma_start3A_276 : memref<1x64x128xf32, #tpu.memory_space<vmem>> -> memref<64x128xf32, #tpu.memory_space<vmem>>
      %dma_start3A_278 = arith.constant 64 : i32
      %dma_start3A_279 = tpu.memref_slice %arg7[%dma_start3A_271, %dma_start3A_272, %dma_start3A_278] : memref<2x4x128xi32, #tpu.memory_space<vmem>> -> memref<1x1x64xi32, #tpu.memory_space<vmem>>
      %dma_start3A_280 = tpu.memref_squeeze %dma_start3A_279 : memref<1x1x64xi32, #tpu.memory_space<vmem>> -> memref<64xi32, #tpu.memory_space<vmem>>
      %dma_start3A_281 = arith.constant 0 : i32
      %dma_start3A_282 = arith.constant 0 : i32
      %dma_start3A_283 = tpu.memref_slice %arg3[%dma_start3A_281, %dma_start3A_282] : memref<20480x128xf32, #tpu.memory_space<hbm>> -> memref<20480x128xf32, #tpu.memory_space<hbm>>
      tpu.enqueue_indirect_dma source(%dma_start3A_283 : memref<20480x128xf32, #tpu.memory_space<hbm>>) target(%dma_start3A_277 : memref<64x128xf32, #tpu.memory_space<vmem>>) offsets(%dma_start3A_280 : memref<64xi32, #tpu.memory_space<vmem>>) semaphore(%arg9 : memref<!tpu.dma_semaphore, #tpu.memory_space<semaphore_mem>>)
      %dma_wait3A_284 = arith.constant 0 : i32
      %dma_wait3A_285 = arith.constant 0 : i32
      %dma_wait3A_286 = arith.constant 1 : i32
      %dma_wait3A_287 = arith.constant 0 : i32
      %dma_wait3A_288 = arith.constant 0 : i32
      %dma_wait3A_289 = tpu.memref_slice %arg8[%dma_wait3A_286, %dma_wait3A_287, %dma_wait3A_288] : memref<2x128x128xf32, #tpu.memory_space<vmem>> -> memref<1x128x128xf32, #tpu.memory_space<vmem>>
      %dma_wait3A_290 = tpu.memref_squeeze %dma_wait3A_289 : memref<1x128x128xf32, #tpu.memory_space<vmem>> -> memref<128x128xf32, #tpu.memory_space<vmem>>
      %dma_wait3A_291 = arith.constant 0 : i32
      %dma_wait3A_292 = tpu.memref_slice %arg7[%dma_wait3A_284, %dma_wait3A_285, %dma_wait3A_291] : memref<2x4x128xi32, #tpu.memory_space<vmem>> -> memref<1x1x128xi32, #tpu.memory_space<vmem>>
      %dma_wait3A_293 = tpu.memref_squeeze %dma_wait3A_292 : memref<1x1x128xi32, #tpu.memory_space<vmem>> -> memref<128xi32, #tpu.memory_space<vmem>>
      %dma_wait3A_294 = arith.constant 0 : i32
      %dma_wait3A_295 = arith.constant 0 : i32
      %dma_wait3A_296 = tpu.memref_slice %arg3[%dma_wait3A_294, %dma_wait3A_295] : memref<20480x128xf32, #tpu.memory_space<hbm>> -> memref<20480x128xf32, #tpu.memory_space<hbm>>
      tpu.wait_indirect_dma semaphore(%arg10 : memref<!tpu.dma_semaphore, #tpu.memory_space<semaphore_mem>>) src(%dma_wait3A_296 : memref<20480x128xf32, #tpu.memory_space<hbm>>) dst(%dma_wait3A_290 : memref<128x128xf32, #tpu.memory_space<vmem>>)
      %run_scoped3A_297 = arith.constant 1 : i32
      %run_scoped3A_298 = arith.constant 1 : i32
      %run_scoped3A_299 = arith.constant 3 : i32
      "tpu.region"() ({
        %run_scoped3A_300 = tpu.sem_alloc : memref<!tpu.dma_semaphore, #tpu.memory_space<semaphore_mem>>
        %dma_start3A_301 = arith.constant 0 : i32
        %dma_start3A_302 = arith.constant 0 : i32
        %dma_start3A_303 = tpu.memref_slice %arg8[%run_scoped3A_297, %dma_start3A_301, %dma_start3A_302] : memref<2x128x128xf32, #tpu.memory_space<vmem>> -> memref<1x128x128xf32, #tpu.memory_space<vmem>>
        %dma_start3A_304 = tpu.memref_squeeze %dma_start3A_303 : memref<1x128x128xf32, #tpu.memory_space<vmem>> -> memref<128x128xf32, #tpu.memory_space<vmem>>
        %dma_start3A_305 = arith.constant 0 : i32
        %dma_start3A_306 = tpu.memref_slice %arg7[%run_scoped3A_298, %run_scoped3A_299, %dma_start3A_305] : memref<2x4x128xi32, #tpu.memory_space<vmem>> -> memref<1x1x128xi32, #tpu.memory_space<vmem>>
        %dma_start3A_307 = tpu.memref_squeeze %dma_start3A_306 : memref<1x1x128xi32, #tpu.memory_space<vmem>> -> memref<128xi32, #tpu.memory_space<vmem>>
        %dma_start3A_308 = arith.constant 0 : i32
        %dma_start3A_309 = arith.constant 0 : i32
        %dma_start3A_310 = tpu.memref_slice %arg6[%dma_start3A_308, %dma_start3A_309] : memref<10240x128xf32, #tpu.memory_space<vmem_shared>> -> memref<10240x128xf32, #tpu.memory_space<vmem_shared>>
        tpu.enqueue_indirect_dma source(%dma_start3A_304 : memref<128x128xf32, #tpu.memory_space<vmem>>) target(%dma_start3A_310 : memref<10240x128xf32, #tpu.memory_space<vmem_shared>>) offsets(%dma_start3A_307 : memref<128xi32, #tpu.memory_space<vmem>>) semaphore(%run_scoped3A_300 : memref<!tpu.dma_semaphore, #tpu.memory_space<semaphore_mem>>) {add = true}
        %dma_wait3A_311 = arith.constant 0 : i32
        %dma_wait3A_312 = arith.constant 0 : i32
        %dma_wait3A_313 = tpu.memref_slice %arg8[%run_scoped3A_297, %dma_wait3A_311, %dma_wait3A_312] : memref<2x128x128xf32, #tpu.memory_space<vmem>> -> memref<1x128x128xf32, #tpu.memory_space<vmem>>
        %dma_wait3A_314 = tpu.memref_squeeze %dma_wait3A_313 : memref<1x128x128xf32, #tpu.memory_space<vmem>> -> memref<128x128xf32, #tpu.memory_space<vmem>>
        %dma_wait3A_315 = arith.constant 0 : i32
        %dma_wait3A_316 = tpu.memref_slice %arg7[%run_scoped3A_298, %run_scoped3A_299, %dma_wait3A_315] : memref<2x4x128xi32, #tpu.memory_space<vmem>> -> memref<1x1x128xi32, #tpu.memory_space<vmem>>
        %dma_wait3A_317 = tpu.memref_squeeze %dma_wait3A_316 : memref<1x1x128xi32, #tpu.memory_space<vmem>> -> memref<128xi32, #tpu.memory_space<vmem>>
        %dma_wait3A_318 = arith.constant 0 : i32
        %dma_wait3A_319 = arith.constant 0 : i32
        %dma_wait3A_320 = tpu.memref_slice %arg6[%dma_wait3A_318, %dma_wait3A_319] : memref<10240x128xf32, #tpu.memory_space<vmem_shared>> -> memref<10240x128xf32, #tpu.memory_space<vmem_shared>>
        tpu.wait_indirect_dma semaphore(%run_scoped3A_300 : memref<!tpu.dma_semaphore, #tpu.memory_space<semaphore_mem>>) src(%dma_wait3A_314 : memref<128x128xf32, #tpu.memory_space<vmem>>) dst(%dma_wait3A_320 : memref<10240x128xf32, #tpu.memory_space<vmem_shared>>)
        tpu.yield
      }) : () -> ()
    }
    %scan3A_37 = arith.constant 20 : i32
    %dma_wait3A = arith.constant 0 : i32
    %dma_wait3A_38 = arith.constant 0 : i32
    %dma_wait3A_39 = arith.constant 0 : i32
    %dma_wait3A_40 = arith.constant 0 : i32
    %dma_wait3A_41 = arith.constant 0 : i32
    %dma_wait3A_42 = tpu.memref_slice %arg8[%dma_wait3A_39, %dma_wait3A_40, %dma_wait3A_41] : memref<2x128x128xf32, #tpu.memory_space<vmem>> -> memref<1x128x128xf32, #tpu.memory_space<vmem>>
    %dma_wait3A_43 = tpu.memref_squeeze %dma_wait3A_42 : memref<1x128x128xf32, #tpu.memory_space<vmem>> -> memref<128x128xf32, #tpu.memory_space<vmem>>
    %dma_wait3A_44 = arith.constant 0 : i32
    %dma_wait3A_45 = tpu.memref_slice %arg7[%dma_wait3A, %dma_wait3A_38, %dma_wait3A_44] : memref<2x4x128xi32, #tpu.memory_space<vmem>> -> memref<1x1x128xi32, #tpu.memory_space<vmem>>
    %dma_wait3A_46 = tpu.memref_squeeze %dma_wait3A_45 : memref<1x1x128xi32, #tpu.memory_space<vmem>> -> memref<128xi32, #tpu.memory_space<vmem>>
    %dma_wait3A_47 = arith.constant 0 : i32
    %dma_wait3A_48 = arith.constant 0 : i32
    %dma_wait3A_49 = tpu.memref_slice %arg3[%dma_wait3A_47, %dma_wait3A_48] : memref<20480x128xf32, #tpu.memory_space<hbm>> -> memref<20480x128xf32, #tpu.memory_space<hbm>>
    tpu.wait_indirect_dma semaphore(%arg9 : memref<!tpu.dma_semaphore, #tpu.memory_space<semaphore_mem>>) src(%dma_wait3A_49 : memref<20480x128xf32, #tpu.memory_space<hbm>>) dst(%dma_wait3A_43 : memref<128x128xf32, #tpu.memory_space<vmem>>)
    %barrier3A_50 = arith.constant 0 : index
    tpu.barrier barrier_id(%barrier3A_50)
    %mul3A_51 = arith.constant 10240 : i32
    %mul3A_52 = arith.muli %arg0, %mul3A_51 : i32
    %mul3A_53 = arith.constant 640 : i32
    %mul3A_54 = arith.muli %arg1, %mul3A_53 : i32
    %add3A_55 = arith.addi %mul3A_52, %mul3A_54 : i32
    %scan3A_56 = arith.constant 0 : i32
    %scan3A_57 = arith.constant 5 : i32
    %scan3A_58 = arith.addi %scan3A_56, %scan3A_57 : i32
    %scan3A_59 = arith.constant 1 : i32
    scf.for %scan3A_61 = %scan3A_56 to %scan3A_58 step %scan3A_59  : i32 {
      %mul3A_62 = arith.constant 1 : i32
      %mul3A_63 = arith.muli %scan3A_61, %mul3A_62 : i32
      %add3A_64 = arith.constant 0 : i32
      %add3A_65 = arith.addi %add3A_64, %mul3A_63 : i32
      %mul3A_66 = arith.constant 640 : i32
      %mul3A_67 = arith.muli %arg1, %mul3A_66 : i32
      %mul3A_68 = arith.constant 128 : i32
      %mul3A_69 = arith.muli %add3A_65, %mul3A_68 : i32
      %add3A_70 = arith.addi %mul3A_67, %mul3A_69 : i32
      %run_scoped3A_71 = arith.constant 0 : i32
      "tpu.region"() ({
        %run_scoped3A_76 = tpu.sem_alloc : memref<!tpu.dma_semaphore, #tpu.memory_space<semaphore_mem>>
        %dma_start3A_77 = arith.constant 0 : i32
        %dma_start3A_78 = arith.constant 0 : i32
        %dma_start3A_79 = tpu.memref_slice %arg8[%run_scoped3A_71, %dma_start3A_77, %dma_start3A_78] : memref<2x128x128xf32, #tpu.memory_space<vmem>> -> memref<1x128x128xf32, #tpu.memory_space<vmem>>
        %dma_start3A_80 = tpu.memref_squeeze %dma_start3A_79 : memref<1x128x128xf32, #tpu.memory_space<vmem>> -> memref<128x128xf32, #tpu.memory_space<vmem>>
        %dma_start3A_81 = arith.constant 0 : i32
        %dma_start3A_82 = tpu.memref_slice %arg6[%add3A_70, %dma_start3A_81] : memref<10240x128xf32, #tpu.memory_space<vmem_shared>> -> memref<128x128xf32, #tpu.memory_space<vmem_shared>>
        %dma_start3A_83 = arith.constant 0 : i32
        %dma_start3A_84 = arith.constant 0 : i32
        %dma_start3A_85 = tpu.memref_slice %arg8[%run_scoped3A_71, %dma_start3A_83, %dma_start3A_84] : memref<2x128x128xf32, #tpu.memory_space<vmem>> -> memref<1x128x128xf32, #tpu.memory_space<vmem>>
        %dma_start3A_86 = tpu.memref_squeeze %dma_start3A_85 : memref<1x128x128xf32, #tpu.memory_space<vmem>> -> memref<128x128xf32, #tpu.memory_space<vmem>>
        %dma_start3A_87 = arith.constant 0 : i32
        %dma_start3A_88 = tpu.memref_slice %arg6[%add3A_70, %dma_start3A_87] : memref<10240x128xf32, #tpu.memory_space<vmem_shared>> -> memref<128x128xf32, #tpu.memory_space<vmem_shared>>
        tpu.enqueue_dma source(%dma_start3A_88 : memref<128x128xf32, #tpu.memory_space<vmem_shared>>) target(%dma_start3A_86 : memref<128x128xf32, #tpu.memory_space<vmem>>) target_semaphore(%run_scoped3A_76 : memref<!tpu.dma_semaphore, #tpu.memory_space<semaphore_mem>>)
        %dma_wait3A_89 = arith.constant 0 : i32
        %dma_wait3A_90 = arith.constant 0 : i32
        %dma_wait3A_91 = tpu.memref_slice %arg8[%run_scoped3A_71, %dma_wait3A_89, %dma_wait3A_90] : memref<2x128x128xf32, #tpu.memory_space<vmem>> -> memref<1x128x128xf32, #tpu.memory_space<vmem>>
        %dma_wait3A_92 = tpu.memref_squeeze %dma_wait3A_91 : memref<1x128x128xf32, #tpu.memory_space<vmem>> -> memref<128x128xf32, #tpu.memory_space<vmem>>
        %dma_wait3A_93 = arith.constant 0 : i32
        %dma_wait3A_94 = tpu.memref_slice %arg6[%add3A_70, %dma_wait3A_93] : memref<10240x128xf32, #tpu.memory_space<vmem_shared>> -> memref<128x128xf32, #tpu.memory_space<vmem_shared>>
        %dma_wait3A_95 = arith.constant 0 : i32
        %dma_wait3A_96 = arith.constant 0 : i32
        %dma_wait3A_97 = tpu.memref_slice %arg8[%run_scoped3A_71, %dma_wait3A_95, %dma_wait3A_96] : memref<2x128x128xf32, #tpu.memory_space<vmem>> -> memref<1x128x128xf32, #tpu.memory_space<vmem>>
        %dma_wait3A_98 = tpu.memref_squeeze %dma_wait3A_97 : memref<1x128x128xf32, #tpu.memory_space<vmem>> -> memref<128x128xf32, #tpu.memory_space<vmem>>
        %dma_wait3A_99 = arith.constant 0 : i32
        %dma_wait3A_100 = tpu.memref_slice %arg6[%add3A_70, %dma_wait3A_99] : memref<10240x128xf32, #tpu.memory_space<vmem_shared>> -> memref<128x128xf32, #tpu.memory_space<vmem_shared>>
        tpu.wait_dma2 semaphore(%run_scoped3A_76 : memref<!tpu.dma_semaphore, #tpu.memory_space<semaphore_mem>>) src(%dma_wait3A_100 : memref<128x128xf32, #tpu.memory_space<vmem_shared>>) dst(%dma_wait3A_98 : memref<128x128xf32, #tpu.memory_space<vmem>>)
        tpu.yield
      }) : () -> ()
      %mul3A_72 = arith.constant 128 : i32
      %mul3A_73 = arith.muli %add3A_65, %mul3A_72 : i32
      %add3A_74 = arith.addi %add3A_55, %mul3A_73 : i32
      %run_scoped3A_75 = arith.constant 0 : i32
      "tpu.region"() ({
        %run_scoped3A_76 = tpu.sem_alloc : memref<!tpu.dma_semaphore, #tpu.memory_space<semaphore_mem>>
        %dma_start3A_77 = arith.constant 0 : i32
        %dma_start3A_78 = arith.constant 0 : i32
        %dma_start3A_79 = tpu.memref_slice %arg8[%run_scoped3A_75, %dma_start3A_77, %dma_start3A_78] : memref<2x128x128xf32, #tpu.memory_space<vmem>> -> memref<1x128x128xf32, #tpu.memory_space<vmem>>
        %dma_start3A_80 = tpu.memref_squeeze %dma_start3A_79 : memref<1x128x128xf32, #tpu.memory_space<vmem>> -> memref<128x128xf32, #tpu.memory_space<vmem>>
        %dma_start3A_81 = arith.constant 0 : i32
        %dma_start3A_82 = tpu.memref_slice %arg5[%add3A_74, %dma_start3A_81] : memref<20480x128xf32, #tpu.memory_space<hbm>> -> memref<128x128xf32, #tpu.memory_space<hbm>>
        %dma_start3A_83 = arith.constant 0 : i32
        %dma_start3A_84 = tpu.memref_slice %arg5[%add3A_74, %dma_start3A_83] : memref<20480x128xf32, #tpu.memory_space<hbm>> -> memref<128x128xf32, #tpu.memory_space<hbm>>
        %dma_start3A_85 = arith.constant 0 : i32
        %dma_start3A_86 = arith.constant 0 : i32
        %dma_start3A_87 = tpu.memref_slice %arg8[%run_scoped3A_75, %dma_start3A_85, %dma_start3A_86] : memref<2x128x128xf32, #tpu.memory_space<vmem>> -> memref<1x128x128xf32, #tpu.memory_space<vmem>>
        %dma_start3A_88 = tpu.memref_squeeze %dma_start3A_87 : memref<1x128x128xf32, #tpu.memory_space<vmem>> -> memref<128x128xf32, #tpu.memory_space<vmem>>
        tpu.enqueue_dma source(%dma_start3A_88 : memref<128x128xf32, #tpu.memory_space<vmem>>) target(%dma_start3A_84 : memref<128x128xf32, #tpu.memory_space<hbm>>) target_semaphore(%run_scoped3A_76 : memref<!tpu.dma_semaphore, #tpu.memory_space<semaphore_mem>>)
        %dma_wait3A_89 = arith.constant 0 : i32
        %dma_wait3A_90 = arith.constant 0 : i32
        %dma_wait3A_91 = tpu.memref_slice %arg8[%run_scoped3A_75, %dma_wait3A_89, %dma_wait3A_90] : memref<2x128x128xf32, #tpu.memory_space<vmem>> -> memref<1x128x128xf32, #tpu.memory_space<vmem>>
        %dma_wait3A_92 = tpu.memref_squeeze %dma_wait3A_91 : memref<1x128x128xf32, #tpu.memory_space<vmem>> -> memref<128x128xf32, #tpu.memory_space<vmem>>
        %dma_wait3A_93 = arith.constant 0 : i32
        %dma_wait3A_94 = tpu.memref_slice %arg5[%add3A_74, %dma_wait3A_93] : memref<20480x128xf32, #tpu.memory_space<hbm>> -> memref<128x128xf32, #tpu.memory_space<hbm>>
        %dma_wait3A_95 = arith.constant 0 : i32
        %dma_wait3A_96 = tpu.memref_slice %arg5[%add3A_74, %dma_wait3A_95] : memref<20480x128xf32, #tpu.memory_space<hbm>> -> memref<128x128xf32, #tpu.memory_space<hbm>>
        %dma_wait3A_97 = arith.constant 0 : i32
        %dma_wait3A_98 = arith.constant 0 : i32
        %dma_wait3A_99 = tpu.memref_slice %arg8[%run_scoped3A_75, %dma_wait3A_97, %dma_wait3A_98] : memref<2x128x128xf32, #tpu.memory_space<vmem>> -> memref<1x128x128xf32, #tpu.memory_space<vmem>>
        %dma_wait3A_100 = tpu.memref_squeeze %dma_wait3A_99 : memref<1x128x128xf32, #tpu.memory_space<vmem>> -> memref<128x128xf32, #tpu.memory_space<vmem>>
        tpu.wait_dma2 semaphore(%run_scoped3A_76 : memref<!tpu.dma_semaphore, #tpu.memory_space<semaphore_mem>>) src(%dma_wait3A_100 : memref<128x128xf32, #tpu.memory_space<vmem>>) dst(%dma_wait3A_96 : memref<128x128xf32, #tpu.memory_space<hbm>>)
        tpu.yield
      }) : () -> ()
    }
    %scan3A_60 = arith.constant 5 : i32
    return
  }
}

module attributes {stable_mosaic.version = 14 : i64} {
  func.func @tc_sage_matmuls(%arg0: i32, %arg1: memref<2x256x128xf32, #tpu.memory_space<vmem>>, %arg2: memref<256x128xf32, #tpu.memory_space<vmem>>, %arg3: memref<256x256xf32, #tpu.memory_space<vmem>>, %arg4: memref<256x512xf32, #tpu.memory_space<vmem>>, %arg5: memref<256x512xf32, #tpu.memory_space<vmem>>, %arg6: memref<1x512xf32, #tpu.memory_space<vmem>>, %arg7: memref<512x256xf32, #tpu.memory_space<vmem>>, %arg8: memref<512x256xf32, #tpu.memory_space<vmem>>, %arg9: memref<2x256x128xf32, #tpu.memory_space<vmem>>, %arg10: memref<256x256xf32, #tpu.memory_space<vmem>>) attributes {dimension_semantics = [#tpu.dimension_semantics<arbitrary>], iteration_bounds = array<i64: 40>, scalar_prefetch = 0 : i64, scratch_operands = 0 : i64, tpu.core_type = #tpu.core_type<tc>, window_params = [{transform_indices = @transform_0, window_bounds = array<i64: 2, 256, 128>}, {transform_indices = @transform_1, window_bounds = array<i64: 256, 128>}, {transform_indices = @transform_2, window_bounds = array<i64: 256, 256>}, {pipeline_mode = #tpu.pipeline_mode<synchronous>, transform_indices = @transform_3, window_bounds = array<i64: 256, 512>}, {pipeline_mode = #tpu.pipeline_mode<synchronous>, transform_indices = @transform_4, window_bounds = array<i64: 256, 512>}, {pipeline_mode = #tpu.pipeline_mode<synchronous>, transform_indices = @transform_5, window_bounds = array<i64: 1, 512>}, {pipeline_mode = #tpu.pipeline_mode<synchronous>, transform_indices = @transform_6, window_bounds = array<i64: 512, 256>}, {pipeline_mode = #tpu.pipeline_mode<synchronous>, transform_indices = @transform_7, window_bounds = array<i64: 512, 256>}, {transform_indices = @transform_8, window_bounds = array<i64: 2, 256, 128>}, {transform_indices = @transform_9, window_bounds = array<i64: 256, 256>}]} {
    %get3A = arith.constant 0 : index
    %get3A_0 = arith.constant 0 : index
    %get3A_1 = vector.load %arg2[%get3A, %get3A_0] : memref<256x128xf32, #tpu.memory_space<vmem>>, vector<256x1xf32>
    %max3A = arith.constant 1.000000e+00 : f32
    %max3A_2 = vector.broadcast %max3A : f32 to vector<256x1xf32>
    %max3A_3 = arith.maximumf %get3A_1, %max3A_2 : vector<256x1xf32>
    %div3A = arith.constant 1.000000e+00 : f32
    %div3A_4 = vector.broadcast %div3A : f32 to vector<256x1xf32>
    %div3A_5 = arith.divf %div3A_4, %max3A_3 : vector<256x1xf32>
    %get3A_6 = arith.constant 0 : index
    %get3A_7 = arith.constant 0 : index
    %get3A_8 = arith.constant 0 : index
    %get3A_9 = vector.load %arg1[%get3A_6, %get3A_7, %get3A_8] : memref<2x256x128xf32, #tpu.memory_space<vmem>>, vector<1x256x128xf32>
    %get3A_10 = vector.shape_cast %get3A_9 : vector<1x256x128xf32> to vector<256x128xf32>
    %get3A_11 = arith.constant 1 : index
    %get3A_12 = arith.constant 0 : index
    %get3A_13 = arith.constant 0 : index
    %get3A_14 = vector.load %arg1[%get3A_11, %get3A_12, %get3A_13] : memref<2x256x128xf32, #tpu.memory_space<vmem>>, vector<1x256x128xf32>
    %get3A_15 = vector.shape_cast %get3A_14 : vector<1x256x128xf32> to vector<256x128xf32>
    %concatenate3A = tpu.concatenate %get3A_10, %get3A_15 in 1 : vector<256x128xf32>, vector<256x128xf32> -> vector<256x256xf32>
    %mul3A = vector.broadcast %div3A_5 : vector<256x1xf32> to vector<256x256xf32>
    %mul3A_16 = arith.mulf %concatenate3A, %mul3A : vector<256x256xf32>
    %get3A_17 = arith.constant 0 : index
    %get3A_18 = arith.constant 0 : index
    %get3A_19 = vector.load %arg4[%get3A_17, %get3A_18] : memref<256x512xf32, #tpu.memory_space<vmem>>, vector<256x512xf32>
    %dot_general3A = arith.constant dense<0.000000e+00> : vector<256x512xf32>
    %dot_general3A_20 = tpu.matmul %mul3A_16, %get3A_19, %dot_general3A {dimension_numbers = #tpu.dot_dimension_numbers<[1], [0], [0], [1], [0, 0, 1, 1], [], []>, transpose_lhs_hint = false} : vector<256x256xf32>, vector<256x512xf32>, vector<256x512xf32> -> vector<256x512xf32>
    %get3A_21 = arith.constant 0 : index
    %get3A_22 = arith.constant 0 : index
    %get3A_23 = vector.load %arg3[%get3A_21, %get3A_22] : memref<256x256xf32, #tpu.memory_space<vmem>>, vector<256x256xf32>
    %get3A_24 = arith.constant 0 : index
    %get3A_25 = arith.constant 0 : index
    %get3A_26 = vector.load %arg5[%get3A_24, %get3A_25] : memref<256x512xf32, #tpu.memory_space<vmem>>, vector<256x512xf32>
    %dot_general3A_27 = arith.constant dense<0.000000e+00> : vector<256x512xf32>
    %dot_general3A_28 = tpu.matmul %get3A_23, %get3A_26, %dot_general3A_27 {dimension_numbers = #tpu.dot_dimension_numbers<[1], [0], [0], [1], [0, 0, 1, 1], [], []>, transpose_lhs_hint = false} : vector<256x256xf32>, vector<256x512xf32>, vector<256x512xf32> -> vector<256x512xf32>
    %add3A = arith.addf %dot_general3A_20, %dot_general3A_28 : vector<256x512xf32>
    %get3A_29 = arith.constant 0 : index
    %get3A_30 = arith.constant 0 : index
    %get3A_31 = vector.load %arg6[%get3A_29, %get3A_30] : memref<1x512xf32, #tpu.memory_space<vmem>>, vector<1x512xf32>
    %add3A_32 = vector.broadcast %get3A_31 : vector<1x512xf32> to vector<256x512xf32>
    %add3A_33 = arith.addf %add3A, %add3A_32 : vector<256x512xf32>
    %max3A_34 = arith.constant 0.000000e+00 : f32
    %max3A_35 = vector.broadcast %max3A_34 : f32 to vector<256x512xf32>
    %max3A_36 = arith.maximumf %add3A_33, %max3A_35 : vector<256x512xf32>
    %get3A_37 = arith.constant 0 : index
    %get3A_38 = arith.constant 0 : index
    %get3A_39 = vector.load %arg7[%get3A_37, %get3A_38] : memref<512x256xf32, #tpu.memory_space<vmem>>, vector<512x256xf32>
    %dot_general3A_40 = arith.constant dense<0.000000e+00> : vector<256x256xf32>
    %dot_general3A_41 = tpu.matmul %max3A_36, %get3A_39, %dot_general3A_40 {dimension_numbers = #tpu.dot_dimension_numbers<[1], [0], [0], [1], [0, 0, 1, 1], [], []>, transpose_lhs_hint = false} : vector<256x512xf32>, vector<512x256xf32>, vector<256x256xf32> -> vector<256x256xf32>
    %get3A_42 = arith.constant 0 : index
    %get3A_43 = arith.constant 0 : index
    %get3A_44 = vector.load %arg8[%get3A_42, %get3A_43] : memref<512x256xf32, #tpu.memory_space<vmem>>, vector<512x256xf32>
    %dot_general3A_45 = arith.constant dense<0.000000e+00> : vector<256x256xf32>
    %dot_general3A_46 = tpu.matmul %max3A_36, %get3A_44, %dot_general3A_45 {dimension_numbers = #tpu.dot_dimension_numbers<[1], [0], [0], [1], [0, 0, 1, 1], [], []>, transpose_lhs_hint = false} : vector<256x512xf32>, vector<512x256xf32>, vector<256x256xf32> -> vector<256x256xf32>
    %slice3A = vector.extract_strided_slice %dot_general3A_41 {offsets = [0, 0], sizes = [256, 128], strides = [1, 1]} : vector<256x256xf32> to vector<256x128xf32>
    %slice3A_47 = vector.extract_strided_slice %dot_general3A_41 {offsets = [0, 128], sizes = [256, 128], strides = [1, 1]} : vector<256x256xf32> to vector<256x128xf32>
    %stack3A = vector.shape_cast %slice3A : vector<256x128xf32> to vector<1x256x128xf32>
    %stack3A_48 = vector.shape_cast %slice3A_47 : vector<256x128xf32> to vector<1x256x128xf32>
    %stack3A_49 = tpu.concatenate %stack3A, %stack3A_48 in 0 : vector<1x256x128xf32>, vector<1x256x128xf32> -> vector<2x256x128xf32>
    %swap3A = arith.constant 0 : index
    %swap3A_50 = arith.constant 0 : index
    %swap3A_51 = arith.constant 0 : index
    %swap3A_52 = vector.load %arg9[%swap3A, %swap3A_50, %swap3A_51] : memref<2x256x128xf32, #tpu.memory_space<vmem>>, vector<2x256x128xf32>
    tpu.vector_store %arg9[%swap3A, %swap3A_50, %swap3A_51], %stack3A_49 {strides = array<i32>} : memref<2x256x128xf32, #tpu.memory_space<vmem>>, vector<2x256x128xf32>,
    %swap3A_53 = arith.constant 0 : index
    %swap3A_54 = arith.constant 0 : index
    %swap3A_55 = vector.load %arg10[%swap3A_53, %swap3A_54] : memref<256x256xf32, #tpu.memory_space<vmem>>, vector<256x256xf32>
    tpu.vector_store %arg10[%swap3A_53, %swap3A_54], %dot_general3A_46 {strides = array<i32>} : memref<256x256xf32, #tpu.memory_space<vmem>>, vector<256x256xf32>,
    return
  }
  func.func @transform_0(%arg0: i32) -> (i32, i32, i32) {
    %c0_i32 = arith.constant 0 : i32
    %c0_i32_0 = arith.constant 0 : i32
    %c0_i32_1 = arith.constant 0 : i32
    return %c0_i32, %arg0, %c0_i32_0 : i32, i32, i32
  }
  func.func @transform_1(%arg0: i32) -> (i32, i32) {
    %c0_i32 = arith.constant 0 : i32
    %c0_i32_0 = arith.constant 0 : i32
    return %arg0, %c0_i32 : i32, i32
  }
  func.func @transform_2(%arg0: i32) -> (i32, i32) {
    %c0_i32 = arith.constant 0 : i32
    %c0_i32_0 = arith.constant 0 : i32
    return %arg0, %c0_i32 : i32, i32
  }
  func.func @transform_3(%arg0: i32) -> (i32, i32) {
    %c0_i32 = arith.constant 0 : i32
    %c0_i32_0 = arith.constant 0 : i32
    %c0_i32_1 = arith.constant 0 : i32
    return %c0_i32, %c0_i32_0 : i32, i32
  }
  func.func @transform_4(%arg0: i32) -> (i32, i32) {
    %c0_i32 = arith.constant 0 : i32
    %c0_i32_0 = arith.constant 0 : i32
    %c0_i32_1 = arith.constant 0 : i32
    return %c0_i32, %c0_i32_0 : i32, i32
  }
  func.func @transform_5(%arg0: i32) -> (i32, i32) {
    %c0_i32 = arith.constant 0 : i32
    %c0_i32_0 = arith.constant 0 : i32
    %c0_i32_1 = arith.constant 0 : i32
    return %c0_i32, %c0_i32_0 : i32, i32
  }
  func.func @transform_6(%arg0: i32) -> (i32, i32) {
    %c0_i32 = arith.constant 0 : i32
    %c0_i32_0 = arith.constant 0 : i32
    %c0_i32_1 = arith.constant 0 : i32
    return %c0_i32, %c0_i32_0 : i32, i32
  }
  func.func @transform_7(%arg0: i32) -> (i32, i32) {
    %c0_i32 = arith.constant 0 : i32
    %c0_i32_0 = arith.constant 0 : i32
    %c0_i32_1 = arith.constant 0 : i32
    return %c0_i32, %c0_i32_0 : i32, i32
  }
  func.func @transform_8(%arg0: i32) -> (i32, i32, i32) {
    %c0_i32 = arith.constant 0 : i32
    %c0_i32_0 = arith.constant 0 : i32
    %c0_i32_1 = arith.constant 0 : i32
    return %c0_i32, %arg0, %c0_i32_0 : i32, i32, i32
  }
  func.func @transform_9(%arg0: i32) -> (i32, i32) {
    %c0_i32 = arith.constant 0 : i32
    %c0_i32_0 = arith.constant 0 : i32
    return %arg0, %c0_i32 : i32, i32
  }
}

module attributes {stable_mosaic.version = 14 : i64} {
  func.func @tc_sage_combine(%arg0: i32, %arg1: memref<2x256x128xf32, #tpu.memory_space<vmem>>, %arg2: memref<256x128xf32, #tpu.memory_space<vmem>>, %arg3: memref<256x256xf32, #tpu.memory_space<vmem>>, %arg4: memref<1x256xf32, #tpu.memory_space<vmem>>, %arg5: memref<256x256xf32, #tpu.memory_space<vmem>>) attributes {dimension_semantics = [#tpu.dimension_semantics<arbitrary>], iteration_bounds = array<i64: 40>, scalar_prefetch = 0 : i64, scratch_operands = 0 : i64, tpu.core_type = #tpu.core_type<tc>, window_params = [{transform_indices = @transform_0, window_bounds = array<i64: 2, 256, 128>}, {transform_indices = @transform_1, window_bounds = array<i64: 256, 128>}, {transform_indices = @transform_2, window_bounds = array<i64: 256, 256>}, {pipeline_mode = #tpu.pipeline_mode<synchronous>, transform_indices = @transform_3, window_bounds = array<i64: 1, 256>}, {transform_indices = @transform_4, window_bounds = array<i64: 256, 256>}]} {
    %get3A = arith.constant 0 : index
    %get3A_0 = arith.constant 0 : index
    %get3A_1 = vector.load %arg2[%get3A, %get3A_0] : memref<256x128xf32, #tpu.memory_space<vmem>>, vector<256x1xf32>
    %max3A = arith.constant 1.000000e+00 : f32
    %max3A_2 = vector.broadcast %max3A : f32 to vector<256x1xf32>
    %max3A_3 = arith.maximumf %get3A_1, %max3A_2 : vector<256x1xf32>
    %div3A = arith.constant 1.000000e+00 : f32
    %div3A_4 = vector.broadcast %div3A : f32 to vector<256x1xf32>
    %div3A_5 = arith.divf %div3A_4, %max3A_3 : vector<256x1xf32>
    %get3A_6 = arith.constant 0 : index
    %get3A_7 = arith.constant 0 : index
    %get3A_8 = arith.constant 0 : index
    %get3A_9 = vector.load %arg1[%get3A_6, %get3A_7, %get3A_8] : memref<2x256x128xf32, #tpu.memory_space<vmem>>, vector<1x256x128xf32>
    %get3A_10 = vector.shape_cast %get3A_9 : vector<1x256x128xf32> to vector<256x128xf32>
    %get3A_11 = arith.constant 1 : index
    %get3A_12 = arith.constant 0 : index
    %get3A_13 = arith.constant 0 : index
    %get3A_14 = vector.load %arg1[%get3A_11, %get3A_12, %get3A_13] : memref<2x256x128xf32, #tpu.memory_space<vmem>>, vector<1x256x128xf32>
    %get3A_15 = vector.shape_cast %get3A_14 : vector<1x256x128xf32> to vector<256x128xf32>
    %concatenate3A = tpu.concatenate %get3A_10, %get3A_15 in 1 : vector<256x128xf32>, vector<256x128xf32> -> vector<256x256xf32>
    %mul3A = vector.broadcast %div3A_5 : vector<256x1xf32> to vector<256x256xf32>
    %mul3A_16 = arith.mulf %concatenate3A, %mul3A : vector<256x256xf32>
    %get3A_17 = arith.constant 0 : index
    %get3A_18 = arith.constant 0 : index
    %get3A_19 = vector.load %arg3[%get3A_17, %get3A_18] : memref<256x256xf32, #tpu.memory_space<vmem>>, vector<256x256xf32>
    %add3A = arith.addf %mul3A_16, %get3A_19 : vector<256x256xf32>
    %get3A_20 = arith.constant 0 : index
    %get3A_21 = arith.constant 0 : index
    %get3A_22 = vector.load %arg4[%get3A_20, %get3A_21] : memref<1x256xf32, #tpu.memory_space<vmem>>, vector<1x256xf32>
    %add3A_23 = vector.broadcast %get3A_22 : vector<1x256xf32> to vector<256x256xf32>
    %add3A_24 = arith.addf %add3A, %add3A_23 : vector<256x256xf32>
    %swap3A = arith.constant 0 : index
    %swap3A_25 = arith.constant 0 : index
    %swap3A_26 = vector.load %arg5[%swap3A, %swap3A_25] : memref<256x256xf32, #tpu.memory_space<vmem>>, vector<256x256xf32>
    tpu.vector_store %arg5[%swap3A, %swap3A_25], %add3A_24 {strides = array<i32>} : memref<256x256xf32, #tpu.memory_space<vmem>>, vector<256x256xf32>,
    return
  }
  func.func @transform_0(%arg0: i32) -> (i32, i32, i32) {
    %c0_i32 = arith.constant 0 : i32
    %c0_i32_0 = arith.constant 0 : i32
    %c0_i32_1 = arith.constant 0 : i32
    return %c0_i32, %arg0, %c0_i32_0 : i32, i32, i32
  }
  func.func @transform_1(%arg0: i32) -> (i32, i32) {
    %c0_i32 = arith.constant 0 : i32
    %c0_i32_0 = arith.constant 0 : i32
    return %arg0, %c0_i32 : i32, i32
  }
  func.func @transform_2(%arg0: i32) -> (i32, i32) {
    %c0_i32 = arith.constant 0 : i32
    %c0_i32_0 = arith.constant 0 : i32
    return %arg0, %c0_i32 : i32, i32
  }
  func.func @transform_3(%arg0: i32) -> (i32, i32) {
    %c0_i32 = arith.constant 0 : i32
    %c0_i32_0 = arith.constant 0 : i32
    %c0_i32_1 = arith.constant 0 : i32
    return %c0_i32, %c0_i32_0 : i32, i32
  }
  func.func @transform_4(%arg0: i32) -> (i32, i32) {
    %c0_i32 = arith.constant 0 : i32
    %c0_i32_0 = arith.constant 0 : i32
    return %arg0, %c0_i32 : i32, i32
  }
}

</mosaic_0001>

<sc_bundles>
// kernel: sc_edge_agg.4.cloned.1.call-start
scs
__scs_entry_jumppad:
0x0: {  	(pc) =	sbr.rel $0x88, $3  }
0x1: {  	(tag) =	ssettag $0x0;
	lr =	simm.s32 $0x1  }
0x2: {  	[smem:$0x3F99] =	sst lr;
	_ =	strace $0xD0000000  }
0x3: {  	_ = 	snop  }
0x4: {  	_ = 	snop  }
0x5: {  	_ = 	snop  }
0x6: {  	_ = 	snop  }
0x7: {  	_ = 	snop  }
__scs_overlays_trampoline_lowered:
0x8: {  	[smem:$0x3FA8] =	sst s0  }
0x9: {  	[smem:$0x3FA9] =	sst s1  }
0xa: {  	[smem:$0x3FAA] =	sst s2  }
0xb: {  	[smem:$0x3FAB] =	sst s3  }
0xc: {  	[smem:$0x3FAC] =	sst s4  }
0xd: {  	[smem:$0x3FAD] =	sst s5  }
0xe: {  	[smem:$0x3FAE] =	sst s6  }
0xf: {  	[smem:$0x3FAF] =	sst s7  }
0x10: {  	[smem:$0x3FB0] =	sst s8  }
0x11: {  	[smem:$0x3FB1] =	sst s9;
	s0 =	simm.s32 @!p0 $0x0  }
0x12: {  	s1 =	sld [smem:$0x3F97];
	s0 =	simm.s32 @p0 $0x1  }
0x13: {  	[smem:$0x3FB2] =	sst s0;
	s0 =	simm.s32 @!p1 $0x0  }
0x14: {  	s2 =	sld [smem:$0x3F96];
	s0 =	simm.s32 @p1 $0x1  }
0x15: {  	[smem:$0x3FB3] =	sst s0;
	s0 =	simm.s32 @!p2 $0x0  }
0x16: {  	s3 =	sld [smem:$0x3FDB];
	s0 =	simm.s32 @p2 $0x1  }
0x17: {  	s4 =	simm.s32 $0x1BF5;
	[smem:$0x3FB5] =	sst s0  }
0x18: {  	s0 =	sld [smem:$0x3F98];
	_ =	swait.ge [sflag:s4], $0x0  }
0x19: {  	s7 =	sld [smem:$0x3F99]  }
0x1a: {  	s8 =	sadd.s32 $0xFFFFE003, lr  }
0x1b: {  	s9 =	sadd.s32 $0xFFFFFEF7, lr;
	s5 =	simm.s32 $0xFFFFFFFF;
	p2 =	slt.u32 s8, $0xFFFFF086  }
0x1c: {  	p1 =	slt.u32 s9, $0xF7A;
	s5 =	simm.s32 @!p2 $0x0  }
0x1d: {  	s5 =	simm.s32 @p1 $0x1;
	p0 =	seq.s32 s7, s2  }
0x1e: {  	s7 =	smul.u32 @!p0 $0xF7A, s2;
	p2 =	seq.s32 @!p0 s5, $0x0  }
0x1f: {  	s9 =	smul.u32 $0xF7A, s1;
	s8 =	simm.s32 @!p0 $0x1BF5;
	p2 =	por !p2, p0  }
0x20: {  	[sflag:s8] =	ssyncset.s32 @!p0 $0xFFFFF086;
	s6 =	sadd.s32 @!p0 s3, s7;
	s7 =	simm.s32 @!p0 $0x108  }
0x21: {  	s3 =	sadd.s32 s3, s9;
	s6 =	sadd.s32 @!p0 $0x88, s6;
	s7 =	simm.s32 @p2 $0x1082  }
0x22: {  	[simem:s7], [sflag:s8] =	dma.local @!p0 [hbm:s6], $0xF7A  }
0x23: {  	s9 =	sor.u32 $0xD0000000, s2;
	s6 =	simm.s32 $0x108;
	_ =	swait.ge @!p0 [sflag:s8], $0x0  }
0x24: {  	s3 =	sadd.s32 $0x88, s3;
	s6 =	simm.s32 @!p1 $0x1082;
	[sflag:s4] =	ssyncset.s32 $0xFFFFF086  }
0x25: {  	[simem:s6], [sflag:s4] =	dma.local [hbm:s3], $0xF7A  }
0x26: {  	[smem:$0x3F99] =	sst s1;
	(tag) =	ssettag s2;
	_ =	strace s9  }
0x27: {  	s1 =	sld [smem:$0x3FA9]  }
0x28: {  	s2 =	sld [smem:$0x3FAA]  }
0x29: {  	s4 =	sld [smem:$0x3FAC]  }
0x2a: {  	p0 =	seq.s32 s5, $0x0;
	s5 =	sld [smem:$0x3FAD]  }
0x2b: {  	s6 =	sld [smem:$0x3FAE]  }
0x2c: {  	s7 =	sld [smem:$0x3FAF]  }
0x2d: {  	s3 =	simm.s32 $0x108;
	s8 =	sld [smem:$0x3FB0]  }
0x2e: {  	s3 =	simm.s32 @!p0 $0x1082;
	s9 =	sld [smem:$0x3FB1]  }
0x2f: {  	lr =	sadd.s32 s0, s3;
	s0 =	sld [smem:$0x3FA8]  }
0x30: {  	s3 =	sld [smem:$0x3FAB]  }
0x31: {  	[smem:$0x3FB4] =	sst s10  }
0x32: {  	s10 =	sld [smem:$0x3FB2];
	_ =	sdelay $0x3  }
0x33: {  	p0 =	seq.s32 s10, $0x1;
	s10 =	sld [smem:$0x3FB4];
	_ =	sdelay $0x3  }
0x34: {  	[smem:$0x3FB4] =	sst s10  }
0x35: {  	s10 =	sld [smem:$0x3FB3];
	_ =	sdelay $0x3  }
0x36: {  	p1 =	seq.s32 s10, $0x1;
	s10 =	sld [smem:$0x3FB4];
	_ =	sdelay $0x3  }
0x37: {  	[smem:$0x3FB4] =	sst s10  }
0x38: {  	s10 =	sld [smem:$0x3FB5]  }
0x39: {  	_ = 	snop;
	(pc) =	sbr.ind lr, $3  }
0x3a: {  	_ = 	snop  }
0x3b: {  	_ = 	snop  }
0x3c: {  	p2 =	seq.s32 s10, $0x1;
	s10 =	sld [smem:$0x3FB4]  }
0x3d: {  	_ =	shalt  }
0x3e: {  	_ =	shalt  }
0x3f: {  	_ =	shalt  }
0x40: {  	_ =	shalt  }
0x41: {  	_ =	shalt  }
0x42: {  	_ =	shalt  }
0x43: {  	_ =	shalt  }
0x44: {  	_ =	shalt  }
0x45: {  	_ =	shalt  }
0x46: {  	_ =	shalt  }
0x47: {  	_ =	shalt  }
0x48: {  	_ =	shalt  }
0x49: {  	_ =	shalt  }
0x4a: {  	_ =	shalt  }
0x4b: {  	_ =	shalt  }
0x4c: {  	_ =	shalt  }
0x4d: {  	_ =	shalt  }
0x4e: {  	_ =	shalt  }
0x4f: {  	_ =	shalt  }
0x50: {  	_ =	shalt  }
0x51: {  	_ =	shalt  }
0x52: {  	_ =	shalt  }
0x53: {  	_ =	shalt  }
0x54: {  	_ =	shalt  }
0x55: {  	_ =	shalt  }
0x56: {  	_ =	shalt  }
0x57: {  	_ =	shalt  }
0x58: {  	_ =	shalt  }
0x59: {  	_ =	shalt  }
0x5a: {  	_ =	shalt  }
0x5b: {  	_ =	shalt  }
0x5c: {  	_ =	shalt  }
0x5d: {  	_ =	shalt  }
0x5e: {  	_ =	shalt  }
0x5f: {  	_ =	shalt  }
0x60: {  	_ =	shalt  }
0x61: {  	_ =	shalt  }
0x62: {  	_ =	shalt  }
0x63: {  	_ =	shalt  }
0x64: {  	_ =	shalt  }
0x65: {  	_ =	shalt  }
0x66: {  	_ =	shalt  }
0x67: {  	_ =	shalt  }
0x68: {  	_ =	shalt  }
0x69: {  	_ =	shalt  }
0x6a: {  	_ =	shalt  }
0x6b: {  	_ =	shalt  }
0x6c: {  	_ =	shalt  }
0x6d: {  	_ =	shalt  }
0x6e: {  	_ =	shalt  }
0x6f: {  	_ =	shalt  }
0x70: {  	_ =	shalt  }
0x71: {  	_ =	shalt  }
0x72: {  	_ =	shalt  }
0x73: {  	_ =	shalt  }
0x74: {  	_ =	shalt  }
0x75: {  	_ =	shalt  }
0x76: {  	_ =	shalt  }
0x77: {  	_ =	shalt  }
0x78: {  	_ =	shalt  }
0x79: {  	_ =	shalt  }
0x7a: {  	_ =	shalt  }
0x7b: {  	_ =	shalt  }
0x7c: {  	_ =	shalt  }
0x7d: {  	_ =	shalt  }
0x7e: {  	_ =	shalt  }
0x7f: {  	_ =	shalt  }
0x80: {  	_ =	shalt  }
0x81: {  	_ =	shalt  }
0x82: {  	_ =	shalt  }
0x83: {  	_ =	shalt  }
0x84: {  	_ =	shalt  }
0x85: {  	_ =	shalt  }
0x86: {  	_ =	shalt  }
0x87: {  	_ =	shalt  }
.Lfunc_end0:
.L_simem_size_0:
called_computation.1_lowered:
.L_overlay_start_0:
0x88: {  	s2 =	sld [smem:$0x3FD9]  }
0x89: {  	s3 =	sld [smem:$0x3FFE];
	_ =	sdelay $0x1  }
0x8a: {  	s1 =	srdreg.scid  }
0x8b: {  	s0 =	sand.u32 $0x1, s1  }
0x8c: {  	s17 =	sshll.u32 s0, $0xA;
	s2 =	sadd.s32 s3, s2  }
0x8d: {  	s2 =	sadd.s32 s2, s17  }
0x8e: {  	[smem:$0x3FC0] =	sst s2  }
0x8f: {  	_ = 	snop  }
0x90: {  	s18 =	sld [smem:$0x3FD0];
	(tm) =	ssettm $0x1  }
0x91: {  	s19 =	sld [smem:$0x3FFB];
	_ =	sdelay $0x3  }
0x92: {  	_ =	strace s19  }
0x93: {  	s2 =	sld [smem:$0x3FFC];
	_ =	sdelay $0x3  }
0x94: {  	_ =	strace s2  }
0x95: {  	s2 =	sld [smem:$0x3FFD];
	_ =	sdelay $0x3  }
0x96: {  	_ =	strace s2  }
0x97: {  	_ =	strace $0x8FFFFFFF  }
0x98: {  	s20 =	sld [smem:$0x3FDB];
	_ =	sdelay $0x1  }
0x99: {  	s4 =	simm.s32 $_scs_section_size  }
0x9a: {  	s5 =	simm.s32 $_size__tile_overlayer_lowered;
	s6 =	simm.s32 $_tile_overlayer_lowered  }
0x9b: {  	s7 =	simm.s32 $0x1BFF;
	s21 =	sshll.u32 s6, $0x1;
	s4 =	sadd.s32 s4, s20  }
0x9c: {  	s22 =	simm.s32 $0x0;
	s5 =	sshll.u32 s5, $0x1;
	s6 =	sadd.s32 s21, s4  }
0x9d: {  	[timem:s22], [sflag:s7] =	dma.local [hbm:s6], s5  }
0x9e: {  	_ =	swait.ge [sflag:s7], s5  }
0x9f: {  	s5 =	ssub.s32 $0x0, s5;
	[sflag:s7] =	ssyncset.done $0x0  }
0xa0: {  	[sflag:s7] =	ssyncadd.s32 s5;
	_ =	sdelay $0x1  }
0xa1: {  	s23 =	simm.s32 $0x1B8B  }
0xa2: {  	_ =	swait.ge [sflag:s23], $0x1  }
0xa3: {  	[sflag:s23] =	ssyncset.done $0x0  }
0xa4: {  	[sflag:s23] =	ssyncadd.s32 $0xFFFFFFFF  }
0xa5: {  	s5 =	sld [smem:$0x0]  }
0xa6: {  	s6 =	sand.u32 $0xFFFFFFFE, s1  }
0xa7: {  	p0 =	sne.s32 s1, s6  }
0xa8: {  	s6 =	sshll.u32 @p0 s6, $0xE  }
0xa9: {  	s6 =	sadd.s32 @p0 $0x11B8D, s6;
	s7 =	sshll.u32 @p0 s5, $0x11  }
0xaa: {  	s6 =	sor.u32 @p0 s7, s6  }
0xab: {  	[sflag:s6] =	ssyncadd.remote.s32 @p0 $0x1;
	_ =	sdelay $0x1  }
0xac: {  	s6 =	simm.s32 @p0 $0x1B8D  }
0xad: {  	_ =	swait.eq @p0 [sflag:s6], $0x1  }
0xae: {  	[sflag:s6] =	ssyncadd.s32 @p0 $0xFFFFFFFF  }
0xaf: {  	s7 =	sshll.u32 @!p0 s1, $0xE  }
0xb0: {  	s7 =	sor.u32 @!p0 $0x4000, s7;
	s6 =	simm.s32 @!p0 $0x1B8D  }
0xb1: {  	s5 =	sshll.u32 @!p0 s5, $0x11;
	s7 =	sadd.s32 @!p0 $0x11B8D, s7;
	_ =	swait.eq @!p0 [sflag:s6], $0x1  }
0xb2: {  	s5 =	sor.u32 @!p0 s5, s7;
	[sflag:s6] =	ssyncadd.s32 @!p0 $0xFFFFFFFF  }
0xb3: {  	s25 =	simm.s32 $0x1B8E;
	s24 =	sld [smem:$0x3FFE];
	[sflag:s5] =	ssyncadd.remote.s32 @!p0 $0x1  }
0xb4: {  	s26 =	simm.s32 $execute0_lowered;
	[smem:$0x3FD2] =	sst s25  }
0xb5: {  	s6 =	sshll.u32 s26, $0x1;
	_ =	strace $0x80000049;
	[dreg:$0x1] =	wrdreg $0xFFFFFFFF  }
0xb6: {  	s28 =	simm.s32 $_size_execute0_lowered;
	s4 =	sadd.s32 s4, s6;
	[dreg:$0x0] =	wrdreg $0x0  }
0xb7: {  	s6 =	sshll.u32 s28, $0x1;
	[dreg:$0x2] =	wrdreg s4  }
0xb8: {  	[dreg:$0x3] =	wrdreg s6  }
0xb9: {  	[dreg:$0x4] =	wrdreg $0xC0  }
0xba: {  	_ =	task [dreg:s22], $0x5FFFF  }
0xbb: {  	[dreg:$0x1] =	wrdreg $0xFFFFFFFF  }
0xbc: {  	[dreg:$0x0] =	wrdreg $0x60  }
0xbd: {  	[dreg:$0x2] =	wrdreg s18  }
0xbe: {  	[dreg:$0x3] =	wrdreg s24  }
0xbf: {  	[dreg:$0x4] =	wrdreg $0x0  }
0xc0: {  	[dreg:$0x5] =	wrdreg $0xA  }
0xc1: {  	_ =	task.clear_ibuf [dreg:s22], $0x6FFFF;
	_ =	strace $0x90000049  }
0xc2: {  	s29 =	simm.s32 $0xA;
	_ =	strace $0x8000004B  }
0xc3: {  	_ =	swait.ge [sflag:s29], $0x1  }
0xc4: {  	[sflag:s29] =	ssyncadd.s32 $0xFFFFFFFF  }
0xc5: {  	_ =	strace $0x9000004B  }
0xc6: {  	_ =	sfence  }
0xc7: {  	s30 =	sld [smem:$0x0];
	_ =	sdelay $0x2  }
0xc8: {  	s31 =	sshll.u32 s1, $0xD;
	s1 =	sshrl.u32 s1, $0x2  }
0xc9: {  	s4 =	sand.u32 $0x4000, s31;
	s1 =	sadd.s32 s1, s30  }
0xca: {  	s0 =	sor.u32 s4, s0;
	s1 =	sshll.u32 s1, $0x11  }
0xcb: {  	s0 =	sor.u32 s1, s0  }
0xcc: {  	s0 =	sadd.s32 $0x8F2B, s0  }
0xcd: {  	[sflag:s0] =	ssyncadd.remote.s32 $0x1  }
0xce: {  	_ =	sfence.sel $0xFFFF  }
0xcf: {  	[dreg:$0x0] =	wrdreg $0xFFFFFFFF;
	(pc) =	sbr.abs _section_cstart, $3  }
0xd0: {  	[dreg:$0x1] =	wrdreg $0xFFFFFFFF  }
0xd1: {  	_ =	task.clear_ibuf [dreg:s22], $0x2FFFF;
	_ =	strace $0x9FFFFFFF  }
0xd2: {  	(tm) =	ssettm $0x7FFFFFFF  }
0xd3: {  	_ =	shalt  }
tec
execute0_lowered:
.L_overlay_start_1:
0x0: {  	(tag) =	ssettag $0x1  }
0x1: {  	s0 =	rddreg [dreg:$0x0]  }
0x2: {  	s1 =	rddreg [dreg:$0x1];
	s3 =	srdreg.scid  }
0x3: {  	s2 =	rddreg [dreg:$0x2];
	s11 =	stileid.u32  }
0x4: {  	s28 =	simm.s32 $0x14140;
	s29 =	simm.s32 $0x1A400;
	s6 =	smul.u32 $0x280, s11  }
0x5: {  	s30 =	simm.s32 $0x1;
	s31 =	simm.s32 $0x80;
	s7 =	smul.u32 $0x50000, s11  }
0x6: {  	s13 =	simm.s32 $0x14300;
	s14 =	simm.s32 $0x14340;
	s9 =	smul.u32 $0xA0, s11  }
0x7: {  	s15 =	simm.s32 $0x14280;
	s5 =	sand.u32 $0x1, s3;
	s23 =	smul.u32 $0xA00, s11  }
0x8: {  	s3 =	simm.s32 $0x0;
	s10 =	sadd.s32 $0x7600, s1;
	s4 =	smul.u32 $0x2800, s5  }
0x9: {  	[smem:$0x7FF] =	sst s3;
	s8 =	smul.u32 $0xA00, s5;
	s16 =	ssub.s32 $0x2, s5  }
0xa: {  	s5 =	smul.u32 $0xA000, s5;
	_ =	strace $0x8000004A;
	[dreg:$0x5] =	wrdreg s10  }
0xb: {  	s17 =	sshrl.u32 s16, $0x1;
	s7 =	sshrl.u32 s7, $0x2;
	s6 =	sadd.s32 s6, s4  }
0xc: {  	s4 =	sadd.s32 $0x58600, s1;
	s8 =	sadd.s32 s9, s8;
	s9 =	simm.s32 $0x0  }
0xd: {  	s18 =	ssub.s32 s16, s17;
	s12 =	sadd.s32 s7, s2;
	[dreg:$0x12] =	wrdreg s9  }
0xe: {  	s16 =	simm.s32 $0x14380;
	s20 =	smax.u32 s18, $0x1;
	[dreg:$0xb] =	wrdreg s12  }
0xf: {  	s6 =	sshll.u32 s6, $0x4;
	s10 =	sadd.s32 $0x4000, s12;
	[dreg:$0x7] =	wrdreg s20  }
0x10: {  	s19 =	sshll.u32 s8, $0x4;
	s17 =	sadd.s32 $0x10000, s12;
	[dreg:$0x8] =	wrdreg s10  }
0x11: {  	s21 =	sadd.s32 $0x8000, s12;
	s7 =	sadd.s32 s0, s19;
	[dreg:$0xc] =	wrdreg s17  }
0x12: {  	s18 =	simm.s32 $0x14400;
	s11 =	smov.u32 s21;
	[dreg:$0x6] =	wrdreg s7  }
0x13: {  	s1 =	sadd.s32 s6, s1;
	s6 =	sadd.s32 $0xC000, s12;
	[dreg:$0x9] =	wrdreg s11  }
0x14: {  	s8 =	simm.s32 $0x14180;
	s22 =	sadd.s32 $0xA8600, s1;
	[dreg:$0xa] =	wrdreg s6  }
0x15: {  	s0 =	sadd.s32 s5, s0;
	s24 =	sadd.s32 $0xA8E00, s1;
	[dreg:$0xd] =	wrdreg s22  }
0x16: {  	s19 =	simm.s32 $0x4;
	s25 =	sadd.s32 $0xA9600, s1;
	[dreg:$0xe] =	wrdreg s24  }
0x17: {  	s20 =	simm.s32 $0x14000;
	s26 =	sadd.s32 $0xA9E00, s1;
	[dreg:$0xf] =	wrdreg s25  }
0x18: {  	s21 =	simm.s32 $0x40;
	s1 =	sadd.s32 $0xAA600, s1;
	[dreg:$0x10] =	wrdreg s26  }
0x19: {  	s5 =	simm.s32 $0x14240;
	s0 =	sadd.s32 s23, s0;
	[dreg:$0x11] =	wrdreg s1  }
0x1a: {  	s23 =	simm.s32 $0x16400;
	s7 =	simm.s32 $0x2;
	[dreg:$0x4] =	wrdreg s0  }
0x1b: {  	s22 =	simm.s32 $0x14040;
	s24 =	simm.s32 $0x14200;
	s25 =	simm.s32 $0x14100  }
0x1c: {  	s26 =	simm.s32 $0x18400;
	s0 =	simm.s32 $0x14080;
	s1 =	simm.s32 $0x3  }
.LBB2_1:
0x1d: {  	s9 =	rddreg [dreg:$0x5]  }
0x1e: {  	[tilespmem:s18], [sflag:$0x4] =	stream.linear.gather [hbm4b:s9+s3], $0x4000, $0x38;
	[tilespmem:$0x1C400] =	vst v63  }
0x1f: {  	_ =	swait.ge [sflag:s19], $0x4000  }
0x20: {  	[sflag:s19] =	ssyncset.done $0x0  }
0x21: {  	[sflag:s19] =	ssyncadd.s32 $0xFFFFC000  }
0x22: {  	[spmem:s12] =	stream.linear.scatter [tilespmem:s18], [sflag:$0x4], $0x4000, $0x38;
	[tilespmem:$0x1C400] =	vst v63  }
0x23: {  	_ =	swait.ge [sflag:s19], $0x4000  }
0x24: {  	[sflag:s19] =	ssyncset.done $0x0  }
0x25: {  	[sflag:s19] =	ssyncadd.s32 $0xFFFFC000  }
0x26: {  	[spmem:s10] =	stream.linear.scatter [tilespmem:s18], [sflag:$0x4], $0x4000, $0x38;
	[tilespmem:$0x1C400] =	vst v63  }
0x27: {  	_ =	swait.ge [sflag:s19], $0x4000  }
0x28: {  	[sflag:s19] =	ssyncset.done $0x0  }
0x29: {  	[sflag:s19] =	ssyncadd.s32 $0xFFFFC000  }
0x2a: {  	[spmem:s11] =	stream.linear.scatter [tilespmem:s18], [sflag:$0x4], $0x4000, $0x38;
	[tilespmem:$0x1C400] =	vst v63  }
0x2b: {  	_ =	swait.ge [sflag:s19], $0x4000  }
0x2c: {  	[sflag:s19] =	ssyncset.done $0x0  }
0x2d: {  	[sflag:s19] =	ssyncadd.s32 $0xFFFFC000  }
0x2e: {  	[spmem:s6] =	stream.linear.scatter [tilespmem:s18], [sflag:$0x4], $0x4000, $0x38;
	[tilespmem:$0x1C400] =	vst v63  }
0x2f: {  	_ =	swait.ge [sflag:s19], $0x4000  }
0x30: {  	[sflag:s19] =	ssyncset.done $0x0  }
0x31: {  	[sflag:s19] =	ssyncadd.s32 $0xFFFFC000  }
0x32: {  	[spmem:s17] =	stream.linear.scatter [tilespmem:s18], [sflag:$0x4], $0x4000, $0x38;
	[tilespmem:$0x1C400] =	vst v63  }
0x33: {  	_ =	swait.ge [sflag:s19], $0x4000  }
0x34: {  	[sflag:s19] =	ssyncset.done $0x0  }
0x35: {  	[sflag:s19] =	ssyncadd.s32 $0xFFFFC000  }
0x36: {  	[bflag:$0x0] =	sbarrier.arrive $0xFFFF  }
0x37: {  	s11 =	rddreg [dreg:$0x6]  }
0x38: {  	[tilespmem:s20], [sflag:$0x4] =	stream.linear.gather [hbm4b:s11+s3], $0x200, $0x38;
	[tilespmem:$0x1C400] =	vst v63  }
0x39: {  	_ =	swait.ge [sflag:s19], $0x200  }
0x3a: {  	[sflag:s19] =	ssyncset.done $0x0  }
0x3b: {  	s12 =	rddreg [dreg:$0x4];
	[sflag:s19] =	ssyncadd.s32 $0xFFFFFE00  }
0x3c: {  	[tilespmem:s18], [sflag:$0x1] =	stream.indirect.gather [hbm4b:s4+s21], $0x80, s20, s21, $0xb8;
	[tilespmem:$0x1C400] =	vst v63  }
0x3d: {  	s9 =	sadd.s32 $0xFFFFF600, s12  }
0x3e: {  	[tilespmem:s23], [sflag:$0x1] =	stream.indirect.gather [hbm4b:s4+s21], $0x80, s22, s21, $0xb8;
	[tilespmem:$0x1C400] =	vst v63  }
0x3f: {  	s17 =	sadd.s32 $0xA40, s9  }
0x40: {  	[tilespmem:s24], [sflag:$0x3] =	stream.linear.gather [hbm4b:s17+s3], $0x200, $0x38;
	[tilespmem:$0x1C400] =	vst v63  }
0x41: {  	_ = 	snop  }
0x42: {  	[tilespmem:s26], [sflag:$0x2] =	stream.indirect.gather [hbm4b:s4+s21], $0x80, s25, s21, $0xb8;
	[tilespmem:$0x1C400] =	vst v63  }
0x43: {  	_ = 	snop  }
0x44: {  	[tilespmem:s29], [sflag:$0x2] =	stream.indirect.gather [hbm4b:s4+s21], $0x80, s28, s21, $0xb8;
	[tilespmem:$0x1C400] =	vst v63  }
0x45: {  	_ =	swait.ge [sflag:s30], $0x4000  }
0x46: {  	[sflag:s30] =	ssyncset.done $0x0  }
0x47: {  	[sflag:s30] =	ssyncadd.s32 $0xFFFFC000  }
0x48: {  	[spmem:s2] =	stream.indirect.scatter.add.f32 [tilespmem:s18], [sflag:$0x4], $0x80, s0, s31, $0xb8;
	[tilespmem:$0x1C400] =	vst v63  }
0x49: {  	_ =	swait.ge [sflag:s19], $0x4000  }
0x4a: {  	[sflag:s19] =	ssyncset.done $0x0  }
0x4b: {  	[sflag:s19] =	ssyncadd.s32 $0xFFFFC000  }
0x4c: {  	_ =	swait.ge [sflag:s1], $0x200  }
0x4d: {  	[sflag:s1] =	ssyncset.done $0x0  }
0x4e: {  	[sflag:s1] =	ssyncadd.s32 $0xFFFFFE00  }
0x4f: {  	[tilespmem:s18], [sflag:$0x1] =	stream.indirect.gather [hbm4b:s4+s21], $0x80, s24, s21, $0xb8;
	[tilespmem:$0x1C400] =	vst v63  }
0x50: {  	_ = 	snop  }
0x51: {  	[tilespmem:s23], [sflag:$0x1] =	stream.indirect.gather [hbm4b:s4+s21], $0x80, s5, s21, $0xb8;
	[tilespmem:$0x1C400] =	vst v63  }
0x52: {  	_ =	swait.ge [sflag:s7], $0x4000  }
0x53: {  	[sflag:s7] =	ssyncset.done $0x0  }
0x54: {  	[sflag:s7] =	ssyncadd.s32 $0xFFFFC000  }
0x55: {  	[spmem:s2] =	stream.indirect.scatter.add.f32 [tilespmem:s26], [sflag:$0x4], $0x80, s8, s31, $0xb8;
	[tilespmem:$0x1C400] =	vst v63  }
0x56: {  	_ =	swait.ge [sflag:s19], $0x4000  }
0x57: {  	[sflag:s19] =	ssyncset.done $0x0  }
0x58: {  	s9 =	sadd.s32 $0xA80, s9;
	[sflag:s19] =	ssyncadd.s32 $0xFFFFC000  }
0x59: {  	[tilespmem:s20], [sflag:$0x3] =	stream.linear.gather [hbm4b:s9+s3], $0x200, $0x38;
	[tilespmem:$0x1C400] =	vst v63  }
0x5a: {  	_ = 	snop  }
0x5b: {  	[tilespmem:s26], [sflag:$0x2] =	stream.indirect.gather [hbm4b:s4+s21], $0x80, s13, s21, $0xb8;
	[tilespmem:$0x1C400] =	vst v63  }
0x5c: {  	_ = 	snop  }
0x5d: {  	[tilespmem:s29], [sflag:$0x2] =	stream.indirect.gather [hbm4b:s4+s21], $0x80, s14, s21, $0xb8;
	[tilespmem:$0x1C400] =	vst v63  }
0x5e: {  	_ =	swait.ge [sflag:s30], $0x4000  }
0x5f: {  	[sflag:s30] =	ssyncset.done $0x0  }
0x60: {  	[sflag:s30] =	ssyncadd.s32 $0xFFFFC000  }
0x61: {  	[spmem:s2] =	stream.indirect.scatter.add.f32 [tilespmem:s18], [sflag:$0x4], $0x80, s15, s31, $0xb8;
	[tilespmem:$0x1C400] =	vst v63  }
0x62: {  	_ =	swait.ge [sflag:s19], $0x4000  }
0x63: {  	[sflag:s19] =	ssyncset.done $0x0  }
0x64: {  	[sflag:s19] =	ssyncadd.s32 $0xFFFFC000  }
0x65: {  	_ =	swait.ge [sflag:s1], $0x200  }
0x66: {  	[sflag:s1] =	ssyncset.done $0x0  }
0x67: {  	[sflag:s1] =	ssyncadd.s32 $0xFFFFFE00  }
0x68: {  	[tilespmem:s18], [sflag:$0x1] =	stream.indirect.gather [hbm4b:s4+s21], $0x80, s20, s21, $0xb8;
	[tilespmem:$0x1C400] =	vst v63  }
0x69: {  	_ = 	snop  }
0x6a: {  	[tilespmem:s23], [sflag:$0x1] =	stream.indirect.gather [hbm4b:s4+s21], $0x80, s22, s21, $0xb8;
	[tilespmem:$0x1C400] =	vst v63  }
0x6b: {  	_ =	swait.ge [sflag:s7], $0x4000  }
0x6c: {  	[sflag:s7] =	ssyncset.done $0x0  }
0x6d: {  	[sflag:s7] =	ssyncadd.s32 $0xFFFFC000  }
0x6e: {  	[spmem:s2] =	stream.indirect.scatter.add.f32 [tilespmem:s26], [sflag:$0x4], $0x80, s16, s31, $0xb8;
	[tilespmem:$0x1C400] =	vst v63  }
0x6f: {  	s10 =	simm.s32 $0xFFFFF700;
	_ =	swait.ge [sflag:s19], $0x4000  }
0x70: {  	s9 =	simm.s32 $0xFFFFF680;
	s11 =	rddreg [dreg:$0x4];
	[sflag:s19] =	ssyncset.done $0x0  }
.LBB2_2:
0x71: {  	s11 =	sadd.s32 s9, s11  }
0x72: {  	[sflag:s19] =	ssyncadd.s32 $0xFFFFC000;
	s17 =	sadd.s32 $0xA40, s11  }
0x73: {  	[tilespmem:s24], [sflag:$0x3] =	stream.linear.gather [hbm4b:s17+s3], $0x200, $0x38;
	[tilespmem:$0x1C400] =	vst v63  }
0x74: {  	_ = 	snop  }
0x75: {  	[tilespmem:s26], [sflag:$0x2] =	stream.indirect.gather [hbm4b:s4+s21], $0x80, s25, s21, $0xb8;
	[tilespmem:$0x1C400] =	vst v63  }
0x76: {  	_ = 	snop  }
0x77: {  	[tilespmem:s29], [sflag:$0x2] =	stream.indirect.gather [hbm4b:s4+s21], $0x80, s28, s21, $0xb8;
	[tilespmem:$0x1C400] =	vst v63  }
0x78: {  	_ =	swait.ge [sflag:s30], $0x4000  }
0x79: {  	[sflag:s30] =	ssyncset.done $0x0  }
0x7a: {  	[sflag:s30] =	ssyncadd.s32 $0xFFFFC000  }
0x7b: {  	[spmem:s2] =	stream.indirect.scatter.add.f32 [tilespmem:s18], [sflag:$0x4], $0x80, s0, s31, $0xb8;
	[tilespmem:$0x1C400] =	vst v63  }
0x7c: {  	_ =	swait.ge [sflag:s19], $0x4000  }
0x7d: {  	[sflag:s19] =	ssyncset.done $0x0  }
0x7e: {  	[sflag:s19] =	ssyncadd.s32 $0xFFFFC000  }
0x7f: {  	_ =	swait.ge [sflag:s1], $0x200  }
0x80: {  	[sflag:s1] =	ssyncset.done $0x0  }
0x81: {  	[sflag:s1] =	ssyncadd.s32 $0xFFFFFE00  }
0x82: {  	[tilespmem:s18], [sflag:$0x1] =	stream.indirect.gather [hbm4b:s4+s21], $0x80, s24, s21, $0xb8;
	[tilespmem:$0x1C400] =	vst v63  }
0x83: {  	_ = 	snop  }
0x84: {  	[tilespmem:s23], [sflag:$0x1] =	stream.indirect.gather [hbm4b:s4+s21], $0x80, s5, s21, $0xb8;
	[tilespmem:$0x1C400] =	vst v63  }
0x85: {  	_ =	swait.ge [sflag:s7], $0x4000  }
0x86: {  	[sflag:s7] =	ssyncset.done $0x0  }
0x87: {  	[sflag:s7] =	ssyncadd.s32 $0xFFFFC000  }
0x88: {  	[spmem:s2] =	stream.indirect.scatter.add.f32 [tilespmem:s26], [sflag:$0x4], $0x80, s8, s31, $0xb8;
	[tilespmem:$0x1C400] =	vst v63  }
0x89: {  	_ =	swait.ge [sflag:s19], $0x4000  }
0x8a: {  	[sflag:s19] =	ssyncset.done $0x0  }
0x8b: {  	s11 =	sadd.s32 $0xA80, s11;
	[sflag:s19] =	ssyncadd.s32 $0xFFFFC000  }
0x8c: {  	[tilespmem:s20], [sflag:$0x3] =	stream.linear.gather [hbm4b:s11+s3], $0x200, $0x38;
	[tilespmem:$0x1C400] =	vst v63  }
0x8d: {  	_ = 	snop  }
0x8e: {  	[tilespmem:s26], [sflag:$0x2] =	stream.indirect.gather [hbm4b:s4+s21], $0x80, s13, s21, $0xb8;
	[tilespmem:$0x1C400] =	vst v63  }
0x8f: {  	_ = 	snop  }
0x90: {  	[tilespmem:s29], [sflag:$0x2] =	stream.indirect.gather [hbm4b:s4+s21], $0x80, s14, s21, $0xb8;
	[tilespmem:$0x1C400] =	vst v63  }
0x91: {  	_ =	swait.ge [sflag:s30], $0x4000  }
0x92: {  	[sflag:s30] =	ssyncset.done $0x0  }
0x93: {  	[sflag:s30] =	ssyncadd.s32 $0xFFFFC000  }
0x94: {  	[spmem:s2] =	stream.indirect.scatter.add.f32 [tilespmem:s18], [sflag:$0x4], $0x80, s15, s31, $0xb8;
	[tilespmem:$0x1C400] =	vst v63  }
0x95: {  	_ =	swait.ge [sflag:s19], $0x4000  }
0x96: {  	[sflag:s19] =	ssyncset.done $0x0  }
0x97: {  	[sflag:s19] =	ssyncadd.s32 $0xFFFFC000  }
0x98: {  	_ =	swait.ge [sflag:s1], $0x200  }
0x99: {  	[sflag:s1] =	ssyncset.done $0x0  }
0x9a: {  	[sflag:s1] =	ssyncadd.s32 $0xFFFFFE00  }
0x9b: {  	[tilespmem:s18], [sflag:$0x1] =	stream.indirect.gather [hbm4b:s4+s21], $0x80, s20, s21, $0xb8;
	[tilespmem:$0x1C400] =	vst v63  }
0x9c: {  	_ = 	snop  }
0x9d: {  	[tilespmem:s23], [sflag:$0x1] =	stream.indirect.gather [hbm4b:s4+s21], $0x80, s22, s21, $0xb8;
	[tilespmem:$0x1C400] =	vst v63  }
0x9e: {  	p0 =	sne.s32 s10, $0xFFFFFF80;
	_ =	swait.ge [sflag:s7], $0x4000  }
.Ltmp0:
0x9f: {  	[sflag:s7] =	ssyncset.done $0x0;
	(pc) =	sbr.rel @p0 .LBB2_2-.Ltmp0, $4  }
0xa0: {  	[sflag:s7] =	ssyncadd.s32 $0xFFFFC000  }
0xa1: {  	[spmem:s2] =	stream.indirect.scatter.add.f32 [tilespmem:s26], [sflag:$0x4], $0x80, s16, s31, $0xb8;
	[tilespmem:$0x1C400] =	vst v63  }
0xa2: {  	s12 =	smov.u32 s10;
	s10 =	sadd.s32 $0x80, s10;
	_ =	swait.ge [sflag:s19], $0x4000  }
0xa3: {  	s9 =	smov.u32 s12;
	s11 =	rddreg [dreg:$0x4];
	[sflag:s19] =	ssyncset.done $0x0  }
0xa4: {  	s9 =	sadd.s32 s9, s11  }
0xa5: {  	[sflag:s19] =	ssyncadd.s32 $0xFFFFC000;
	s10 =	sadd.s32 $0xA40, s9  }
0xa6: {  	[tilespmem:s24], [sflag:$0x3] =	stream.linear.gather [hbm4b:s10+s3], $0x200, $0x38;
	[tilespmem:$0x1C400] =	vst v63  }
0xa7: {  	_ = 	snop  }
0xa8: {  	[tilespmem:s26], [sflag:$0x2] =	stream.indirect.gather [hbm4b:s4+s21], $0x80, s25, s21, $0xb8;
	[tilespmem:$0x1C400] =	vst v63  }
0xa9: {  	_ = 	snop  }
0xaa: {  	[tilespmem:s29], [sflag:$0x2] =	stream.indirect.gather [hbm4b:s4+s21], $0x80, s28, s21, $0xb8;
	[tilespmem:$0x1C400] =	vst v63  }
0xab: {  	_ =	swait.ge [sflag:s30], $0x4000  }
0xac: {  	[sflag:s30] =	ssyncset.done $0x0  }
0xad: {  	[sflag:s30] =	ssyncadd.s32 $0xFFFFC000  }
0xae: {  	[spmem:s2] =	stream.indirect.scatter.add.f32 [tilespmem:s18], [sflag:$0x4], $0x80, s0, s31, $0xb8;
	[tilespmem:$0x1C400] =	vst v63  }
0xaf: {  	_ =	swait.ge [sflag:s19], $0x4000  }
0xb0: {  	[sflag:s19] =	ssyncset.done $0x0  }
0xb1: {  	[sflag:s19] =	ssyncadd.s32 $0xFFFFC000  }
0xb2: {  	_ =	swait.ge [sflag:s1], $0x200  }
0xb3: {  	[sflag:s1] =	ssyncset.done $0x0  }
0xb4: {  	[sflag:s1] =	ssyncadd.s32 $0xFFFFFE00  }
0xb5: {  	[tilespmem:s18], [sflag:$0x1] =	stream.indirect.gather [hbm4b:s4+s21], $0x80, s24, s21, $0xb8;
	[tilespmem:$0x1C400] =	vst v63  }
0xb6: {  	_ = 	snop  }
0xb7: {  	[tilespmem:s23], [sflag:$0x1] =	stream.indirect.gather [hbm4b:s4+s21], $0x80, s5, s21, $0xb8;
	[tilespmem:$0x1C400] =	vst v63  }
0xb8: {  	_ =	swait.ge [sflag:s7], $0x4000  }
0xb9: {  	[sflag:s7] =	ssyncset.done $0x0  }
0xba: {  	[sflag:s7] =	ssyncadd.s32 $0xFFFFC000  }
0xbb: {  	[spmem:s2] =	stream.indirect.scatter.add.f32 [tilespmem:s26], [sflag:$0x4], $0x80, s8, s31, $0xb8;
	[tilespmem:$0x1C400] =	vst v63  }
0xbc: {  	_ =	swait.ge [sflag:s19], $0x4000  }
0xbd: {  	[sflag:s19] =	ssyncset.done $0x0  }
0xbe: {  	s9 =	sadd.s32 $0xA80, s9;
	[sflag:s19] =	ssyncadd.s32 $0xFFFFC000  }
0xbf: {  	[tilespmem:s20], [sflag:$0x3] =	stream.linear.gather [hbm4b:s9+s3], $0x200, $0x38;
	[tilespmem:$0x1C400] =	vst v63  }
0xc0: {  	_ = 	snop  }
0xc1: {  	[tilespmem:s26], [sflag:$0x2] =	stream.indirect.gather [hbm4b:s4+s21], $0x80, s13, s21, $0xb8;
	[tilespmem:$0x1C400] =	vst v63  }
0xc2: {  	_ = 	snop  }
0xc3: {  	[tilespmem:s29], [sflag:$0x2] =	stream.indirect.gather [hbm4b:s4+s21], $0x80, s14, s21, $0xb8;
	[tilespmem:$0x1C400] =	vst v63  }
0xc4: {  	_ =	swait.ge [sflag:s30], $0x4000  }
0xc5: {  	[sflag:s30] =	ssyncset.done $0x0  }
0xc6: {  	[sflag:s30] =	ssyncadd.s32 $0xFFFFC000  }
0xc7: {  	[spmem:s2] =	stream.indirect.scatter.add.f32 [tilespmem:s18], [sflag:$0x4], $0x80, s15, s31, $0xb8;
	[tilespmem:$0x1C400] =	vst v63  }
0xc8: {  	_ =	swait.ge [sflag:s19], $0x4000  }
0xc9: {  	[sflag:s19] =	ssyncset.done $0x0  }
0xca: {  	[sflag:s19] =	ssyncadd.s32 $0xFFFFC000  }
0xcb: {  	_ =	swait.ge [sflag:s1], $0x200  }
0xcc: {  	[sflag:s1] =	ssyncset.done $0x0  }
0xcd: {  	[sflag:s1] =	ssyncadd.s32 $0xFFFFFE00  }
0xce: {  	[tilespmem:s18], [sflag:$0x1] =	stream.indirect.gather [hbm4b:s4+s21], $0x80, s20, s21, $0xb8;
	[tilespmem:$0x1C400] =	vst v63  }
0xcf: {  	_ = 	snop  }
0xd0: {  	[tilespmem:s23], [sflag:$0x1] =	stream.indirect.gather [hbm4b:s4+s21], $0x80, s22, s21, $0xb8;
	[tilespmem:$0x1C400] =	vst v63  }
0xd1: {  	_ =	swait.ge [sflag:s7], $0x4000  }
0xd2: {  	[sflag:s7] =	ssyncset.done $0x0  }
0xd3: {  	[sflag:s7] =	ssyncadd.s32 $0xFFFFC000  }
0xd4: {  	[spmem:s2] =	stream.indirect.scatter.add.f32 [tilespmem:s26], [sflag:$0x4], $0x80, s16, s31, $0xb8;
	[tilespmem:$0x1C400] =	vst v63  }
0xd5: {  	_ =	swait.ge [sflag:s19], $0x4000  }
0xd6: {  	[sflag:s19] =	ssyncset.done $0x0  }
0xd7: {  	[sflag:s19] =	ssyncadd.s32 $0xFFFFC000  }
0xd8: {  	_ =	swait.ge [sflag:s30], $0x4000  }
0xd9: {  	[sflag:s30] =	ssyncset.done $0x0  }
0xda: {  	[sflag:s30] =	ssyncadd.s32 $0xFFFFC000  }
0xdb: {  	[bflag:$0x0] =	sbarrier.arrive $0xFFFF  }
0xdc: {  	s6 =	rddreg [dreg:$0xb]  }
0xdd: {  	[tilespmem:s18], [sflag:$0x4] =	stream.linear.gather [spmem:s6], $0x4000, $0x38;
	[tilespmem:$0x1C400] =	vst v63  }
0xde: {  	_ =	swait.ge [sflag:s19], $0x4000  }
0xdf: {  	[sflag:s19] =	ssyncset.done $0x0  }
0xe0: {  	s10 =	rddreg [dreg:$0xd];
	[sflag:s19] =	ssyncadd.s32 $0xFFFFC000  }
0xe1: {  	[hbm4b:s10+s3] =	stream.linear.scatter [tilespmem:s18], [sflag:$0x4], $0x4000, $0x38;
	[tilespmem:$0x1C400] =	vst v63  }
0xe2: {  	_ =	swait.ge [sflag:s19], $0x4000  }
0xe3: {  	[sflag:s19] =	ssyncset.done $0x0  }
0xe4: {  	s10 =	rddreg [dreg:$0x8];
	[sflag:s19] =	ssyncadd.s32 $0xFFFFC000  }
0xe5: {  	[tilespmem:s18], [sflag:$0x4] =	stream.linear.gather [spmem:s10], $0x4000, $0x38;
	[tilespmem:$0x1C400] =	vst v63  }
0xe6: {  	_ =	swait.ge [sflag:s19], $0x4000  }
0xe7: {  	[sflag:s19] =	ssyncset.done $0x0  }
0xe8: {  	s11 =	rddreg [dreg:$0xe];
	[sflag:s19] =	ssyncadd.s32 $0xFFFFC000  }
0xe9: {  	[hbm4b:s11+s3] =	stream.linear.scatter [tilespmem:s18], [sflag:$0x4], $0x4000, $0x38;
	[tilespmem:$0x1C400] =	vst v63  }
0xea: {  	_ =	swait.ge [sflag:s19], $0x4000  }
0xeb: {  	[sflag:s19] =	ssyncset.done $0x0  }
0xec: {  	s11 =	rddreg [dreg:$0x9];
	[sflag:s19] =	ssyncadd.s32 $0xFFFFC000  }
0xed: {  	[tilespmem:s18], [sflag:$0x4] =	stream.linear.gather [spmem:s11], $0x4000, $0x38;
	[tilespmem:$0x1C400] =	vst v63  }
0xee: {  	_ =	swait.ge [sflag:s19], $0x4000  }
0xef: {  	[sflag:s19] =	ssyncset.done $0x0  }
0xf0: {  	s12 =	rddreg [dreg:$0xf];
	[sflag:s19] =	ssyncadd.s32 $0xFFFFC000  }
0xf1: {  	[hbm4b:s12+s3] =	stream.linear.scatter [tilespmem:s18], [sflag:$0x4], $0x4000, $0x38;
	[tilespmem:$0x1C400] =	vst v63  }
0xf2: {  	_ =	swait.ge [sflag:s19], $0x4000  }
0xf3: {  	[sflag:s19] =	ssyncset.done $0x0  }
0xf4: {  	s6 =	rddreg [dreg:$0xa];
	[sflag:s19] =	ssyncadd.s32 $0xFFFFC000  }
0xf5: {  	[tilespmem:s18], [sflag:$0x4] =	stream.linear.gather [spmem:s6], $0x4000, $0x38;
	[tilespmem:$0x1C400] =	vst v63  }
0xf6: {  	_ =	swait.ge [sflag:s19], $0x4000  }
0xf7: {  	[sflag:s19] =	ssyncset.done $0x0  }
0xf8: {  	s17 =	rddreg [dreg:$0x10];
	[sflag:s19] =	ssyncadd.s32 $0xFFFFC000  }
0xf9: {  	[hbm4b:s17+s3] =	stream.linear.scatter [tilespmem:s18], [sflag:$0x4], $0x4000, $0x38;
	[tilespmem:$0x1C400] =	vst v63  }
0xfa: {  	_ =	swait.ge [sflag:s19], $0x4000  }
0xfb: {  	[sflag:s19] =	ssyncset.done $0x0  }
0xfc: {  	s17 =	rddreg [dreg:$0xc];
	[sflag:s19] =	ssyncadd.s32 $0xFFFFC000  }
0xfd: {  	[tilespmem:s18], [sflag:$0x4] =	stream.linear.gather [spmem:s17], $0x4000, $0x38;
	[tilespmem:$0x1C400] =	vst v63  }
0xfe: {  	_ =	swait.ge [sflag:s19], $0x4000  }
0xff: {  	[sflag:s19] =	ssyncset.done $0x0  }
0x100: {  	s12 =	rddreg [dreg:$0x11];
	[sflag:s19] =	ssyncadd.s32 $0xFFFFC000  }
0x101: {  	[hbm4b:s12+s3] =	stream.linear.scatter [tilespmem:s18], [sflag:$0x4], $0x4000, $0x38;
	[tilespmem:$0x1C400] =	vst v63  }
0x102: {  	_ =	swait.ge [sflag:s19], $0x4000  }
0x103: {  	s12 =	rddreg [dreg:$0x12]  }
0x104: {  	s9 =	rddreg [dreg:$0x7];
	s12 =	sadd.s32 $0x1, s12  }
0x105: {  	p0 =	sne.s32 s12, s9  }
.Ltmp1:
0x106: {  	_ = 	snop;
	(pc) =	sbr.rel @p0 .LBB2_1-.Ltmp1, $3  }
0x107: {  	_ =	sdelay $0x1  }
0x108: {  	[sflag:s19] =	ssyncset.done $0x0;
	[dreg:$0x12] =	wrdreg s12  }
0x109: {  	[sflag:s19] =	ssyncadd.s32 $0xFFFFC000;
	s12 =	rddreg [dreg:$0xb]  }
0x10a: {  	_ =	sfence.sel $0x180000  }
0x10b: {  	[bflag:$0x0] =	sbarrier.arrive $0xFFFF  }
0x10c: {  	_ =	strace $0x9000004A  }
0x10d: {  	s0 =	stileid.u32;
	[bflag:$0x2] =	sbarrier.arrive $0xFFFF  }
0x10e: {  	p0 =	sne.s32 s0, $0x0;
	s0 =	rddreg [dreg:$0x3]  }
0x10f: {  	s0 =	sadd.s32 @!p0 $0x100000, s0  }
0x110: {  	[sflag:s0] =	ssyncadd.tile.s32 @!p0 $0x1;
	_ =	shalt  }
.Lfunc_end2:
_tile_overlayer_lowered:
.L_overlay_start_2:
0x111: {  	(tag) =	ssettag $0x2  }
0x112: {  	s0 =	rddreg [dreg:$0x0];
	s2 =	stileid.u32  }
0x113: {  	s1 =	rddreg [dreg:$0x1];
	p0 =	sne.s32 s2, $0x0  }
0x114: {  	s3 =	rddreg [dreg:$0x2];
	[bflag:$0x3] =	sbarrier.arrive $0xFFFF;
	s2 =	simm.s32 @!p0 $0x1C04  }
0x115: {  	[timem:s3], [sflag:s2] =	dma.local @!p0 [hbm:s0], s1  }
0x116: {  	s0 =	simm.s32 @!p0 $0x4  }
0x117: {  	_ =	swait.ge @!p0 [sflag:s0], s1  }
0x118: {  	s1 =	ssub.s32 @!p0 $0x0, s1;
	[sflag:s0] =	ssyncset.done @!p0 $0x0  }
0x119: {  	[sflag:s0] =	ssyncadd.s32 @!p0 s1  }
0x11a: {  	[bflag:$0x3] =	sbarrier.arrive $0xFFFF  }
0x11b: {  	_ =	shalt  }

// kernel: sc_edge_agg.7.cloned.1.call-start
scs
__scs_entry_jumppad:
0x0: {  	(pc) =	sbr.rel $0x88, $3  }
0x1: {  	(tag) =	ssettag $0x0;
	lr =	simm.s32 $0x1  }
0x2: {  	[smem:$0x3F99] =	sst lr;
	_ =	strace $0xD0000000  }
0x3: {  	_ = 	snop  }
0x4: {  	_ = 	snop  }
0x5: {  	_ = 	snop  }
0x6: {  	_ = 	snop  }
0x7: {  	_ = 	snop  }
__scs_overlays_trampoline_lowered:
0x8: {  	[smem:$0x3FA8] =	sst s0  }
0x9: {  	[smem:$0x3FA9] =	sst s1  }
0xa: {  	[smem:$0x3FAA] =	sst s2  }
0xb: {  	[smem:$0x3FAB] =	sst s3  }
0xc: {  	[smem:$0x3FAC] =	sst s4  }
0xd: {  	[smem:$0x3FAD] =	sst s5  }
0xe: {  	[smem:$0x3FAE] =	sst s6  }
0xf: {  	[smem:$0x3FAF] =	sst s7  }
0x10: {  	[smem:$0x3FB0] =	sst s8  }
0x11: {  	[smem:$0x3FB1] =	sst s9;
	s0 =	simm.s32 @!p0 $0x0  }
0x12: {  	s1 =	sld [smem:$0x3F97];
	s0 =	simm.s32 @p0 $0x1  }
0x13: {  	[smem:$0x3FB2] =	sst s0;
	s0 =	simm.s32 @!p1 $0x0  }
0x14: {  	s2 =	sld [smem:$0x3F96];
	s0 =	simm.s32 @p1 $0x1  }
0x15: {  	[smem:$0x3FB3] =	sst s0;
	s0 =	simm.s32 @!p2 $0x0  }
0x16: {  	s3 =	sld [smem:$0x3FDB];
	s0 =	simm.s32 @p2 $0x1  }
0x17: {  	s4 =	simm.s32 $0x1BF5;
	[smem:$0x3FB5] =	sst s0  }
0x18: {  	s0 =	sld [smem:$0x3F98];
	_ =	swait.ge [sflag:s4], $0x0  }
0x19: {  	s7 =	sld [smem:$0x3F99]  }
0x1a: {  	s8 =	sadd.s32 $0xFFFFE003, lr  }
0x1b: {  	s9 =	sadd.s32 $0xFFFFFEF7, lr;
	s5 =	simm.s32 $0xFFFFFFFF;
	p2 =	slt.u32 s8, $0xFFFFF086  }
0x1c: {  	p1 =	slt.u32 s9, $0xF7A;
	s5 =	simm.s32 @!p2 $0x0  }
0x1d: {  	s5 =	simm.s32 @p1 $0x1;
	p0 =	seq.s32 s7, s2  }
0x1e: {  	s7 =	smul.u32 @!p0 $0xF7A, s2;
	p2 =	seq.s32 @!p0 s5, $0x0  }
0x1f: {  	s9 =	smul.u32 $0xF7A, s1;
	s8 =	simm.s32 @!p0 $0x1BF5;
	p2 =	por !p2, p0  }
0x20: {  	[sflag:s8] =	ssyncset.s32 @!p0 $0xFFFFF086;
	s6 =	sadd.s32 @!p0 s3, s7;
	s7 =	simm.s32 @!p0 $0x108  }
0x21: {  	s3 =	sadd.s32 s3, s9;
	s6 =	sadd.s32 @!p0 $0x88, s6;
	s7 =	simm.s32 @p2 $0x1082  }
0x22: {  	[simem:s7], [sflag:s8] =	dma.local @!p0 [hbm:s6], $0xF7A  }
0x23: {  	s9 =	sor.u32 $0xD0000000, s2;
	s6 =	simm.s32 $0x108;
	_ =	swait.ge @!p0 [sflag:s8], $0x0  }
0x24: {  	s3 =	sadd.s32 $0x88, s3;
	s6 =	simm.s32 @!p1 $0x1082;
	[sflag:s4] =	ssyncset.s32 $0xFFFFF086  }
0x25: {  	[simem:s6], [sflag:s4] =	dma.local [hbm:s3], $0xF7A  }
0x26: {  	[smem:$0x3F99] =	sst s1;
	(tag) =	ssettag s2;
	_ =	strace s9  }
0x27: {  	s1 =	sld [smem:$0x3FA9]  }
0x28: {  	s2 =	sld [smem:$0x3FAA]  }
0x29: {  	s4 =	sld [smem:$0x3FAC]  }
0x2a: {  	p0 =	seq.s32 s5, $0x0;
	s5 =	sld [smem:$0x3FAD]  }
0x2b: {  	s6 =	sld [smem:$0x3FAE]  }
0x2c: {  	s7 =	sld [smem:$0x3FAF]  }
0x2d: {  	s3 =	simm.s32 $0x108;
	s8 =	sld [smem:$0x3FB0]  }
0x2e: {  	s3 =	simm.s32 @!p0 $0x1082;
	s9 =	sld [smem:$0x3FB1]  }
0x2f: {  	lr =	sadd.s32 s0, s3;
	s0 =	sld [smem:$0x3FA8]  }
0x30: {  	s3 =	sld [smem:$0x3FAB]  }
0x31: {  	[smem:$0x3FB4] =	sst s10  }
0x32: {  	s10 =	sld [smem:$0x3FB2];
	_ =	sdelay $0x3  }
0x33: {  	p0 =	seq.s32 s10, $0x1;
	s10 =	sld [smem:$0x3FB4];
	_ =	sdelay $0x3  }
0x34: {  	[smem:$0x3FB4] =	sst s10  }
0x35: {  	s10 =	sld [smem:$0x3FB3];
	_ =	sdelay $0x3  }
0x36: {  	p1 =	seq.s32 s10, $0x1;
	s10 =	sld [smem:$0x3FB4];
	_ =	sdelay $0x3  }
0x37: {  	[smem:$0x3FB4] =	sst s10  }
0x38: {  	s10 =	sld [smem:$0x3FB5]  }
0x39: {  	_ = 	snop;
	(pc) =	sbr.ind lr, $3  }
0x3a: {  	_ = 	snop  }
0x3b: {  	_ = 	snop  }
0x3c: {  	p2 =	seq.s32 s10, $0x1;
	s10 =	sld [smem:$0x3FB4]  }
0x3d: {  	_ =	shalt  }
0x3e: {  	_ =	shalt  }
0x3f: {  	_ =	shalt  }
0x40: {  	_ =	shalt  }
0x41: {  	_ =	shalt  }
0x42: {  	_ =	shalt  }
0x43: {  	_ =	shalt  }
0x44: {  	_ =	shalt  }
0x45: {  	_ =	shalt  }
0x46: {  	_ =	shalt  }
0x47: {  	_ =	shalt  }
0x48: {  	_ =	shalt  }
0x49: {  	_ =	shalt  }
0x4a: {  	_ =	shalt  }
0x4b: {  	_ =	shalt  }
0x4c: {  	_ =	shalt  }
0x4d: {  	_ =	shalt  }
0x4e: {  	_ =	shalt  }
0x4f: {  	_ =	shalt  }
0x50: {  	_ =	shalt  }
0x51: {  	_ =	shalt  }
0x52: {  	_ =	shalt  }
0x53: {  	_ =	shalt  }
0x54: {  	_ =	shalt  }
0x55: {  	_ =	shalt  }
0x56: {  	_ =	shalt  }
0x57: {  	_ =	shalt  }
0x58: {  	_ =	shalt  }
0x59: {  	_ =	shalt  }
0x5a: {  	_ =	shalt  }
0x5b: {  	_ =	shalt  }
0x5c: {  	_ =	shalt  }
0x5d: {  	_ =	shalt  }
0x5e: {  	_ =	shalt  }
0x5f: {  	_ =	shalt  }
0x60: {  	_ =	shalt  }
0x61: {  	_ =	shalt  }
0x62: {  	_ =	shalt  }
0x63: {  	_ =	shalt  }
0x64: {  	_ =	shalt  }
0x65: {  	_ =	shalt  }
0x66: {  	_ =	shalt  }
0x67: {  	_ =	shalt  }
0x68: {  	_ =	shalt  }
0x69: {  	_ =	shalt  }
0x6a: {  	_ =	shalt  }
0x6b: {  	_ =	shalt  }
0x6c: {  	_ =	shalt  }
0x6d: {  	_ =	shalt  }
0x6e: {  	_ =	shalt  }
0x6f: {  	_ =	shalt  }
0x70: {  	_ =	shalt  }
0x71: {  	_ =	shalt  }
0x72: {  	_ =	shalt  }
0x73: {  	_ =	shalt  }
0x74: {  	_ =	shalt  }
0x75: {  	_ =	shalt  }
0x76: {  	_ =	shalt  }
0x77: {  	_ =	shalt  }
0x78: {  	_ =	shalt  }
0x79: {  	_ =	shalt  }
0x7a: {  	_ =	shalt  }
0x7b: {  	_ =	shalt  }
0x7c: {  	_ =	shalt  }
0x7d: {  	_ =	shalt  }
0x7e: {  	_ =	shalt  }
0x7f: {  	_ =	shalt  }
0x80: {  	_ =	shalt  }
0x81: {  	_ =	shalt  }
0x82: {  	_ =	shalt  }
0x83: {  	_ =	shalt  }
0x84: {  	_ =	shalt  }
0x85: {  	_ =	shalt  }
0x86: {  	_ =	shalt  }
0x87: {  	_ =	shalt  }
.Lfunc_end0:
.L_simem_size_0:
called_computation.2_lowered:
.L_overlay_start_0:
0x88: {  	s2 =	sld [smem:$0x3FD9]  }
0x89: {  	s3 =	sld [smem:$0x3FFE];
	_ =	sdelay $0x1  }
0x8a: {  	s1 =	srdreg.scid  }
0x8b: {  	s0 =	sand.u32 $0x1, s1  }
0x8c: {  	s17 =	sshll.u32 s0, $0xA;
	s2 =	sadd.s32 s3, s2  }
0x8d: {  	s2 =	sadd.s32 s2, s17  }
0x8e: {  	[smem:$0x3FC0] =	sst s2  }
0x8f: {  	_ = 	snop  }
0x90: {  	s2 =	sld [smem:$0x3FD0];
	(tm) =	ssettm $0x1  }
0x91: {  	s18 =	sld [smem:$0x3FFB];
	_ =	sdelay $0x3  }
0x92: {  	_ =	strace s18  }
0x93: {  	s3 =	sld [smem:$0x3FFC];
	_ =	sdelay $0x3  }
0x94: {  	_ =	strace s3  }
0x95: {  	s3 =	sld [smem:$0x3FFD];
	_ =	sdelay $0x3  }
0x96: {  	_ =	strace s3  }
0x97: {  	_ =	strace $0x8FFFFFFF  }
0x98: {  	s19 =	sld [smem:$0x3FDB];
	_ =	sdelay $0x1  }
0x99: {  	s4 =	simm.s32 $_scs_section_size  }
0x9a: {  	s5 =	simm.s32 $_size__tile_overlayer_lowered;
	s6 =	simm.s32 $_tile_overlayer_lowered  }
0x9b: {  	s22 =	simm.s32 $0x1BFF;
	s21 =	sshll.u32 s6, $0x1;
	s3 =	sadd.s32 s4, s19  }
0x9c: {  	s7 =	simm.s32 $0x0;
	s20 =	sshll.u32 s5, $0x1;
	s5 =	sadd.s32 s21, s3  }
0x9d: {  	[timem:s7], [sflag:s22] =	dma.local [hbm:s5], s20  }
0x9e: {  	_ =	swait.ge [sflag:s22], s20  }
0x9f: {  	s4 =	ssub.s32 $0x0, s20;
	[sflag:s22] =	ssyncset.done $0x0  }
0xa0: {  	[sflag:s22] =	ssyncadd.s32 s4;
	_ =	sdelay $0x1  }
0xa1: {  	s23 =	simm.s32 $0x1B8B  }
0xa2: {  	_ =	swait.ge [sflag:s23], $0x1  }
0xa3: {  	[sflag:s23] =	ssyncset.done $0x0  }
0xa4: {  	s25 =	simm.s32 $0x1B8E;
	s24 =	sld [smem:$0x3FFE];
	[sflag:s23] =	ssyncadd.s32 $0xFFFFFFFF  }
0xa5: {  	s26 =	simm.s32 $execute0_lowered;
	[smem:$0x3FD2] =	sst s25  }
0xa6: {  	s5 =	sshll.u32 s26, $0x1;
	_ =	strace $0x8000004C;
	[dreg:$0x1] =	wrdreg $0xFFFFFFFF  }
0xa7: {  	s28 =	simm.s32 $_size_execute0_lowered;
	s3 =	sadd.s32 s3, s5;
	[dreg:$0x0] =	wrdreg $0x0  }
0xa8: {  	s5 =	sshll.u32 s28, $0x1;
	[dreg:$0x2] =	wrdreg s3  }
0xa9: {  	[dreg:$0x3] =	wrdreg s5  }
0xaa: {  	[dreg:$0x4] =	wrdreg $0xC0  }
0xab: {  	_ =	task [dreg:s7], $0x5FFFF  }
0xac: {  	[dreg:$0x1] =	wrdreg $0xFFFFFFFF  }
0xad: {  	[dreg:$0x0] =	wrdreg $0x60  }
0xae: {  	[dreg:$0x2] =	wrdreg s2  }
0xaf: {  	[dreg:$0x3] =	wrdreg s24  }
0xb0: {  	[dreg:$0x4] =	wrdreg $0x0  }
0xb1: {  	[dreg:$0x5] =	wrdreg $0x9  }
0xb2: {  	_ =	task.clear_ibuf [dreg:s7], $0x6FFFF;
	_ =	strace $0x9000004C  }
0xb3: {  	s29 =	simm.s32 $0x9;
	_ =	strace $0x8000004E  }
0xb4: {  	_ =	swait.ge [sflag:s29], $0x1  }
0xb5: {  	[sflag:s29] =	ssyncadd.s32 $0xFFFFFFFF  }
0xb6: {  	_ =	strace $0x9000004E  }
0xb7: {  	_ =	sfence  }
0xb8: {  	s30 =	sld [smem:$0x0];
	_ =	sdelay $0x2  }
0xb9: {  	s31 =	sshll.u32 s1, $0xD;
	s1 =	sshrl.u32 s1, $0x2  }
0xba: {  	s3 =	sand.u32 $0x4000, s31;
	s1 =	sadd.s32 s1, s30  }
0xbb: {  	s0 =	sor.u32 s3, s0;
	s1 =	sshll.u32 s1, $0x11  }
0xbc: {  	s0 =	sor.u32 s1, s0  }
0xbd: {  	s0 =	sadd.s32 $0x8F2B, s0  }
0xbe: {  	[sflag:s0] =	ssyncadd.remote.s32 $0x1  }
0xbf: {  	_ =	sfence.sel $0xFFFF  }
0xc0: {  	[dreg:$0x0] =	wrdreg $0xFFFFFFFF;
	(pc) =	sbr.abs _section_cstart, $3  }
0xc1: {  	[dreg:$0x1] =	wrdreg $0xFFFFFFFF  }
0xc2: {  	_ =	task.clear_ibuf [dreg:s7], $0x2FFFF;
	_ =	strace $0x9FFFFFFF  }
0xc3: {  	(tm) =	ssettm $0x7FFFFFFF  }
tec
execute0_lowered:
.L_overlay_start_1:
0x0: {  	(tag) =	ssettag $0x1  }
0x1: {  	s0 =	rddreg [dreg:$0x0]  }
0x2: {  	s1 =	rddreg [dreg:$0x1];
	s3 =	srdreg.scid  }
0x3: {  	s2 =	rddreg [dreg:$0x2];
	s11 =	stileid.u32  }
0x4: {  	s28 =	simm.s32 $0x14140;
	s29 =	simm.s32 $0x1A400;
	s6 =	smul.u32 $0x280, s11  }
0x5: {  	s30 =	simm.s32 $0x1;
	s31 =	simm.s32 $0x80;
	s7 =	smul.u32 $0x50000, s11  }
0x6: {  	s13 =	simm.s32 $0x14300;
	s14 =	simm.s32 $0x14340;
	s9 =	smul.u32 $0xA0, s11  }
0x7: {  	s15 =	simm.s32 $0x14280;
	s5 =	sand.u32 $0x1, s3;
	s23 =	smul.u32 $0xA00, s11  }
0x8: {  	s3 =	simm.s32 $0x0;
	s10 =	sadd.s32 $0x7600, s1;
	s4 =	smul.u32 $0x2800, s5  }
0x9: {  	[smem:$0x7FF] =	sst s3;
	s8 =	smul.u32 $0xA00, s5;
	s16 =	ssub.s32 $0x2, s5  }
0xa: {  	s5 =	smul.u32 $0xA000, s5;
	_ =	strace $0x8000004D;
	[dreg:$0x5] =	wrdreg s10  }
0xb: {  	s17 =	sshrl.u32 s16, $0x1;
	s7 =	sshrl.u32 s7, $0x2;
	s6 =	sadd.s32 s6, s4  }
0xc: {  	s4 =	sadd.s32 $0x57E00, s1;
	s8 =	sadd.s32 s9, s8;
	s9 =	simm.s32 $0x0  }
0xd: {  	s18 =	ssub.s32 s16, s17;
	s12 =	sadd.s32 s7, s2;
	[dreg:$0x12] =	wrdreg s9  }
0xe: {  	s16 =	simm.s32 $0x14380;
	s20 =	smax.u32 s18, $0x1;
	[dreg:$0xb] =	wrdreg s12  }
0xf: {  	s6 =	sshll.u32 s6, $0x4;
	s10 =	sadd.s32 $0x4000, s12;
	[dreg:$0x7] =	wrdreg s20  }
0x10: {  	s19 =	sshll.u32 s8, $0x4;
	s17 =	sadd.s32 $0x10000, s12;
	[dreg:$0x8] =	wrdreg s10  }
0x11: {  	s21 =	sadd.s32 $0x8000, s12;
	s7 =	sadd.s32 s0, s19;
	[dreg:$0xc] =	wrdreg s17  }
0x12: {  	s18 =	simm.s32 $0x14400;
	s11 =	smov.u32 s21;
	[dreg:$0x6] =	wrdreg s7  }
0x13: {  	s1 =	sadd.s32 s6, s1;
	s6 =	sadd.s32 $0xC000, s12;
	[dreg:$0x9] =	wrdreg s11  }
0x14: {  	s8 =	simm.s32 $0x14180;
	s22 =	sadd.s32 $0xA7E00, s1;
	[dreg:$0xa] =	wrdreg s6  }
0x15: {  	s0 =	sadd.s32 s5, s0;
	s24 =	sadd.s32 $0xA8600, s1;
	[dreg:$0xd] =	wrdreg s22  }
0x16: {  	s19 =	simm.s32 $0x4;
	s25 =	sadd.s32 $0xA8E00, s1;
	[dreg:$0xe] =	wrdreg s24  }
0x17: {  	s20 =	simm.s32 $0x14000;
	s26 =	sadd.s32 $0xA9600, s1;
	[dreg:$0xf] =	wrdreg s25  }
0x18: {  	s21 =	simm.s32 $0x40;
	s1 =	sadd.s32 $0xA9E00, s1;
	[dreg:$0x10] =	wrdreg s26  }
0x19: {  	s5 =	simm.s32 $0x14240;
	s0 =	sadd.s32 s23, s0;
	[dreg:$0x11] =	wrdreg s1  }
0x1a: {  	s23 =	simm.s32 $0x16400;
	s7 =	simm.s32 $0x2;
	[dreg:$0x4] =	wrdreg s0  }
0x1b: {  	s22 =	simm.s32 $0x14040;
	s24 =	simm.s32 $0x14200;
	s25 =	simm.s32 $0x14100  }
0x1c: {  	s26 =	simm.s32 $0x18400;
	s0 =	simm.s32 $0x14080;
	s1 =	simm.s32 $0x3  }
.LBB2_1:
0x1d: {  	s9 =	rddreg [dreg:$0x5]  }
0x1e: {  	[tilespmem:s18], [sflag:$0x4] =	stream.linear.gather [hbm4b:s9+s3], $0x4000, $0x38;
	[tilespmem:$0x1C400] =	vst v63  }
0x1f: {  	_ =	swait.ge [sflag:s19], $0x4000  }
0x20: {  	[sflag:s19] =	ssyncset.done $0x0  }
0x21: {  	[sflag:s19] =	ssyncadd.s32 $0xFFFFC000  }
0x22: {  	[spmem:s12] =	stream.linear.scatter [tilespmem:s18], [sflag:$0x4], $0x4000, $0x38;
	[tilespmem:$0x1C400] =	vst v63  }
0x23: {  	_ =	swait.ge [sflag:s19], $0x4000  }
0x24: {  	[sflag:s19] =	ssyncset.done $0x0  }
0x25: {  	[sflag:s19] =	ssyncadd.s32 $0xFFFFC000  }
0x26: {  	[spmem:s10] =	stream.linear.scatter [tilespmem:s18], [sflag:$0x4], $0x4000, $0x38;
	[tilespmem:$0x1C400] =	vst v63  }
0x27: {  	_ =	swait.ge [sflag:s19], $0x4000  }
0x28: {  	[sflag:s19] =	ssyncset.done $0x0  }
0x29: {  	[sflag:s19] =	ssyncadd.s32 $0xFFFFC000  }
0x2a: {  	[spmem:s11] =	stream.linear.scatter [tilespmem:s18], [sflag:$0x4], $0x4000, $0x38;
	[tilespmem:$0x1C400] =	vst v63  }
0x2b: {  	_ =	swait.ge [sflag:s19], $0x4000  }
0x2c: {  	[sflag:s19] =	ssyncset.done $0x0  }
0x2d: {  	[sflag:s19] =	ssyncadd.s32 $0xFFFFC000  }
0x2e: {  	[spmem:s6] =	stream.linear.scatter [tilespmem:s18], [sflag:$0x4], $0x4000, $0x38;
	[tilespmem:$0x1C400] =	vst v63  }
0x2f: {  	_ =	swait.ge [sflag:s19], $0x4000  }
0x30: {  	[sflag:s19] =	ssyncset.done $0x0  }
0x31: {  	[sflag:s19] =	ssyncadd.s32 $0xFFFFC000  }
0x32: {  	[spmem:s17] =	stream.linear.scatter [tilespmem:s18], [sflag:$0x4], $0x4000, $0x38;
	[tilespmem:$0x1C400] =	vst v63  }
0x33: {  	_ =	swait.ge [sflag:s19], $0x4000  }
0x34: {  	[sflag:s19] =	ssyncset.done $0x0  }
0x35: {  	[sflag:s19] =	ssyncadd.s32 $0xFFFFC000  }
0x36: {  	[bflag:$0x0] =	sbarrier.arrive $0xFFFF  }
0x37: {  	s11 =	rddreg [dreg:$0x6]  }
0x38: {  	[tilespmem:s20], [sflag:$0x4] =	stream.linear.gather [hbm4b:s11+s3], $0x200, $0x38;
	[tilespmem:$0x1C400] =	vst v63  }
0x39: {  	_ =	swait.ge [sflag:s19], $0x200  }
0x3a: {  	[sflag:s19] =	ssyncset.done $0x0  }
0x3b: {  	s12 =	rddreg [dreg:$0x4];
	[sflag:s19] =	ssyncadd.s32 $0xFFFFFE00  }
0x3c: {  	[tilespmem:s18], [sflag:$0x1] =	stream.indirect.gather [hbm4b:s4+s21], $0x80, s20, s21, $0xb8;
	[tilespmem:$0x1C400] =	vst v63  }
0x3d: {  	s9 =	sadd.s32 $0xFFFFF600, s12  }
0x3e: {  	[tilespmem:s23], [sflag:$0x1] =	stream.indirect.gather [hbm4b:s4+s21], $0x80, s22, s21, $0xb8;
	[tilespmem:$0x1C400] =	vst v63  }
0x3f: {  	s17 =	sadd.s32 $0xA40, s9  }
0x40: {  	[tilespmem:s24], [sflag:$0x3] =	stream.linear.gather [hbm4b:s17+s3], $0x200, $0x38;
	[tilespmem:$0x1C400] =	vst v63  }
0x41: {  	_ = 	snop  }
0x42: {  	[tilespmem:s26], [sflag:$0x2] =	stream.indirect.gather [hbm4b:s4+s21], $0x80, s25, s21, $0xb8;
	[tilespmem:$0x1C400] =	vst v63  }
0x43: {  	_ = 	snop  }
0x44: {  	[tilespmem:s29], [sflag:$0x2] =	stream.indirect.gather [hbm4b:s4+s21], $0x80, s28, s21, $0xb8;
	[tilespmem:$0x1C400] =	vst v63  }
0x45: {  	_ =	swait.ge [sflag:s30], $0x4000  }
0x46: {  	[sflag:s30] =	ssyncset.done $0x0  }
0x47: {  	[sflag:s30] =	ssyncadd.s32 $0xFFFFC000  }
0x48: {  	[spmem:s2] =	stream.indirect.scatter.add.f32 [tilespmem:s18], [sflag:$0x4], $0x80, s0, s31, $0xb8;
	[tilespmem:$0x1C400] =	vst v63  }
0x49: {  	_ =	swait.ge [sflag:s19], $0x4000  }
0x4a: {  	[sflag:s19] =	ssyncset.done $0x0  }
0x4b: {  	[sflag:s19] =	ssyncadd.s32 $0xFFFFC000  }
0x4c: {  	_ =	swait.ge [sflag:s1], $0x200  }
0x4d: {  	[sflag:s1] =	ssyncset.done $0x0  }
0x4e: {  	[sflag:s1] =	ssyncadd.s32 $0xFFFFFE00  }
0x4f: {  	[tilespmem:s18], [sflag:$0x1] =	stream.indirect.gather [hbm4b:s4+s21], $0x80, s24, s21, $0xb8;
	[tilespmem:$0x1C400] =	vst v63  }
0x50: {  	_ = 	snop  }
0x51: {  	[tilespmem:s23], [sflag:$0x1] =	stream.indirect.gather [hbm4b:s4+s21], $0x80, s5, s21, $0xb8;
	[tilespmem:$0x1C400] =	vst v63  }
0x52: {  	_ =	swait.ge [sflag:s7], $0x4000  }
0x53: {  	[sflag:s7] =	ssyncset.done $0x0  }
0x54: {  	[sflag:s7] =	ssyncadd.s32 $0xFFFFC000  }
0x55: {  	[spmem:s2] =	stream.indirect.scatter.add.f32 [tilespmem:s26], [sflag:$0x4], $0x80, s8, s31, $0xb8;
	[tilespmem:$0x1C400] =	vst v63  }
0x56: {  	_ =	swait.ge [sflag:s19], $0x4000  }
0x57: {  	[sflag:s19] =	ssyncset.done $0x0  }
0x58: {  	s9 =	sadd.s32 $0xA80, s9;
	[sflag:s19] =	ssyncadd.s32 $0xFFFFC000  }
0x59: {  	[tilespmem:s20], [sflag:$0x3] =	stream.linear.gather [hbm4b:s9+s3], $0x200, $0x38;
	[tilespmem:$0x1C400] =	vst v63  }
0x5a: {  	_ = 	snop  }
0x5b: {  	[tilespmem:s26], [sflag:$0x2] =	stream.indirect.gather [hbm4b:s4+s21], $0x80, s13, s21, $0xb8;
	[tilespmem:$0x1C400] =	vst v63  }
0x5c: {  	_ = 	snop  }
0x5d: {  	[tilespmem:s29], [sflag:$0x2] =	stream.indirect.gather [hbm4b:s4+s21], $0x80, s14, s21, $0xb8;
	[tilespmem:$0x1C400] =	vst v63  }
0x5e: {  	_ =	swait.ge [sflag:s30], $0x4000  }
0x5f: {  	[sflag:s30] =	ssyncset.done $0x0  }
0x60: {  	[sflag:s30] =	ssyncadd.s32 $0xFFFFC000  }
0x61: {  	[spmem:s2] =	stream.indirect.scatter.add.f32 [tilespmem:s18], [sflag:$0x4], $0x80, s15, s31, $0xb8;
	[tilespmem:$0x1C400] =	vst v63  }
0x62: {  	_ =	swait.ge [sflag:s19], $0x4000  }
0x63: {  	[sflag:s19] =	ssyncset.done $0x0  }
0x64: {  	[sflag:s19] =	ssyncadd.s32 $0xFFFFC000  }
0x65: {  	_ =	swait.ge [sflag:s1], $0x200  }
0x66: {  	[sflag:s1] =	ssyncset.done $0x0  }
0x67: {  	[sflag:s1] =	ssyncadd.s32 $0xFFFFFE00  }
0x68: {  	[tilespmem:s18], [sflag:$0x1] =	stream.indirect.gather [hbm4b:s4+s21], $0x80, s20, s21, $0xb8;
	[tilespmem:$0x1C400] =	vst v63  }
0x69: {  	_ = 	snop  }
0x6a: {  	[tilespmem:s23], [sflag:$0x1] =	stream.indirect.gather [hbm4b:s4+s21], $0x80, s22, s21, $0xb8;
	[tilespmem:$0x1C400] =	vst v63  }
0x6b: {  	_ =	swait.ge [sflag:s7], $0x4000  }
0x6c: {  	[sflag:s7] =	ssyncset.done $0x0  }
0x6d: {  	[sflag:s7] =	ssyncadd.s32 $0xFFFFC000  }
0x6e: {  	[spmem:s2] =	stream.indirect.scatter.add.f32 [tilespmem:s26], [sflag:$0x4], $0x80, s16, s31, $0xb8;
	[tilespmem:$0x1C400] =	vst v63  }
0x6f: {  	s10 =	simm.s32 $0xFFFFF700;
	_ =	swait.ge [sflag:s19], $0x4000  }
0x70: {  	s9 =	simm.s32 $0xFFFFF680;
	s11 =	rddreg [dreg:$0x4];
	[sflag:s19] =	ssyncset.done $0x0  }
.LBB2_2:
0x71: {  	s11 =	sadd.s32 s9, s11  }
0x72: {  	[sflag:s19] =	ssyncadd.s32 $0xFFFFC000;
	s17 =	sadd.s32 $0xA40, s11  }
0x73: {  	[tilespmem:s24], [sflag:$0x3] =	stream.linear.gather [hbm4b:s17+s3], $0x200, $0x38;
	[tilespmem:$0x1C400] =	vst v63  }
0x74: {  	_ = 	snop  }
0x75: {  	[tilespmem:s26], [sflag:$0x2] =	stream.indirect.gather [hbm4b:s4+s21], $0x80, s25, s21, $0xb8;
	[tilespmem:$0x1C400] =	vst v63  }
0x76: {  	_ = 	snop  }
0x77: {  	[tilespmem:s29], [sflag:$0x2] =	stream.indirect.gather [hbm4b:s4+s21], $0x80, s28, s21, $0xb8;
	[tilespmem:$0x1C400] =	vst v63  }
0x78: {  	_ =	swait.ge [sflag:s30], $0x4000  }
0x79: {  	[sflag:s30] =	ssyncset.done $0x0  }
0x7a: {  	[sflag:s30] =	ssyncadd.s32 $0xFFFFC000  }
0x7b: {  	[spmem:s2] =	stream.indirect.scatter.add.f32 [tilespmem:s18], [sflag:$0x4], $0x80, s0, s31, $0xb8;
	[tilespmem:$0x1C400] =	vst v63  }
0x7c: {  	_ =	swait.ge [sflag:s19], $0x4000  }
0x7d: {  	[sflag:s19] =	ssyncset.done $0x0  }
0x7e: {  	[sflag:s19] =	ssyncadd.s32 $0xFFFFC000  }
0x7f: {  	_ =	swait.ge [sflag:s1], $0x200  }
0x80: {  	[sflag:s1] =	ssyncset.done $0x0  }
0x81: {  	[sflag:s1] =	ssyncadd.s32 $0xFFFFFE00  }
0x82: {  	[tilespmem:s18], [sflag:$0x1] =	stream.indirect.gather [hbm4b:s4+s21], $0x80, s24, s21, $0xb8;
	[tilespmem:$0x1C400] =	vst v63  }
0x83: {  	_ = 	snop  }
0x84: {  	[tilespmem:s23], [sflag:$0x1] =	stream.indirect.gather [hbm4b:s4+s21], $0x80, s5, s21, $0xb8;
	[tilespmem:$0x1C400] =	vst v63  }
0x85: {  	_ =	swait.ge [sflag:s7], $0x4000  }
0x86: {  	[sflag:s7] =	ssyncset.done $0x0  }
0x87: {  	[sflag:s7] =	ssyncadd.s32 $0xFFFFC000  }
0x88: {  	[spmem:s2] =	stream.indirect.scatter.add.f32 [tilespmem:s26], [sflag:$0x4], $0x80, s8, s31, $0xb8;
	[tilespmem:$0x1C400] =	vst v63  }
0x89: {  	_ =	swait.ge [sflag:s19], $0x4000  }
0x8a: {  	[sflag:s19] =	ssyncset.done $0x0  }
0x8b: {  	s11 =	sadd.s32 $0xA80, s11;
	[sflag:s19] =	ssyncadd.s32 $0xFFFFC000  }
0x8c: {  	[tilespmem:s20], [sflag:$0x3] =	stream.linear.gather [hbm4b:s11+s3], $0x200, $0x38;
	[tilespmem:$0x1C400] =	vst v63  }
0x8d: {  	_ = 	snop  }
0x8e: {  	[tilespmem:s26], [sflag:$0x2] =	stream.indirect.gather [hbm4b:s4+s21], $0x80, s13, s21, $0xb8;
	[tilespmem:$0x1C400] =	vst v63  }
0x8f: {  	_ = 	snop  }
0x90: {  	[tilespmem:s29], [sflag:$0x2] =	stream.indirect.gather [hbm4b:s4+s21], $0x80, s14, s21, $0xb8;
	[tilespmem:$0x1C400] =	vst v63  }
0x91: {  	_ =	swait.ge [sflag:s30], $0x4000  }
0x92: {  	[sflag:s30] =	ssyncset.done $0x0  }
0x93: {  	[sflag:s30] =	ssyncadd.s32 $0xFFFFC000  }
0x94: {  	[spmem:s2] =	stream.indirect.scatter.add.f32 [tilespmem:s18], [sflag:$0x4], $0x80, s15, s31, $0xb8;
	[tilespmem:$0x1C400] =	vst v63  }
0x95: {  	_ =	swait.ge [sflag:s19], $0x4000  }
0x96: {  	[sflag:s19] =	ssyncset.done $0x0  }
0x97: {  	[sflag:s19] =	ssyncadd.s32 $0xFFFFC000  }
0x98: {  	_ =	swait.ge [sflag:s1], $0x200  }
0x99: {  	[sflag:s1] =	ssyncset.done $0x0  }
0x9a: {  	[sflag:s1] =	ssyncadd.s32 $0xFFFFFE00  }
0x9b: {  	[tilespmem:s18], [sflag:$0x1] =	stream.indirect.gather [hbm4b:s4+s21], $0x80, s20, s21, $0xb8;
	[tilespmem:$0x1C400] =	vst v63  }
0x9c: {  	_ = 	snop  }
0x9d: {  	[tilespmem:s23], [sflag:$0x1] =	stream.indirect.gather [hbm4b:s4+s21], $0x80, s22, s21, $0xb8;
	[tilespmem:$0x1C400] =	vst v63  }
0x9e: {  	p0 =	sne.s32 s10, $0xFFFFFF80;
	_ =	swait.ge [sflag:s7], $0x4000  }
.Ltmp0:
0x9f: {  	[sflag:s7] =	ssyncset.done $0x0;
	(pc) =	sbr.rel @p0 .LBB2_2-.Ltmp0, $4  }
0xa0: {  	[sflag:s7] =	ssyncadd.s32 $0xFFFFC000  }
0xa1: {  	[spmem:s2] =	stream.indirect.scatter.add.f32 [tilespmem:s26], [sflag:$0x4], $0x80, s16, s31, $0xb8;
	[tilespmem:$0x1C400] =	vst v63  }
0xa2: {  	s12 =	smov.u32 s10;
	s10 =	sadd.s32 $0x80, s10;
	_ =	swait.ge [sflag:s19], $0x4000  }
0xa3: {  	s9 =	smov.u32 s12;
	s11 =	rddreg [dreg:$0x4];
	[sflag:s19] =	ssyncset.done $0x0  }
0xa4: {  	s9 =	sadd.s32 s9, s11  }
0xa5: {  	[sflag:s19] =	ssyncadd.s32 $0xFFFFC000;
	s10 =	sadd.s32 $0xA40, s9  }
0xa6: {  	[tilespmem:s24], [sflag:$0x3] =	stream.linear.gather [hbm4b:s10+s3], $0x200, $0x38;
	[tilespmem:$0x1C400] =	vst v63  }
0xa7: {  	_ = 	snop  }
0xa8: {  	[tilespmem:s26], [sflag:$0x2] =	stream.indirect.gather [hbm4b:s4+s21], $0x80, s25, s21, $0xb8;
	[tilespmem:$0x1C400] =	vst v63  }
0xa9: {  	_ = 	snop  }
0xaa: {  	[tilespmem:s29], [sflag:$0x2] =	stream.indirect.gather [hbm4b:s4+s21], $0x80, s28, s21, $0xb8;
	[tilespmem:$0x1C400] =	vst v63  }
0xab: {  	_ =	swait.ge [sflag:s30], $0x4000  }
0xac: {  	[sflag:s30] =	ssyncset.done $0x0  }
0xad: {  	[sflag:s30] =	ssyncadd.s32 $0xFFFFC000  }
0xae: {  	[spmem:s2] =	stream.indirect.scatter.add.f32 [tilespmem:s18], [sflag:$0x4], $0x80, s0, s31, $0xb8;
	[tilespmem:$0x1C400] =	vst v63  }
0xaf: {  	_ =	swait.ge [sflag:s19], $0x4000  }
0xb0: {  	[sflag:s19] =	ssyncset.done $0x0  }
0xb1: {  	[sflag:s19] =	ssyncadd.s32 $0xFFFFC000  }
0xb2: {  	_ =	swait.ge [sflag:s1], $0x200  }
0xb3: {  	[sflag:s1] =	ssyncset.done $0x0  }
0xb4: {  	[sflag:s1] =	ssyncadd.s32 $0xFFFFFE00  }
0xb5: {  	[tilespmem:s18], [sflag:$0x1] =	stream.indirect.gather [hbm4b:s4+s21], $0x80, s24, s21, $0xb8;
	[tilespmem:$0x1C400] =	vst v63  }
0xb6: {  	_ = 	snop  }
0xb7: {  	[tilespmem:s23], [sflag:$0x1] =	stream.indirect.gather [hbm4b:s4+s21], $0x80, s5, s21, $0xb8;
	[tilespmem:$0x1C400] =	vst v63  }
0xb8: {  	_ =	swait.ge [sflag:s7], $0x4000  }
0xb9: {  	[sflag:s7] =	ssyncset.done $0x0  }
0xba: {  	[sflag:s7] =	ssyncadd.s32 $0xFFFFC000  }
0xbb: {  	[spmem:s2] =	stream.indirect.scatter.add.f32 [tilespmem:s26], [sflag:$0x4], $0x80, s8, s31, $0xb8;
	[tilespmem:$0x1C400] =	vst v63  }
0xbc: {  	_ =	swait.ge [sflag:s19], $0x4000  }
0xbd: {  	[sflag:s19] =	ssyncset.done $0x0  }
0xbe: {  	s9 =	sadd.s32 $0xA80, s9;
	[sflag:s19] =	ssyncadd.s32 $0xFFFFC000  }
0xbf: {  	[tilespmem:s20], [sflag:$0x3] =	stream.linear.gather [hbm4b:s9+s3], $0x200, $0x38;
	[tilespmem:$0x1C400] =	vst v63  }
0xc0: {  	_ = 	snop  }
0xc1: {  	[tilespmem:s26], [sflag:$0x2] =	stream.indirect.gather [hbm4b:s4+s21], $0x80, s13, s21, $0xb8;
	[tilespmem:$0x1C400] =	vst v63  }
0xc2: {  	_ = 	snop  }
0xc3: {  	[tilespmem:s29], [sflag:$0x2] =	stream.indirect.gather [hbm4b:s4+s21], $0x80, s14, s21, $0xb8;
	[tilespmem:$0x1C400] =	vst v63  }
0xc4: {  	_ =	swait.ge [sflag:s30], $0x4000  }
0xc5: {  	[sflag:s30] =	ssyncset.done $0x0  }
0xc6: {  	[sflag:s30] =	ssyncadd.s32 $0xFFFFC000  }
0xc7: {  	[spmem:s2] =	stream.indirect.scatter.add.f32 [tilespmem:s18], [sflag:$0x4], $0x80, s15, s31, $0xb8;
	[tilespmem:$0x1C400] =	vst v63  }
0xc8: {  	_ =	swait.ge [sflag:s19], $0x4000  }
0xc9: {  	[sflag:s19] =	ssyncset.done $0x0  }
0xca: {  	[sflag:s19] =	ssyncadd.s32 $0xFFFFC000  }
0xcb: {  	_ =	swait.ge [sflag:s1], $0x200  }
0xcc: {  	[sflag:s1] =	ssyncset.done $0x0  }
0xcd: {  	[sflag:s1] =	ssyncadd.s32 $0xFFFFFE00  }
0xce: {  	[tilespmem:s18], [sflag:$0x1] =	stream.indirect.gather [hbm4b:s4+s21], $0x80, s20, s21, $0xb8;
	[tilespmem:$0x1C400] =	vst v63  }
0xcf: {  	_ = 	snop  }
0xd0: {  	[tilespmem:s23], [sflag:$0x1] =	stream.indirect.gather [hbm4b:s4+s21], $0x80, s22, s21, $0xb8;
	[tilespmem:$0x1C400] =	vst v63  }
0xd1: {  	_ =	swait.ge [sflag:s7], $0x4000  }
0xd2: {  	[sflag:s7] =	ssyncset.done $0x0  }
0xd3: {  	[sflag:s7] =	ssyncadd.s32 $0xFFFFC000  }
0xd4: {  	[spmem:s2] =	stream.indirect.scatter.add.f32 [tilespmem:s26], [sflag:$0x4], $0x80, s16, s31, $0xb8;
	[tilespmem:$0x1C400] =	vst v63  }
0xd5: {  	_ =	swait.ge [sflag:s19], $0x4000  }
0xd6: {  	[sflag:s19] =	ssyncset.done $0x0  }
0xd7: {  	[sflag:s19] =	ssyncadd.s32 $0xFFFFC000  }
0xd8: {  	_ =	swait.ge [sflag:s30], $0x4000  }
0xd9: {  	[sflag:s30] =	ssyncset.done $0x0  }
0xda: {  	[sflag:s30] =	ssyncadd.s32 $0xFFFFC000  }
0xdb: {  	[bflag:$0x0] =	sbarrier.arrive $0xFFFF  }
0xdc: {  	s6 =	rddreg [dreg:$0xb]  }
0xdd: {  	[tilespmem:s18], [sflag:$0x4] =	stream.linear.gather [spmem:s6], $0x4000, $0x38;
	[tilespmem:$0x1C400] =	vst v63  }
0xde: {  	_ =	swait.ge [sflag:s19], $0x4000  }
0xdf: {  	[sflag:s19] =	ssyncset.done $0x0  }
0xe0: {  	s10 =	rddreg [dreg:$0xd];
	[sflag:s19] =	ssyncadd.s32 $0xFFFFC000  }
0xe1: {  	[hbm4b:s10+s3] =	stream.linear.scatter [tilespmem:s18], [sflag:$0x4], $0x4000, $0x38;
	[tilespmem:$0x1C400] =	vst v63  }
0xe2: {  	_ =	swait.ge [sflag:s19], $0x4000  }
0xe3: {  	[sflag:s19] =	ssyncset.done $0x0  }
0xe4: {  	s10 =	rddreg [dreg:$0x8];
	[sflag:s19] =	ssyncadd.s32 $0xFFFFC000  }
0xe5: {  	[tilespmem:s18], [sflag:$0x4] =	stream.linear.gather [spmem:s10], $0x4000, $0x38;
	[tilespmem:$0x1C400] =	vst v63  }
0xe6: {  	_ =	swait.ge [sflag:s19], $0x4000  }
0xe7: {  	[sflag:s19] =	ssyncset.done $0x0  }
0xe8: {  	s11 =	rddreg [dreg:$0xe];
	[sflag:s19] =	ssyncadd.s32 $0xFFFFC000  }
0xe9: {  	[hbm4b:s11+s3] =	stream.linear.scatter [tilespmem:s18], [sflag:$0x4], $0x4000, $0x38;
	[tilespmem:$0x1C400] =	vst v63  }
0xea: {  	_ =	swait.ge [sflag:s19], $0x4000  }
0xeb: {  	[sflag:s19] =	ssyncset.done $0x0  }
0xec: {  	s11 =	rddreg [dreg:$0x9];
	[sflag:s19] =	ssyncadd.s32 $0xFFFFC000  }
0xed: {  	[tilespmem:s18], [sflag:$0x4] =	stream.linear.gather [spmem:s11], $0x4000, $0x38;
	[tilespmem:$0x1C400] =	vst v63  }
0xee: {  	_ =	swait.ge [sflag:s19], $0x4000  }
0xef: {  	[sflag:s19] =	ssyncset.done $0x0  }
0xf0: {  	s12 =	rddreg [dreg:$0xf];
	[sflag:s19] =	ssyncadd.s32 $0xFFFFC000  }
0xf1: {  	[hbm4b:s12+s3] =	stream.linear.scatter [tilespmem:s18], [sflag:$0x4], $0x4000, $0x38;
	[tilespmem:$0x1C400] =	vst v63  }
0xf2: {  	_ =	swait.ge [sflag:s19], $0x4000  }
0xf3: {  	[sflag:s19] =	ssyncset.done $0x0  }
0xf4: {  	s6 =	rddreg [dreg:$0xa];
	[sflag:s19] =	ssyncadd.s32 $0xFFFFC000  }
0xf5: {  	[tilespmem:s18], [sflag:$0x4] =	stream.linear.gather [spmem:s6], $0x4000, $0x38;
	[tilespmem:$0x1C400] =	vst v63  }
0xf6: {  	_ =	swait.ge [sflag:s19], $0x4000  }
0xf7: {  	[sflag:s19] =	ssyncset.done $0x0  }
0xf8: {  	s17 =	rddreg [dreg:$0x10];
	[sflag:s19] =	ssyncadd.s32 $0xFFFFC000  }
0xf9: {  	[hbm4b:s17+s3] =	stream.linear.scatter [tilespmem:s18], [sflag:$0x4], $0x4000, $0x38;
	[tilespmem:$0x1C400] =	vst v63  }
0xfa: {  	_ =	swait.ge [sflag:s19], $0x4000  }
0xfb: {  	[sflag:s19] =	ssyncset.done $0x0  }
0xfc: {  	s17 =	rddreg [dreg:$0xc];
	[sflag:s19] =	ssyncadd.s32 $0xFFFFC000  }
0xfd: {  	[tilespmem:s18], [sflag:$0x4] =	stream.linear.gather [spmem:s17], $0x4000, $0x38;
	[tilespmem:$0x1C400] =	vst v63  }
0xfe: {  	_ =	swait.ge [sflag:s19], $0x4000  }
0xff: {  	[sflag:s19] =	ssyncset.done $0x0  }
0x100: {  	s12 =	rddreg [dreg:$0x11];
	[sflag:s19] =	ssyncadd.s32 $0xFFFFC000  }
0x101: {  	[hbm4b:s12+s3] =	stream.linear.scatter [tilespmem:s18], [sflag:$0x4], $0x4000, $0x38;
	[tilespmem:$0x1C400] =	vst v63  }
0x102: {  	_ =	swait.ge [sflag:s19], $0x4000  }
0x103: {  	s12 =	rddreg [dreg:$0x12]  }
0x104: {  	s9 =	rddreg [dreg:$0x7];
	s12 =	sadd.s32 $0x1, s12  }
0x105: {  	p0 =	sne.s32 s12, s9  }
.Ltmp1:
0x106: {  	_ = 	snop;
	(pc) =	sbr.rel @p0 .LBB2_1-.Ltmp1, $3  }
0x107: {  	_ =	sdelay $0x1  }
0x108: {  	[sflag:s19] =	ssyncset.done $0x0;
	[dreg:$0x12] =	wrdreg s12  }
0x109: {  	[sflag:s19] =	ssyncadd.s32 $0xFFFFC000;
	s12 =	rddreg [dreg:$0xb]  }
0x10a: {  	_ =	sfence.sel $0x180000  }
0x10b: {  	[bflag:$0x0] =	sbarrier.arrive $0xFFFF  }
0x10c: {  	_ =	strace $0x9000004D  }
0x10d: {  	s0 =	stileid.u32;
	[bflag:$0x2] =	sbarrier.arrive $0xFFFF  }
0x10e: {  	p0 =	sne.s32 s0, $0x0;
	s0 =	rddreg [dreg:$0x3]  }
0x10f: {  	s0 =	sadd.s32 @!p0 $0x100000, s0  }
0x110: {  	[sflag:s0] =	ssyncadd.tile.s32 @!p0 $0x1;
	_ =	shalt  }
.Lfunc_end2:
_tile_overlayer_lowered:
.L_overlay_start_2:
0x111: {  	(tag) =	ssettag $0x2  }
0x112: {  	s0 =	rddreg [dreg:$0x0];
	s2 =	stileid.u32  }
0x113: {  	s1 =	rddreg [dreg:$0x1];
	p0 =	sne.s32 s2, $0x0  }
0x114: {  	s3 =	rddreg [dreg:$0x2];
	[bflag:$0x3] =	sbarrier.arrive $0xFFFF;
	s2 =	simm.s32 @!p0 $0x1C04  }
0x115: {  	[timem:s3], [sflag:s2] =	dma.local @!p0 [hbm:s0], s1  }
0x116: {  	s0 =	simm.s32 @!p0 $0x4  }
0x117: {  	_ =	swait.ge @!p0 [sflag:s0], s1  }
0x118: {  	s1 =	ssub.s32 @!p0 $0x0, s1;
	[sflag:s0] =	ssyncset.done @!p0 $0x0  }
0x119: {  	[sflag:s0] =	ssyncadd.s32 @!p0 s1  }
0x11a: {  	[bflag:$0x3] =	sbarrier.arrive $0xFFFF  }
0x11b: {  	_ =	shalt  }

// kernel: sc_edge_cnt.3.cloned.1.call-start
scs
__scs_entry_jumppad:
0x0: {  	(pc) =	sbr.rel $0x88, $3  }
0x1: {  	(tag) =	ssettag $0x0;
	lr =	simm.s32 $0x1  }
0x2: {  	[smem:$0x3F99] =	sst lr;
	_ =	strace $0xD0000000  }
0x3: {  	_ = 	snop  }
0x4: {  	_ = 	snop  }
0x5: {  	_ = 	snop  }
0x6: {  	_ = 	snop  }
0x7: {  	_ = 	snop  }
__scs_overlays_trampoline_lowered:
0x8: {  	[smem:$0x3FA8] =	sst s0  }
0x9: {  	[smem:$0x3FA9] =	sst s1  }
0xa: {  	[smem:$0x3FAA] =	sst s2  }
0xb: {  	[smem:$0x3FAB] =	sst s3  }
0xc: {  	[smem:$0x3FAC] =	sst s4  }
0xd: {  	[smem:$0x3FAD] =	sst s5  }
0xe: {  	[smem:$0x3FAE] =	sst s6  }
0xf: {  	[smem:$0x3FAF] =	sst s7  }
0x10: {  	[smem:$0x3FB0] =	sst s8  }
0x11: {  	[smem:$0x3FB1] =	sst s9;
	s0 =	simm.s32 @!p0 $0x0  }
0x12: {  	s1 =	sld [smem:$0x3F97];
	s0 =	simm.s32 @p0 $0x1  }
0x13: {  	[smem:$0x3FB2] =	sst s0;
	s0 =	simm.s32 @!p1 $0x0  }
0x14: {  	s2 =	sld [smem:$0x3F96];
	s0 =	simm.s32 @p1 $0x1  }
0x15: {  	[smem:$0x3FB3] =	sst s0;
	s0 =	simm.s32 @!p2 $0x0  }
0x16: {  	s3 =	sld [smem:$0x3FDB];
	s0 =	simm.s32 @p2 $0x1  }
0x17: {  	s4 =	simm.s32 $0x1BF5;
	[smem:$0x3FB5] =	sst s0  }
0x18: {  	s0 =	sld [smem:$0x3F98];
	_ =	swait.ge [sflag:s4], $0x0  }
0x19: {  	s7 =	sld [smem:$0x3F99]  }
0x1a: {  	s8 =	sadd.s32 $0xFFFFE003, lr  }
0x1b: {  	s9 =	sadd.s32 $0xFFFFFEF7, lr;
	s5 =	simm.s32 $0xFFFFFFFF;
	p2 =	slt.u32 s8, $0xFFFFF086  }
0x1c: {  	p1 =	slt.u32 s9, $0xF7A;
	s5 =	simm.s32 @!p2 $0x0  }
0x1d: {  	s5 =	simm.s32 @p1 $0x1;
	p0 =	seq.s32 s7, s2  }
0x1e: {  	s7 =	smul.u32 @!p0 $0xF7A, s2;
	p2 =	seq.s32 @!p0 s5, $0x0  }
0x1f: {  	s9 =	smul.u32 $0xF7A, s1;
	s8 =	simm.s32 @!p0 $0x1BF5;
	p2 =	por !p2, p0  }
0x20: {  	[sflag:s8] =	ssyncset.s32 @!p0 $0xFFFFF086;
	s6 =	sadd.s32 @!p0 s3, s7;
	s7 =	simm.s32 @!p0 $0x108  }
0x21: {  	s3 =	sadd.s32 s3, s9;
	s6 =	sadd.s32 @!p0 $0x88, s6;
	s7 =	simm.s32 @p2 $0x1082  }
0x22: {  	[simem:s7], [sflag:s8] =	dma.local @!p0 [hbm:s6], $0xF7A  }
0x23: {  	s9 =	sor.u32 $0xD0000000, s2;
	s6 =	simm.s32 $0x108;
	_ =	swait.ge @!p0 [sflag:s8], $0x0  }
0x24: {  	s3 =	sadd.s32 $0x88, s3;
	s6 =	simm.s32 @!p1 $0x1082;
	[sflag:s4] =	ssyncset.s32 $0xFFFFF086  }
0x25: {  	[simem:s6], [sflag:s4] =	dma.local [hbm:s3], $0xF7A  }
0x26: {  	[smem:$0x3F99] =	sst s1;
	(tag) =	ssettag s2;
	_ =	strace s9  }
0x27: {  	s1 =	sld [smem:$0x3FA9]  }
0x28: {  	s2 =	sld [smem:$0x3FAA]  }
0x29: {  	s4 =	sld [smem:$0x3FAC]  }
0x2a: {  	p0 =	seq.s32 s5, $0x0;
	s5 =	sld [smem:$0x3FAD]  }
0x2b: {  	s6 =	sld [smem:$0x3FAE]  }
0x2c: {  	s7 =	sld [smem:$0x3FAF]  }
0x2d: {  	s3 =	simm.s32 $0x108;
	s8 =	sld [smem:$0x3FB0]  }
0x2e: {  	s3 =	simm.s32 @!p0 $0x1082;
	s9 =	sld [smem:$0x3FB1]  }
0x2f: {  	lr =	sadd.s32 s0, s3;
	s0 =	sld [smem:$0x3FA8]  }
0x30: {  	s3 =	sld [smem:$0x3FAB]  }
0x31: {  	[smem:$0x3FB4] =	sst s10  }
0x32: {  	s10 =	sld [smem:$0x3FB2];
	_ =	sdelay $0x3  }
0x33: {  	p0 =	seq.s32 s10, $0x1;
	s10 =	sld [smem:$0x3FB4];
	_ =	sdelay $0x3  }
0x34: {  	[smem:$0x3FB4] =	sst s10  }
0x35: {  	s10 =	sld [smem:$0x3FB3];
	_ =	sdelay $0x3  }
0x36: {  	p1 =	seq.s32 s10, $0x1;
	s10 =	sld [smem:$0x3FB4];
	_ =	sdelay $0x3  }
0x37: {  	[smem:$0x3FB4] =	sst s10  }
0x38: {  	s10 =	sld [smem:$0x3FB5]  }
0x39: {  	_ = 	snop;
	(pc) =	sbr.ind lr, $3  }
0x3a: {  	_ = 	snop  }
0x3b: {  	_ = 	snop  }
0x3c: {  	p2 =	seq.s32 s10, $0x1;
	s10 =	sld [smem:$0x3FB4]  }
0x3d: {  	_ =	shalt  }
0x3e: {  	_ =	shalt  }
0x3f: {  	_ =	shalt  }
0x40: {  	_ =	shalt  }
0x41: {  	_ =	shalt  }
0x42: {  	_ =	shalt  }
0x43: {  	_ =	shalt  }
0x44: {  	_ =	shalt  }
0x45: {  	_ =	shalt  }
0x46: {  	_ =	shalt  }
0x47: {  	_ =	shalt  }
0x48: {  	_ =	shalt  }
0x49: {  	_ =	shalt  }
0x4a: {  	_ =	shalt  }
0x4b: {  	_ =	shalt  }
0x4c: {  	_ =	shalt  }
0x4d: {  	_ =	shalt  }
0x4e: {  	_ =	shalt  }
0x4f: {  	_ =	shalt  }
0x50: {  	_ =	shalt  }
0x51: {  	_ =	shalt  }
0x52: {  	_ =	shalt  }
0x53: {  	_ =	shalt  }
0x54: {  	_ =	shalt  }
0x55: {  	_ =	shalt  }
0x56: {  	_ =	shalt  }
0x57: {  	_ =	shalt  }
0x58: {  	_ =	shalt  }
0x59: {  	_ =	shalt  }
0x5a: {  	_ =	shalt  }
0x5b: {  	_ =	shalt  }
0x5c: {  	_ =	shalt  }
0x5d: {  	_ =	shalt  }
0x5e: {  	_ =	shalt  }
0x5f: {  	_ =	shalt  }
0x60: {  	_ =	shalt  }
0x61: {  	_ =	shalt  }
0x62: {  	_ =	shalt  }
0x63: {  	_ =	shalt  }
0x64: {  	_ =	shalt  }
0x65: {  	_ =	shalt  }
0x66: {  	_ =	shalt  }
0x67: {  	_ =	shalt  }
0x68: {  	_ =	shalt  }
0x69: {  	_ =	shalt  }
0x6a: {  	_ =	shalt  }
0x6b: {  	_ =	shalt  }
0x6c: {  	_ =	shalt  }
0x6d: {  	_ =	shalt  }
0x6e: {  	_ =	shalt  }
0x6f: {  	_ =	shalt  }
0x70: {  	_ =	shalt  }
0x71: {  	_ =	shalt  }
0x72: {  	_ =	shalt  }
0x73: {  	_ =	shalt  }
0x74: {  	_ =	shalt  }
0x75: {  	_ =	shalt  }
0x76: {  	_ =	shalt  }
0x77: {  	_ =	shalt  }
0x78: {  	_ =	shalt  }
0x79: {  	_ =	shalt  }
0x7a: {  	_ =	shalt  }
0x7b: {  	_ =	shalt  }
0x7c: {  	_ =	shalt  }
0x7d: {  	_ =	shalt  }
0x7e: {  	_ =	shalt  }
0x7f: {  	_ =	shalt  }
0x80: {  	_ =	shalt  }
0x81: {  	_ =	shalt  }
0x82: {  	_ =	shalt  }
0x83: {  	_ =	shalt  }
0x84: {  	_ =	shalt  }
0x85: {  	_ =	shalt  }
0x86: {  	_ =	shalt  }
0x87: {  	_ =	shalt  }
.Lfunc_end0:
.L_simem_size_0:
called_computation_lowered:
.L_overlay_start_0:
0x88: {  	s2 =	sld [smem:$0x3FD9]  }
0x89: {  	s3 =	sld [smem:$0x3FFE];
	_ =	sdelay $0x1  }
0x8a: {  	s1 =	srdreg.scid  }
0x8b: {  	s0 =	sand.u32 $0x1, s1  }
0x8c: {  	s16 =	sshll.u32 s0, $0xA;
	s2 =	sadd.s32 s3, s2  }
0x8d: {  	s2 =	sadd.s32 s2, s16  }
0x8e: {  	[smem:$0x3FC0] =	sst s2  }
0x8f: {  	_ = 	snop  }
0x90: {  	(tm) =	ssettm $0x1  }
0x91: {  	s17 =	sld [smem:$0x3FFB];
	_ =	sdelay $0x3  }
0x92: {  	_ =	strace s17  }
0x93: {  	s2 =	sld [smem:$0x3FFC];
	_ =	sdelay $0x3  }
0x94: {  	_ =	strace s2  }
0x95: {  	s2 =	sld [smem:$0x3FFD];
	_ =	sdelay $0x3  }
0x96: {  	_ =	strace s2  }
0x97: {  	_ =	strace $0x8FFFFFFF  }
0x98: {  	s18 =	sld [smem:$0x3FDB];
	_ =	sdelay $0x1  }
0x99: {  	s19 =	simm.s32 $_scs_section_size  }
0x9a: {  	s4 =	simm.s32 $_size__tile_overlayer_lowered;
	s5 =	simm.s32 $_tile_overlayer_lowered  }
0x9b: {  	s22 =	simm.s32 $0x1BFF;
	s21 =	sshll.u32 s5, $0x1;
	s2 =	sadd.s32 s19, s18  }
0x9c: {  	s6 =	simm.s32 $0x0;
	s20 =	sshll.u32 s4, $0x1;
	s4 =	sadd.s32 s21, s2  }
0x9d: {  	[timem:s6], [sflag:s22] =	dma.local [hbm:s4], s20  }
0x9e: {  	_ =	swait.ge [sflag:s22], s20  }
0x9f: {  	s3 =	ssub.s32 $0x0, s20;
	[sflag:s22] =	ssyncset.done $0x0  }
0xa0: {  	[sflag:s22] =	ssyncadd.s32 s3;
	_ =	sdelay $0x1  }
0xa1: {  	s23 =	simm.s32 $0x1B8B  }
0xa2: {  	_ =	swait.ge [sflag:s23], $0x1  }
0xa3: {  	[sflag:s23] =	ssyncset.done $0x0  }
0xa4: {  	s25 =	simm.s32 $0x1B8E;
	s24 =	sld [smem:$0x3FFE];
	[sflag:s23] =	ssyncadd.s32 $0xFFFFFFFF  }
0xa5: {  	s26 =	simm.s32 $execute0_lowered;
	[smem:$0x3FD2] =	sst s25  }
0xa6: {  	s4 =	sshll.u32 s26, $0x1;
	_ =	strace $0x80000046;
	[dreg:$0x1] =	wrdreg $0xFFFFFFFF  }
0xa7: {  	s28 =	simm.s32 $_size_execute0_lowered;
	s2 =	sadd.s32 s2, s4;
	[dreg:$0x0] =	wrdreg $0x0  }
0xa8: {  	s4 =	sshll.u32 s28, $0x1;
	[dreg:$0x2] =	wrdreg s2  }
0xa9: {  	[dreg:$0x3] =	wrdreg s4  }
0xaa: {  	[dreg:$0x4] =	wrdreg $0xC0  }
0xab: {  	_ =	task [dreg:s6], $0x5FFFF  }
0xac: {  	[dreg:$0x1] =	wrdreg $0xFFFFFFFF  }
0xad: {  	[dreg:$0x0] =	wrdreg $0x60  }
0xae: {  	[dreg:$0x2] =	wrdreg s24  }
0xaf: {  	[dreg:$0x3] =	wrdreg $0x0  }
0xb0: {  	[dreg:$0x4] =	wrdreg $0x9  }
0xb1: {  	_ =	task.clear_ibuf [dreg:s6], $0x5FFFF;
	_ =	strace $0x90000046  }
0xb2: {  	s29 =	simm.s32 $0x9;
	_ =	strace $0x80000048  }
0xb3: {  	_ =	swait.ge [sflag:s29], $0x1  }
0xb4: {  	[sflag:s29] =	ssyncadd.s32 $0xFFFFFFFF  }
0xb5: {  	_ =	strace $0x90000048  }
0xb6: {  	_ =	sfence  }
0xb7: {  	s30 =	sld [smem:$0x0];
	_ =	sdelay $0x2  }
0xb8: {  	s31 =	sshll.u32 s1, $0xD;
	s1 =	sshrl.u32 s1, $0x2  }
0xb9: {  	s3 =	sand.u32 $0x4000, s31;
	s1 =	sadd.s32 s1, s30  }
0xba: {  	s0 =	sor.u32 s3, s0;
	s1 =	sshll.u32 s1, $0x11  }
0xbb: {  	s0 =	sor.u32 s1, s0  }
0xbc: {  	s0 =	sadd.s32 $0x8F2B, s0  }
0xbd: {  	[sflag:s0] =	ssyncadd.remote.s32 $0x1  }
0xbe: {  	_ =	sfence.sel $0xFFFF  }
0xbf: {  	[dreg:$0x0] =	wrdreg $0xFFFFFFFF;
	(pc) =	sbr.abs _section_cstart, $3  }
0xc0: {  	[dreg:$0x1] =	wrdreg $0xFFFFFFFF  }
0xc1: {  	_ =	task.clear_ibuf [dreg:s6], $0x2FFFF;
	_ =	strace $0x9FFFFFFF  }
0xc2: {  	(tm) =	ssettm $0x7FFFFFFF  }
0xc3: {  	_ =	shalt  }
tec
execute0_lowered:
.L_overlay_start_1:
0x0: {  	(tag) =	ssettag $0x1  }
0x1: {  	s0 =	rddreg [dreg:$0x0];
	s5 =	stileid.u32  }
0x2: {  	s1 =	srdreg.scid;
	s2 =	rddreg [dreg:$0x1];
	s3 =	simm.s32 $0x0  }
0x3: {  	s18 =	simm.s32 $0x14400;
	s19 =	simm.s32 $0x1;
	s20 =	simm.s32 $0x14000  }
0x4: {  	s21 =	simm.s32 $0x80;
	s22 =	simm.s32 $0x14080;
	s23 =	simm.s32 $0x14100  }
0x5: {  	s24 =	simm.s32 $0x14180;
	s25 =	simm.s32 $0x14200;
	s28 =	simm.s32 $0x14300  }
0x6: {  	s29 =	simm.s32 $0x14380;
	s30 =	simm.s32 $0x0;
	s4 =	smul.u32 $0x500, s5  }
0x7: {  	s1 =	sand.u32 $0x1, s1;
	[smem:$0x7FF] =	sst s3;
	s7 =	smul.u32 $0x280, s5  }
0x8: {  	s8 =	smul.u32 $0x50000, s5;
	s26 =	sadd.s32 $0x7600, s0;
	s5 =	sadd.s32 $0x7E00, s0  }
0x9: {  	s6 =	smul.u32 $0x2800, s1;
	_ =	strace $0x80000047;
	[dreg:$0x3] =	wrdreg s26  }
0xa: {  	s1 =	ssub.s32 $0x2, s1;
	s26 =	simm.s32 $0x14280;
	s17 =	sadd.s32 s4, s0  }
0xb: {  	s31 =	sshrl.u32 s1, $0x1;
	s8 =	sshrl.u32 s8, $0x2;
	s6 =	sadd.s32 s7, s6  }
0xc: {  	s1 =	ssub.s32 s1, s31;
	s17 =	sadd.s32 $0x2600, s17;
	s9 =	sshll.u32 s6, $0x4  }
0xd: {  	s6 =	sadd.s32 s8, s2;
	s7 =	smax.u32 s1, $0x1;
	s0 =	sadd.s32 s9, s0  }
0xe: {  	s8 =	sadd.s32 $0x4000, s6;
	s9 =	sadd.s32 $0x8000, s6;
	s10 =	sadd.s32 $0xC000, s6  }
0xf: {  	s11 =	sadd.s32 $0x10000, s6;
	s12 =	sadd.s32 $0x8600, s0;
	s13 =	sadd.s32 $0x8E00, s0  }
0x10: {  	s14 =	sadd.s32 $0x9600, s0;
	s15 =	sadd.s32 $0x9E00, s0;
	s16 =	sadd.s32 $0xA600, s0  }
.LBB2_1:
0x11: {  	s0 =	rddreg [dreg:$0x3]  }
0x12: {  	[tilespmem:s18], [sflag:$0x1] =	stream.linear.gather [hbm4b:s0+s3], $0x4000, $0x38;
	[tilespmem:$0x18400] =	vst v63  }
0x13: {  	_ =	swait.ge [sflag:s19], $0x4000  }
0x14: {  	[sflag:s19] =	ssyncset.done $0x0  }
0x15: {  	[sflag:s19] =	ssyncadd.s32 $0xFFFFC000  }
0x16: {  	[spmem:s6] =	stream.linear.scatter [tilespmem:s18], [sflag:$0x1], $0x4000, $0x38;
	[tilespmem:$0x18400] =	vst v63  }
0x17: {  	_ =	swait.ge [sflag:s19], $0x4000  }
0x18: {  	[sflag:s19] =	ssyncset.done $0x0  }
0x19: {  	[sflag:s19] =	ssyncadd.s32 $0xFFFFC000  }
0x1a: {  	[spmem:s8] =	stream.linear.scatter [tilespmem:s18], [sflag:$0x1], $0x4000, $0x38;
	[tilespmem:$0x18400] =	vst v63  }
0x1b: {  	_ =	swait.ge [sflag:s19], $0x4000  }
0x1c: {  	[sflag:s19] =	ssyncset.done $0x0  }
0x1d: {  	[sflag:s19] =	ssyncadd.s32 $0xFFFFC000  }
0x1e: {  	[spmem:s9] =	stream.linear.scatter [tilespmem:s18], [sflag:$0x1], $0x4000, $0x38;
	[tilespmem:$0x18400] =	vst v63  }
0x1f: {  	_ =	swait.ge [sflag:s19], $0x4000  }
0x20: {  	[sflag:s19] =	ssyncset.done $0x0  }
0x21: {  	[sflag:s19] =	ssyncadd.s32 $0xFFFFC000  }
0x22: {  	[spmem:s10] =	stream.linear.scatter [tilespmem:s18], [sflag:$0x1], $0x4000, $0x38;
	[tilespmem:$0x18400] =	vst v63  }
0x23: {  	_ =	swait.ge [sflag:s19], $0x4000  }
0x24: {  	[sflag:s19] =	ssyncset.done $0x0  }
0x25: {  	[sflag:s19] =	ssyncadd.s32 $0xFFFFC000  }
0x26: {  	[spmem:s11] =	stream.linear.scatter [tilespmem:s18], [sflag:$0x1], $0x4000, $0x38;
	[tilespmem:$0x18400] =	vst v63  }
0x27: {  	_ =	swait.ge [sflag:s19], $0x4000  }
0x28: {  	[sflag:s19] =	ssyncset.done $0x0  }
0x29: {  	[sflag:s19] =	ssyncadd.s32 $0xFFFFC000  }
0x2a: {  	[tilespmem:s18], [sflag:$0x1] =	stream.linear.gather [hbm4b:s5+s3], $0x4000, $0x38;
	[tilespmem:$0x18400] =	vst v63  }
0x2b: {  	_ =	swait.ge [sflag:s19], $0x4000  }
0x2c: {  	[sflag:s19] =	ssyncset.done $0x0  }
0x2d: {  	[sflag:s19] =	ssyncadd.s32 $0xFFFFC000  }
0x2e: {  	s4 =	sadd.s32 $0x0, s17;
	[bflag:$0x0] =	sbarrier.arrive $0xFFFF  }
0x2f: {  	[tilespmem:s20], [sflag:$0x1] =	stream.linear.gather [hbm4b:s4+s3], $0x400, $0x38;
	[tilespmem:$0x18400] =	vst v63  }
0x30: {  	_ =	swait.ge [sflag:s19], $0x400  }
0x31: {  	[sflag:s19] =	ssyncset.done $0x0  }
0x32: {  	[sflag:s19] =	ssyncadd.s32 $0xFFFFFC00  }
0x33: {  	[spmem:s2] =	stream.indirect.scatter.add.f32 [tilespmem:s18], [sflag:$0x1], $0x80, s20, s21, $0xb8;
	[tilespmem:$0x18400] =	vst v63  }
0x34: {  	_ =	swait.ge [sflag:s19], $0x4000  }
0x35: {  	[sflag:s19] =	ssyncset.done $0x0  }
0x36: {  	[sflag:s19] =	ssyncadd.s32 $0xFFFFC000  }
0x37: {  	[spmem:s2] =	stream.indirect.scatter.add.f32 [tilespmem:s18], [sflag:$0x1], $0x80, s22, s21, $0xb8;
	[tilespmem:$0x18400] =	vst v63  }
0x38: {  	_ =	swait.ge [sflag:s19], $0x4000  }
0x39: {  	[sflag:s19] =	ssyncset.done $0x0  }
0x3a: {  	[sflag:s19] =	ssyncadd.s32 $0xFFFFC000  }
0x3b: {  	[spmem:s2] =	stream.indirect.scatter.add.f32 [tilespmem:s18], [sflag:$0x1], $0x80, s23, s21, $0xb8;
	[tilespmem:$0x18400] =	vst v63  }
0x3c: {  	_ =	swait.ge [sflag:s19], $0x4000  }
0x3d: {  	[sflag:s19] =	ssyncset.done $0x0  }
0x3e: {  	[sflag:s19] =	ssyncadd.s32 $0xFFFFC000  }
0x3f: {  	[spmem:s2] =	stream.indirect.scatter.add.f32 [tilespmem:s18], [sflag:$0x1], $0x80, s24, s21, $0xb8;
	[tilespmem:$0x18400] =	vst v63  }
0x40: {  	_ =	swait.ge [sflag:s19], $0x4000  }
0x41: {  	[sflag:s19] =	ssyncset.done $0x0  }
0x42: {  	[sflag:s19] =	ssyncadd.s32 $0xFFFFC000  }
0x43: {  	[spmem:s2] =	stream.indirect.scatter.add.f32 [tilespmem:s18], [sflag:$0x1], $0x80, s25, s21, $0xb8;
	[tilespmem:$0x18400] =	vst v63  }
0x44: {  	_ =	swait.ge [sflag:s19], $0x4000  }
0x45: {  	[sflag:s19] =	ssyncset.done $0x0  }
0x46: {  	[sflag:s19] =	ssyncadd.s32 $0xFFFFC000  }
0x47: {  	[spmem:s2] =	stream.indirect.scatter.add.f32 [tilespmem:s18], [sflag:$0x1], $0x80, s26, s21, $0xb8;
	[tilespmem:$0x18400] =	vst v63  }
0x48: {  	_ =	swait.ge [sflag:s19], $0x4000  }
0x49: {  	[sflag:s19] =	ssyncset.done $0x0  }
0x4a: {  	[sflag:s19] =	ssyncadd.s32 $0xFFFFC000  }
0x4b: {  	[spmem:s2] =	stream.indirect.scatter.add.f32 [tilespmem:s18], [sflag:$0x1], $0x80, s28, s21, $0xb8;
	[tilespmem:$0x18400] =	vst v63  }
0x4c: {  	_ =	swait.ge [sflag:s19], $0x4000  }
0x4d: {  	[sflag:s19] =	ssyncset.done $0x0  }
0x4e: {  	[sflag:s19] =	ssyncadd.s32 $0xFFFFC000  }
0x4f: {  	[spmem:s2] =	stream.indirect.scatter.add.f32 [tilespmem:s18], [sflag:$0x1], $0x80, s29, s21, $0xb8;
	[tilespmem:$0x18400] =	vst v63  }
0x50: {  	_ =	swait.ge [sflag:s19], $0x4000  }
0x51: {  	s31 =	simm.s32 $0x80;
	s1 =	simm.s32 $0x100;
	[sflag:s19] =	ssyncset.done $0x0  }
.LBB2_2:
0x52: {  	s4 =	sadd.s32 s31, s17  }
0x53: {  	[sflag:s19] =	ssyncadd.s32 $0xFFFFC000;
	s31 =	smov.u32 s1;
	s0 =	sadd.s32 $0x80, s1  }
0x54: {  	[tilespmem:s20], [sflag:$0x1] =	stream.linear.gather [hbm4b:s4+s3], $0x400, $0x38;
	[tilespmem:$0x18400] =	vst v63  }
0x55: {  	p0 =	sne.s32 s1, $0x480;
	_ =	swait.ge [sflag:s19], $0x400  }
0x56: {  	[sflag:s19] =	ssyncset.done $0x0  }
0x57: {  	[sflag:s19] =	ssyncadd.s32 $0xFFFFFC00  }
0x58: {  	[spmem:s2] =	stream.indirect.scatter.add.f32 [tilespmem:s18], [sflag:$0x1], $0x80, s20, s21, $0xb8;
	[tilespmem:$0x18400] =	vst v63  }
0x59: {  	_ =	swait.ge [sflag:s19], $0x4000  }
0x5a: {  	[sflag:s19] =	ssyncset.done $0x0  }
0x5b: {  	[sflag:s19] =	ssyncadd.s32 $0xFFFFC000  }
0x5c: {  	[spmem:s2] =	stream.indirect.scatter.add.f32 [tilespmem:s18], [sflag:$0x1], $0x80, s22, s21, $0xb8;
	[tilespmem:$0x18400] =	vst v63  }
0x5d: {  	_ =	swait.ge [sflag:s19], $0x4000  }
0x5e: {  	[sflag:s19] =	ssyncset.done $0x0  }
0x5f: {  	[sflag:s19] =	ssyncadd.s32 $0xFFFFC000  }
0x60: {  	[spmem:s2] =	stream.indirect.scatter.add.f32 [tilespmem:s18], [sflag:$0x1], $0x80, s23, s21, $0xb8;
	[tilespmem:$0x18400] =	vst v63  }
0x61: {  	_ =	swait.ge [sflag:s19], $0x4000  }
0x62: {  	[sflag:s19] =	ssyncset.done $0x0  }
0x63: {  	[sflag:s19] =	ssyncadd.s32 $0xFFFFC000  }
0x64: {  	[spmem:s2] =	stream.indirect.scatter.add.f32 [tilespmem:s18], [sflag:$0x1], $0x80, s24, s21, $0xb8;
	[tilespmem:$0x18400] =	vst v63  }
0x65: {  	_ =	swait.ge [sflag:s19], $0x4000  }
0x66: {  	[sflag:s19] =	ssyncset.done $0x0  }
0x67: {  	[sflag:s19] =	ssyncadd.s32 $0xFFFFC000  }
0x68: {  	[spmem:s2] =	stream.indirect.scatter.add.f32 [tilespmem:s18], [sflag:$0x1], $0x80, s25, s21, $0xb8;
	[tilespmem:$0x18400] =	vst v63  }
0x69: {  	_ =	swait.ge [sflag:s19], $0x4000  }
0x6a: {  	[sflag:s19] =	ssyncset.done $0x0  }
0x6b: {  	[sflag:s19] =	ssyncadd.s32 $0xFFFFC000  }
0x6c: {  	[spmem:s2] =	stream.indirect.scatter.add.f32 [tilespmem:s18], [sflag:$0x1], $0x80, s26, s21, $0xb8;
	[tilespmem:$0x18400] =	vst v63  }
0x6d: {  	_ =	swait.ge [sflag:s19], $0x4000  }
0x6e: {  	[sflag:s19] =	ssyncset.done $0x0  }
0x6f: {  	[sflag:s19] =	ssyncadd.s32 $0xFFFFC000  }
0x70: {  	[spmem:s2] =	stream.indirect.scatter.add.f32 [tilespmem:s18], [sflag:$0x1], $0x80, s28, s21, $0xb8;
	[tilespmem:$0x18400] =	vst v63  }
0x71: {  	_ =	swait.ge [sflag:s19], $0x4000  }
.Ltmp0:
0x72: {  	[sflag:s19] =	ssyncset.done $0x0;
	(pc) =	sbr.rel @p0 .LBB2_2-.Ltmp0, $4  }
0x73: {  	[sflag:s19] =	ssyncadd.s32 $0xFFFFC000  }
0x74: {  	[spmem:s2] =	stream.indirect.scatter.add.f32 [tilespmem:s18], [sflag:$0x1], $0x80, s29, s21, $0xb8;
	[tilespmem:$0x18400] =	vst v63  }
0x75: {  	_ =	swait.ge [sflag:s19], $0x4000  }
0x76: {  	s1 =	smov.u32 s0;
	[sflag:s19] =	ssyncset.done $0x0  }
0x77: {  	s0 =	sadd.s32 s31, s17;
	[sflag:s19] =	ssyncadd.s32 $0xFFFFC000  }
0x78: {  	[tilespmem:s20], [sflag:$0x1] =	stream.linear.gather [hbm4b:s0+s3], $0x400, $0x38;
	[tilespmem:$0x18400] =	vst v63  }
0x79: {  	_ =	swait.ge [sflag:s19], $0x400  }
0x7a: {  	[sflag:s19] =	ssyncset.done $0x0  }
0x7b: {  	[sflag:s19] =	ssyncadd.s32 $0xFFFFFC00  }
0x7c: {  	[spmem:s2] =	stream.indirect.scatter.add.f32 [tilespmem:s18], [sflag:$0x1], $0x80, s20, s21, $0xb8;
	[tilespmem:$0x18400] =	vst v63  }
0x7d: {  	_ =	swait.ge [sflag:s19], $0x4000  }
0x7e: {  	[sflag:s19] =	ssyncset.done $0x0  }
0x7f: {  	[sflag:s19] =	ssyncadd.s32 $0xFFFFC000  }
0x80: {  	[spmem:s2] =	stream.indirect.scatter.add.f32 [tilespmem:s18], [sflag:$0x1], $0x80, s22, s21, $0xb8;
	[tilespmem:$0x18400] =	vst v63  }
0x81: {  	_ =	swait.ge [sflag:s19], $0x4000  }
0x82: {  	[sflag:s19] =	ssyncset.done $0x0  }
0x83: {  	[sflag:s19] =	ssyncadd.s32 $0xFFFFC000  }
0x84: {  	[spmem:s2] =	stream.indirect.scatter.add.f32 [tilespmem:s18], [sflag:$0x1], $0x80, s23, s21, $0xb8;
	[tilespmem:$0x18400] =	vst v63  }
0x85: {  	_ =	swait.ge [sflag:s19], $0x4000  }
0x86: {  	[sflag:s19] =	ssyncset.done $0x0  }
0x87: {  	[sflag:s19] =	ssyncadd.s32 $0xFFFFC000  }
0x88: {  	[spmem:s2] =	stream.indirect.scatter.add.f32 [tilespmem:s18], [sflag:$0x1], $0x80, s24, s21, $0xb8;
	[tilespmem:$0x18400] =	vst v63  }
0x89: {  	_ =	swait.ge [sflag:s19], $0x4000  }
0x8a: {  	[sflag:s19] =	ssyncset.done $0x0  }
0x8b: {  	[sflag:s19] =	ssyncadd.s32 $0xFFFFC000  }
0x8c: {  	[spmem:s2] =	stream.indirect.scatter.add.f32 [tilespmem:s18], [sflag:$0x1], $0x80, s25, s21, $0xb8;
	[tilespmem:$0x18400] =	vst v63  }
0x8d: {  	_ =	swait.ge [sflag:s19], $0x4000  }
0x8e: {  	[sflag:s19] =	ssyncset.done $0x0  }
0x8f: {  	[sflag:s19] =	ssyncadd.s32 $0xFFFFC000  }
0x90: {  	[spmem:s2] =	stream.indirect.scatter.add.f32 [tilespmem:s18], [sflag:$0x1], $0x80, s26, s21, $0xb8;
	[tilespmem:$0x18400] =	vst v63  }
0x91: {  	_ =	swait.ge [sflag:s19], $0x4000  }
0x92: {  	[sflag:s19] =	ssyncset.done $0x0  }
0x93: {  	[sflag:s19] =	ssyncadd.s32 $0xFFFFC000  }
0x94: {  	[spmem:s2] =	stream.indirect.scatter.add.f32 [tilespmem:s18], [sflag:$0x1], $0x80, s28, s21, $0xb8;
	[tilespmem:$0x18400] =	vst v63  }
0x95: {  	_ =	swait.ge [sflag:s19], $0x4000  }
0x96: {  	[sflag:s19] =	ssyncset.done $0x0  }
0x97: {  	[sflag:s19] =	ssyncadd.s32 $0xFFFFC000  }
0x98: {  	[spmem:s2] =	stream.indirect.scatter.add.f32 [tilespmem:s18], [sflag:$0x1], $0x80, s29, s21, $0xb8;
	[tilespmem:$0x18400] =	vst v63  }
0x99: {  	_ =	swait.ge [sflag:s19], $0x4000  }
0x9a: {  	[sflag:s19] =	ssyncset.done $0x0  }
0x9b: {  	[sflag:s19] =	ssyncadd.s32 $0xFFFFC000  }
0x9c: {  	[bflag:$0x0] =	sbarrier.arrive $0xFFFF  }
0x9d: {  	[tilespmem:s18], [sflag:$0x1] =	stream.linear.gather [spmem:s6], $0x4000, $0x38;
	[tilespmem:$0x18400] =	vst v63  }
0x9e: {  	_ =	swait.ge [sflag:s19], $0x4000  }
0x9f: {  	[sflag:s19] =	ssyncset.done $0x0  }
0xa0: {  	[sflag:s19] =	ssyncadd.s32 $0xFFFFC000  }
0xa1: {  	[hbm4b:s12+s3] =	stream.linear.scatter [tilespmem:s18], [sflag:$0x1], $0x4000, $0x38;
	[tilespmem:$0x18400] =	vst v63  }
0xa2: {  	_ =	swait.ge [sflag:s19], $0x4000  }
0xa3: {  	[sflag:s19] =	ssyncset.done $0x0  }
0xa4: {  	[sflag:s19] =	ssyncadd.s32 $0xFFFFC000  }
0xa5: {  	[tilespmem:s18], [sflag:$0x1] =	stream.linear.gather [spmem:s8], $0x4000, $0x38;
	[tilespmem:$0x18400] =	vst v63  }
0xa6: {  	_ =	swait.ge [sflag:s19], $0x4000  }
0xa7: {  	[sflag:s19] =	ssyncset.done $0x0  }
0xa8: {  	[sflag:s19] =	ssyncadd.s32 $0xFFFFC000  }
0xa9: {  	[hbm4b:s13+s3] =	stream.linear.scatter [tilespmem:s18], [sflag:$0x1], $0x4000, $0x38;
	[tilespmem:$0x18400] =	vst v63  }
0xaa: {  	_ =	swait.ge [sflag:s19], $0x4000  }
0xab: {  	[sflag:s19] =	ssyncset.done $0x0  }
0xac: {  	[sflag:s19] =	ssyncadd.s32 $0xFFFFC000  }
0xad: {  	[tilespmem:s18], [sflag:$0x1] =	stream.linear.gather [spmem:s9], $0x4000, $0x38;
	[tilespmem:$0x18400] =	vst v63  }
0xae: {  	_ =	swait.ge [sflag:s19], $0x4000  }
0xaf: {  	[sflag:s19] =	ssyncset.done $0x0  }
0xb0: {  	[sflag:s19] =	ssyncadd.s32 $0xFFFFC000  }
0xb1: {  	[hbm4b:s14+s3] =	stream.linear.scatter [tilespmem:s18], [sflag:$0x1], $0x4000, $0x38;
	[tilespmem:$0x18400] =	vst v63  }
0xb2: {  	_ =	swait.ge [sflag:s19], $0x4000  }
0xb3: {  	[sflag:s19] =	ssyncset.done $0x0  }
0xb4: {  	[sflag:s19] =	ssyncadd.s32 $0xFFFFC000  }
0xb5: {  	[tilespmem:s18], [sflag:$0x1] =	stream.linear.gather [spmem:s10], $0x4000, $0x38;
	[tilespmem:$0x18400] =	vst v63  }
0xb6: {  	_ =	swait.ge [sflag:s19], $0x4000  }
0xb7: {  	[sflag:s19] =	ssyncset.done $0x0  }
0xb8: {  	[sflag:s19] =	ssyncadd.s32 $0xFFFFC000  }
0xb9: {  	[hbm4b:s15+s3] =	stream.linear.scatter [tilespmem:s18], [sflag:$0x1], $0x4000, $0x38;
	[tilespmem:$0x18400] =	vst v63  }
0xba: {  	_ =	swait.ge [sflag:s19], $0x4000  }
0xbb: {  	[sflag:s19] =	ssyncset.done $0x0  }
0xbc: {  	[sflag:s19] =	ssyncadd.s32 $0xFFFFC000  }
0xbd: {  	[tilespmem:s18], [sflag:$0x1] =	stream.linear.gather [spmem:s11], $0x4000, $0x38;
	[tilespmem:$0x18400] =	vst v63  }
0xbe: {  	s30 =	sadd.s32 $0x1, s30;
	_ =	swait.ge [sflag:s19], $0x4000  }
0xbf: {  	p0 =	sne.s32 s30, s7;
	[sflag:s19] =	ssyncset.done $0x0  }
.Ltmp1:
0xc0: {  	[sflag:s19] =	ssyncadd.s32 $0xFFFFC000;
	(pc) =	sbr.rel @p0 .LBB2_1-.Ltmp1, $4  }
0xc1: {  	[hbm4b:s16+s3] =	stream.linear.scatter [tilespmem:s18], [sflag:$0x1], $0x4000, $0x38;
	[tilespmem:$0x18400] =	vst v63  }
0xc2: {  	_ =	swait.ge [sflag:s19], $0x4000  }
0xc3: {  	[sflag:s19] =	ssyncset.done $0x0  }
0xc4: {  	[sflag:s19] =	ssyncadd.s32 $0xFFFFC000  }
0xc5: {  	_ =	sfence.sel $0x180000  }
0xc6: {  	[bflag:$0x0] =	sbarrier.arrive $0xFFFF  }
0xc7: {  	_ =	strace $0x90000047  }
0xc8: {  	s0 =	stileid.u32;
	[bflag:$0x2] =	sbarrier.arrive $0xFFFF  }
0xc9: {  	p0 =	sne.s32 s0, $0x0;
	s0 =	rddreg [dreg:$0x2]  }
0xca: {  	s0 =	sadd.s32 @!p0 $0x100000, s0  }
0xcb: {  	[sflag:s0] =	ssyncadd.tile.s32 @!p0 $0x1;
	_ =	shalt  }
.Lfunc_end2:
_tile_overlayer_lowered:
.L_overlay_start_2:
0xcc: {  	(tag) =	ssettag $0x2  }
0xcd: {  	s0 =	rddreg [dreg:$0x0];
	s2 =	stileid.u32  }
0xce: {  	s1 =	rddreg [dreg:$0x1];
	p0 =	sne.s32 s2, $0x0  }
0xcf: {  	s3 =	rddreg [dreg:$0x2];
	[bflag:$0x3] =	sbarrier.arrive $0xFFFF;
	s2 =	simm.s32 @!p0 $0x1C01  }
0xd0: {  	[timem:s3], [sflag:s2] =	dma.local @!p0 [hbm:s0], s1  }
0xd1: {  	s0 =	simm.s32 @!p0 $0x1  }
0xd2: {  	_ =	swait.ge @!p0 [sflag:s0], s1  }
0xd3: {  	s1 =	ssub.s32 @!p0 $0x0, s1;
	[sflag:s0] =	ssyncset.done @!p0 $0x0  }
0xd4: {  	[sflag:s0] =	ssyncadd.s32 @!p0 s1  }
0xd5: {  	[bflag:$0x3] =	sbarrier.arrive $0xFFFF  }
0xd6: {  	_ =	shalt  }

</sc_bundles>
